<compile_context>
chip_gen: v7x
topology: tpu7x:2x2x1
jax: 0.10.2.dev20260603
libtpu: 0.0.44.dev20260713+nightly
codegen_flags: <defaults>
</compile_context>

<pallas_src>
import functools

import jax
import jax.numpy as jnp
from jax import lax
from jax.experimental import pallas as pl
from jax.experimental.pallas import tpu as pltpu
from jax.experimental.pallas import tpu_sc as plsc

NUM_IN = 1024
NUM_OUT = 1024
NUM_MID = 4096
FAN_IN = 16
BATCH = 1024

TJ = 512
NC, NS, L = 2, 16, 16
NW = NC * NS
JW = NUM_MID // NW



JWP = JW // 2


def _sbuild_body(wt_hbm, idxt_hbm, s_hbm, idx_v, w_v, fmerge, buf0, buf1,
                 sem0, sem1):
    sems = (sem0, sem1)
    bufs = (buf0, buf1)
    wid = lax.axis_index("s") * NC + lax.axis_index("c")
    base = wid * JW

    pltpu.sync_copy(idxt_hbm.at[:, pl.ds(base, JW)], idx_v)
    pltpu.sync_copy(wt_hbm.at[:, pl.ds(base, JW)], w_v)

    zero = jnp.zeros((L,), jnp.float32)
    izero = jnp.zeros((L,), jnp.int32)
    lane = lax.iota(jnp.int32, L)

    def zbody(i, c):
        fmerge[pl.ds(i * L, L)] = zero
        buf0[pl.ds(i * L, L)] = izero
        buf1[pl.ds(i * L, L)] = izero
        return c

    lax.fori_loop(0, NUM_MID // L, zbody, 0)

    def col_of(col, ref):
        return plsc.load_gather(ref, [lane, jnp.full((L,), col, jnp.int32)])

    def half_bits(col, h):
        idxv = col_of(col, idx_v)
        wv = col_of(col, w_v)
        plsc.addupdate_scatter(fmerge, [idxv], wv)
        wsum = plsc.load_gather(fmerge, [idxv])
        plsc.store_scatter(fmerge, [idxv], zero)
        dupc = izero
        for k2 in range(FAN_IN):
            ib = plsc.load_gather(
                idx_v, [jnp.full((L,), k2, jnp.int32),
                        jnp.full((L,), col, jnp.int32)])
            dupc = dupc + jnp.where(
                (idxv == ib) & (lane > k2), 1, 0).astype(jnp.int32)
        bits = plsc.bitcast(wsum, jnp.uint32)
        bits = (bits + 0x7FFF + ((bits >> 16) & 1)) >> 16
        if h:
            bits = bits << 16
        bits = jnp.where(dupc > 0, jnp.zeros((L,), jnp.uint32), bits)
        return idxv, plsc.bitcast(bits, jnp.int32)

    def rbody(r2, c):
        for p in range(2):
            r = 2 * r2 + p

            @pl.when(r2 > 0)
            def _():
                pltpu.make_async_copy(bufs[p], s_hbm.at[0], sems[p]).wait()
                for h in range(2):
                    oidx = col_of(2 * (r - 2) + h, idx_v)
                    plsc.store_scatter(bufs[p], [oidx], izero)

            for h in range(2):
                idxv, bits = half_bits(2 * r + h, h)
                plsc.addupdate_scatter(bufs[p], [idxv], bits)
            pltpu.make_async_copy(
                bufs[p], s_hbm.at[wid * JWP + r], sems[p]).start()
        return c

    lax.fori_loop(0, JWP // 2, rbody, 0)

    for p in range(2):
        pltpu.make_async_copy(bufs[p], s_hbm.at[0], sems[p]).wait()


_sbuild = pl.kernel(
    _sbuild_body,
    out_type=jax.ShapeDtypeStruct((NUM_MID // 2, NUM_MID), jnp.int32),
    mesh=plsc.VectorSubcoreMesh(core_axis_name="c", subcore_axis_name="s"),
    compiler_params=pltpu.CompilerParams(needs_layout_passes=False),
    scratch_types=[
        pltpu.VMEM((FAN_IN, JW), jnp.int32),
        pltpu.VMEM((FAN_IN, JW), jnp.float32),
        pltpu.VMEM((NUM_MID,), jnp.float32),
        pltpu.VMEM((NUM_MID,), jnp.int32),
        pltpu.VMEM((NUM_MID,), jnp.int32),
        pltpu.SemaphoreType.DMA,
        pltpu.SemaphoreType.DMA,
    ],
)



def _mm_in_body(x_ref, w_ref, b_ref, o_ref):
    acc = lax.dot_general(
        w_ref[...], x_ref[...], (((1,), (1,)), ((), ())),
        preferred_element_type=jnp.float32)
    o_ref[...] = jnp.maximum(
        acc + b_ref[...].reshape(-1, 1), 0.0).astype(jnp.bfloat16)


def _cond_mm_body(s_ref, a_ref, b_ref, o_ref):
    s16 = pltpu.bitcast(s_ref[...], jnp.bfloat16)
    acc = lax.dot_general(
        s16, a_ref[...], (((1,), (0,)), ((), ())),
        preferred_element_type=jnp.float32)
    o_ref[...] = jnp.maximum(
        acc + b_ref[...].reshape(-1, 1), 0.0).astype(jnp.bfloat16)


def _mm_out_body(a_ref, w_ref, b_ref, o_ref):
    w16 = w_ref[...].astype(jnp.bfloat16)
    acc = lax.dot_general(
        a_ref[...], w16, (((0,), (1,)), ((), ())),
        preferred_element_type=jnp.float32)
    o_ref[...] = acc + b_ref[...].reshape(1, -1)


def _mm_in(x, W_in, b_in):
    return pl.pallas_call(
        _mm_in_body,
        grid=(NUM_MID // TJ,),
        in_specs=[
            pl.BlockSpec((BATCH, NUM_IN), lambda i: (0, 0)),
            pl.BlockSpec((TJ, NUM_IN), lambda i: (i, 0)),
            pl.BlockSpec((1, TJ), lambda i: (0, i)),
        ],
        out_specs=pl.BlockSpec((TJ, BATCH), lambda i: (i, 0)),
        out_shape=jax.ShapeDtypeStruct((NUM_MID, BATCH), jnp.bfloat16),
    )(x, W_in, b_in.reshape(1, NUM_MID))


TJC = 512


def _cond_mm(s, a, b):
    return pl.pallas_call(
        _cond_mm_body,
        grid=(NUM_MID // TJC,),
        in_specs=[
            pl.BlockSpec((TJC // 2, NUM_MID), lambda i: (i, 0)),
            pl.BlockSpec((NUM_MID, BATCH), lambda i: (0, 0)),
            pl.BlockSpec((1, TJC), lambda i: (0, i)),
        ],
        out_specs=pl.BlockSpec((TJC, BATCH), lambda i: (i, 0)),
        out_shape=jax.ShapeDtypeStruct((NUM_MID, BATCH), jnp.bfloat16),
    )(s, a, b.reshape(1, NUM_MID))


def _mm_out(a, W_out, b_out):
    return pl.pallas_call(
        _mm_out_body,
        grid=(NUM_OUT // TJ,),
        in_specs=[
            pl.BlockSpec((NUM_MID, BATCH), lambda i: (0, 0)),
            pl.BlockSpec((TJ, NUM_MID), lambda i: (i, 0)),
            pl.BlockSpec((1, TJ), lambda i: (0, i)),
        ],
        out_specs=pl.BlockSpec((BATCH, TJ), lambda i: (0, i)),
        out_shape=jax.ShapeDtypeStruct((BATCH, NUM_OUT), jnp.float32),
    )(a, W_out, b_out.reshape(1, NUM_OUT))


@jax.jit
def kernel(x, W_in, b_in, W_mid0, b_mid0, W_mid1, b_mid1, W_out, b_out,
           indx_seqs):
    idx_t = indx_seqs.T
    s0 = _sbuild(W_mid0.T, idx_t)
    s1 = _sbuild(W_mid1.T, idx_t)
    a = _mm_in(x, W_in, b_in)
    a = _cond_mm(s0, a, b_mid0)
    a = _cond_mm(s1, a, b_mid1)
    return _mm_out(a, W_out, b_out)

# --- scband reference (transcript-rebuilt; emitter-appended) ---
"""Pipeline reference for scband-cond-net-17016660427311 (READ-ONLY COPY).

The authoritative reference and input builder live on the scoring server;
editing this copy changes nothing except your own understanding.
"""

import jax, jax.numpy as jnp
import numpy as np

NUM_IN = 1024
NUM_OUT = 1024
NUM_MID = 4096
FAN_IN = 16
BATCH = 1024


def setup_inputs(seed: int = 0) -> dict:
    key = jax.random.key(seed)
    ks = jax.random.split(key, 12)
    x = jax.random.normal(ks[0], (BATCH, NUM_IN), dtype=jnp.float32)
    # index sequences: for each of NUM_MID output units, FAN_IN input indices in [0, NUM_MID)
    indx_seqs = jax.random.randint(ks[1], (NUM_MID, FAN_IN), 0, NUM_MID, dtype=jnp.int32)
    # dense in layer: [NUM_MID, NUM_IN], init normal std = 1/sqrt(fan_in_dim)
    W_in = jax.random.normal(ks[2], (NUM_MID, NUM_IN), dtype=jnp.float32) / np.sqrt(NUM_IN)
    b_in = jax.random.normal(ks[3], (NUM_MID,), dtype=jnp.float32) / np.sqrt(NUM_IN)
    # condensed mid layers: weight [NUM_MID, FAN_IN], std = 1/sqrt(FAN_IN)
    W_mid0 = jax.random.normal(ks[4], (NUM_MID, FAN_IN), dtype=jnp.float32) / np.sqrt(FAN_IN)
    b_mid0 = jax.random.normal(ks[5], (NUM_MID,), dtype=jnp.float32) / np.sqrt(FAN_IN)
    W_mid1 = jax.random.normal(ks[6], (NUM_MID, FAN_IN), dtype=jnp.float32) / np.sqrt(FAN_IN)
    b_mid1 = jax.random.normal(ks[7], (NUM_MID,), dtype=jnp.float32) / np.sqrt(FAN_IN)
    # dense out layer: [NUM_OUT, NUM_MID]
    W_out = jax.random.normal(ks[8], (NUM_OUT, NUM_MID), dtype=jnp.float32) / np.sqrt(NUM_MID)
    b_out = jax.random.normal(ks[9], (NUM_OUT,), dtype=jnp.float32) / np.sqrt(NUM_MID)
    return {"x": x, "W_in": W_in, "b_in": b_in, "W_mid0": W_mid0, "b_mid0": b_mid0,
            "W_mid1": W_mid1, "b_mid1": b_mid1, "W_out": W_out, "b_out": b_out,
            "indx_seqs": indx_seqs}


def _cond_layer(out, W, b, indx_seqs):
    # gather: out[:, indx_seqs] -> [B, NUM_MID, FAN_IN]
    gathered = jnp.take(out, indx_seqs, axis=1)
    return jnp.sum(W[None, :, :] * gathered, axis=2) + b


def reference(x, W_in, b_in, W_mid0, b_mid0, W_mid1, b_mid1, W_out, b_out, indx_seqs):
    out = x @ W_in.T + b_in
    out = jax.nn.relu(out)
    out = _cond_layer(out, W_mid0, b_mid0, indx_seqs)
    out = jax.nn.relu(out)
    out = _cond_layer(out, W_mid1, b_mid1, indx_seqs)
    out = jax.nn.relu(out)
    out = out @ W_out.T + b_out
    return out

if __name__ == "__main__":
    import jax
    _d = setup_inputs()
    print(jax.jit(kernel)(*tuple(_d.values())))

</pallas_src>

<mosaic_0001>
#map = affine_map<(d0, d1) -> (0, 0)>
module attributes {stable_mosaic.version = 14 : i64} {
  func.func @_sbuild_body(%arg0: i32, %arg1: i32, %arg2: memref<16x4096xf32, #tpu.memory_space<hbm>>, %arg3: memref<16x4096xi32, #tpu.memory_space<hbm>>, %arg4: memref<2048x4096xi32, #tpu.memory_space<hbm>>, %arg5: memref<16x128xi32, #tpu.memory_space<vmem>>, %arg6: memref<16x128xf32, #tpu.memory_space<vmem>>, %arg7: memref<4096xf32, #tpu.memory_space<vmem>>, %arg8: memref<4096xi32, #tpu.memory_space<vmem>>, %arg9: memref<4096xi32, #tpu.memory_space<vmem>>, %arg10: memref<!tpu.dma_semaphore, #tpu.memory_space<semaphore_mem>>, %arg11: memref<!tpu.dma_semaphore, #tpu.memory_space<semaphore_mem>>) attributes {dimension_semantics = [#tpu.dimension_semantics<core_parallel>, #tpu.dimension_semantics<subcore_parallel>], iteration_bounds = array<i64: 2, 16>, scalar_prefetch = 0 : i64, scratch_operands = 7 : i64, tpu.core_type = #tpu.core_type<sc_vector_subcore>, window_params = [{transform_indices = #map}, {transform_indices = #map}, {transform_indices = #map}]} {
    %mul3A = arith.constant 2 : i32
    %mul3A_0 = arith.muli %arg1, %mul3A : i32
    %add3A = arith.addi %mul3A_0, %arg0 : i32
    %mul3A_1 = arith.constant 128 : i32
    %mul3A_2 = arith.muli %add3A, %mul3A_1 : i32
    "tpu.region"() ({
      %run_scoped3A = tpu.sem_alloc : memref<!tpu.dma_semaphore, #tpu.memory_space<semaphore_mem>>
      %dma_start3A = arith.constant 0 : i32
      %dma_start3A_30 = tpu.memref_slice %arg3[%dma_start3A, %mul3A_2] : memref<16x4096xi32, #tpu.memory_space<hbm>> -> memref<16x128xi32, #tpu.memory_space<hbm>>
      %dma_start3A_31 = arith.constant 0 : i32
      %dma_start3A_32 = tpu.memref_slice %arg3[%dma_start3A_31, %mul3A_2] : memref<16x4096xi32, #tpu.memory_space<hbm>> -> memref<16x128xi32, #tpu.memory_space<hbm>>
      tpu.enqueue_dma source(%dma_start3A_32 : memref<16x128xi32, #tpu.memory_space<hbm>>) target(%arg5 : memref<16x128xi32, #tpu.memory_space<vmem>>) target_semaphore(%run_scoped3A : memref<!tpu.dma_semaphore, #tpu.memory_space<semaphore_mem>>)
      %dma_wait3A_33 = arith.constant 0 : i32
      %dma_wait3A_34 = tpu.memref_slice %arg3[%dma_wait3A_33, %mul3A_2] : memref<16x4096xi32, #tpu.memory_space<hbm>> -> memref<16x128xi32, #tpu.memory_space<hbm>>
      %dma_wait3A_35 = arith.constant 0 : i32
      %dma_wait3A_36 = tpu.memref_slice %arg3[%dma_wait3A_35, %mul3A_2] : memref<16x4096xi32, #tpu.memory_space<hbm>> -> memref<16x128xi32, #tpu.memory_space<hbm>>
      tpu.wait_dma2 semaphore(%run_scoped3A : memref<!tpu.dma_semaphore, #tpu.memory_space<semaphore_mem>>) src(%dma_wait3A_36 : memref<16x128xi32, #tpu.memory_space<hbm>>) dst(%arg5 : memref<16x128xi32, #tpu.memory_space<vmem>>)
      tpu.yield
    }) : () -> ()
    "tpu.region"() ({
      %run_scoped3A = tpu.sem_alloc : memref<!tpu.dma_semaphore, #tpu.memory_space<semaphore_mem>>
      %dma_start3A = arith.constant 0 : i32
      %dma_start3A_30 = tpu.memref_slice %arg2[%dma_start3A, %mul3A_2] : memref<16x4096xf32, #tpu.memory_space<hbm>> -> memref<16x128xf32, #tpu.memory_space<hbm>>
      %dma_start3A_31 = arith.constant 0 : i32
      %dma_start3A_32 = tpu.memref_slice %arg2[%dma_start3A_31, %mul3A_2] : memref<16x4096xf32, #tpu.memory_space<hbm>> -> memref<16x128xf32, #tpu.memory_space<hbm>>
      tpu.enqueue_dma source(%dma_start3A_32 : memref<16x128xf32, #tpu.memory_space<hbm>>) target(%arg6 : memref<16x128xf32, #tpu.memory_space<vmem>>) target_semaphore(%run_scoped3A : memref<!tpu.dma_semaphore, #tpu.memory_space<semaphore_mem>>)
      %dma_wait3A_33 = arith.constant 0 : i32
      %dma_wait3A_34 = tpu.memref_slice %arg2[%dma_wait3A_33, %mul3A_2] : memref<16x4096xf32, #tpu.memory_space<hbm>> -> memref<16x128xf32, #tpu.memory_space<hbm>>
      %dma_wait3A_35 = arith.constant 0 : i32
      %dma_wait3A_36 = tpu.memref_slice %arg2[%dma_wait3A_35, %mul3A_2] : memref<16x4096xf32, #tpu.memory_space<hbm>> -> memref<16x128xf32, #tpu.memory_space<hbm>>
      tpu.wait_dma2 semaphore(%run_scoped3A : memref<!tpu.dma_semaphore, #tpu.memory_space<semaphore_mem>>) src(%dma_wait3A_36 : memref<16x128xf32, #tpu.memory_space<hbm>>) dst(%arg6 : memref<16x128xf32, #tpu.memory_space<vmem>>)
      tpu.yield
    }) : () -> ()
    %broadcast_in_dim3A = arith.constant 0.000000e+00 : f32
    %broadcast_in_dim3A_3 = vector.broadcast %broadcast_in_dim3A : f32 to vector<16xf32>
    %broadcast_in_dim3A_4 = arith.constant 0 : i32
    %broadcast_in_dim3A_5 = vector.broadcast %broadcast_in_dim3A_4 : i32 to vector<16xi32>
    %iota3A = tpu.iota {dimensions = array<i32: 0>} : vector<16xi32>
    %scan3A = arith.constant 0 : i32
    %scan3A_6 = arith.constant 0 : i32
    %scan3A_7 = arith.constant 256 : i32
    %scan3A_8 = arith.addi %scan3A_6, %scan3A_7 : i32
    %scan3A_9 = arith.constant 1 : i32
    scf.for %scan3A_30 = %scan3A_6 to %scan3A_8 step %scan3A_9  : i32 {
      %mul3A_31 = arith.constant 16 : i32
      %mul3A_32 = arith.muli %scan3A_30, %mul3A_31 : i32
      %swap3A = arith.index_cast %mul3A_32 : i32 to index
      %swap3A_33 = tpu.vector_load %arg7[%swap3A] {strides = array<i32>} : memref<4096xf32, #tpu.memory_space<vmem>>, vector<16xf32>,
      tpu.vector_store %arg7[%swap3A], %broadcast_in_dim3A_3 {strides = array<i32>} : memref<4096xf32, #tpu.memory_space<vmem>>, vector<16xf32>,
      %mul3A_34 = arith.constant 16 : i32
      %mul3A_35 = arith.muli %scan3A_30, %mul3A_34 : i32
      %swap3A_36 = arith.index_cast %mul3A_35 : i32 to index
      %swap3A_37 = tpu.vector_load %arg8[%swap3A_36] {strides = array<i32>} : memref<4096xi32, #tpu.memory_space<vmem>>, vector<16xi32>,
      tpu.vector_store %arg8[%swap3A_36], %broadcast_in_dim3A_5 {strides = array<i32>} : memref<4096xi32, #tpu.memory_space<vmem>>, vector<16xi32>,
      %mul3A_38 = arith.constant 16 : i32
      %mul3A_39 = arith.muli %scan3A_30, %mul3A_38 : i32
      %swap3A_40 = arith.index_cast %mul3A_39 : i32 to index
      %swap3A_41 = tpu.vector_load %arg9[%swap3A_40] {strides = array<i32>} : memref<4096xi32, #tpu.memory_space<vmem>>, vector<16xi32>,
      tpu.vector_store %arg9[%swap3A_40], %broadcast_in_dim3A_5 {strides = array<i32>} : memref<4096xi32, #tpu.memory_space<vmem>>, vector<16xi32>,
    }
    %scan3A_10 = arith.constant 256 : i32
    %scan3A_11 = arith.constant 0 : i32
    %scan3A_12 = arith.constant 0 : i32
    %scan3A_13 = arith.constant 32 : i32
    %scan3A_14 = arith.addi %scan3A_12, %scan3A_13 : i32
    %scan3A_15 = arith.constant 1 : i32
    scf.for %scan3A_30 = %scan3A_12 to %scan3A_14 step %scan3A_15  : i32 {
      %mul3A_31 = arith.constant 2 : i32
      %mul3A_32 = arith.muli %mul3A_31, %scan3A_30 : i32
      %add3A_33 = arith.constant 0 : i32
      %add3A_34 = arith.addi %mul3A_32, %add3A_33 : i32
      %gt3A = arith.constant 0 : i32
      %gt3A_35 = arith.cmpi sgt, %scan3A_30, %gt3A : i32
      %convert_element_type3A = arith.extui %gt3A_35 : i1 to i32
      %cond3A = arith.constant 0 : i32
      %cond3A_36 = arith.cmpi ne, %convert_element_type3A, %cond3A : i32
      scf.if %cond3A_36 {
        %dma_wait3A_1141 = arith.constant 0 : i32
        %dma_wait3A_1142 = arith.constant 0 : i32
        %dma_wait3A_1143 = tpu.memref_slice %arg4[%dma_wait3A_1141, %dma_wait3A_1142] : memref<2048x4096xi32, #tpu.memory_space<hbm>> -> memref<1x4096xi32, #tpu.memory_space<hbm>>
        %dma_wait3A_1144 = tpu.memref_squeeze %dma_wait3A_1143 : memref<1x4096xi32, #tpu.memory_space<hbm>> -> memref<4096xi32, #tpu.memory_space<hbm>>
        %dma_wait3A_1145 = arith.constant 0 : i32
        %dma_wait3A_1146 = tpu.memref_slice %arg4[%dma_wait3A_1141, %dma_wait3A_1145] : memref<2048x4096xi32, #tpu.memory_space<hbm>> -> memref<1x4096xi32, #tpu.memory_space<hbm>>
        %dma_wait3A_1147 = tpu.memref_squeeze %dma_wait3A_1146 : memref<1x4096xi32, #tpu.memory_space<hbm>> -> memref<4096xi32, #tpu.memory_space<hbm>>
        tpu.wait_dma2 semaphore(%arg10 : memref<!tpu.dma_semaphore, #tpu.memory_space<semaphore_mem>>) src(%arg8 : memref<4096xi32, #tpu.memory_space<vmem>>) dst(%dma_wait3A_1147 : memref<4096xi32, #tpu.memory_space<hbm>>)
        %sub3A = arith.constant 2 : i32
        %sub3A_1148 = arith.subi %add3A_34, %sub3A : i32
        %mul3A_1149 = arith.constant 2 : i32
        %mul3A_1150 = arith.muli %mul3A_1149, %sub3A_1148 : i32
        %add3A_1151 = arith.constant 0 : i32
        %add3A_1152 = arith.addi %mul3A_1150, %add3A_1151 : i32
        %broadcast_in_dim3A_1153 = vector.broadcast %add3A_1152 : i32 to vector<16xi32>
        %gather3A_1154 = tpu.vector_load_idx %arg5[%iota3A, %broadcast_in_dim3A_1153] : memref<16x128xi32, #tpu.memory_space<vmem>>[vector<16xi32>, vector<16xi32>], vector<16xi32>,
        tpu.vector_store_idx %arg8[%gather3A_1154], %broadcast_in_dim3A_5 : memref<4096xi32, #tpu.memory_space<vmem>>[vector<16xi32>], vector<16xi32>,
        %sub3A_1155 = arith.constant 2 : i32
        %sub3A_1156 = arith.subi %add3A_34, %sub3A_1155 : i32
        %mul3A_1157 = arith.constant 2 : i32
        %mul3A_1158 = arith.muli %mul3A_1157, %sub3A_1156 : i32
        %add3A_1159 = arith.constant 1 : i32
        %add3A_1160 = arith.addi %mul3A_1158, %add3A_1159 : i32
        %broadcast_in_dim3A_1161 = vector.broadcast %add3A_1160 : i32 to vector<16xi32>
        %gather3A_1162 = tpu.vector_load_idx %arg5[%iota3A, %broadcast_in_dim3A_1161] : memref<16x128xi32, #tpu.memory_space<vmem>>[vector<16xi32>, vector<16xi32>], vector<16xi32>,
        tpu.vector_store_idx %arg8[%gather3A_1162], %broadcast_in_dim3A_5 : memref<4096xi32, #tpu.memory_space<vmem>>[vector<16xi32>], vector<16xi32>,
      } else {
      }
      %mul3A_37 = arith.constant 2 : i32
      %mul3A_38 = arith.muli %mul3A_37, %add3A_34 : i32
      %add3A_39 = arith.constant 0 : i32
      %add3A_40 = arith.addi %mul3A_38, %add3A_39 : i32
      %broadcast_in_dim3A_41 = vector.broadcast %add3A_40 : i32 to vector<16xi32>
      %gather3A = tpu.vector_load_idx %arg5[%iota3A, %broadcast_in_dim3A_41] : memref<16x128xi32, #tpu.memory_space<vmem>>[vector<16xi32>, vector<16xi32>], vector<16xi32>,
      %broadcast_in_dim3A_42 = vector.broadcast %add3A_40 : i32 to vector<16xi32>
      %gather3A_43 = tpu.vector_load_idx %arg6[%iota3A, %broadcast_in_dim3A_42] : memref<16x128xf32, #tpu.memory_space<vmem>>[vector<16xi32>, vector<16xi32>], vector<16xf32>,
      tpu.vector_store_idx %arg7[%gather3A], %gather3A_43 {add = true} : memref<4096xf32, #tpu.memory_space<vmem>>[vector<16xi32>], vector<16xf32>,
      %gather3A_44 = tpu.vector_load_idx %arg7[%gather3A] : memref<4096xf32, #tpu.memory_space<vmem>>[vector<16xi32>], vector<16xf32>,
      tpu.vector_store_idx %arg7[%gather3A], %broadcast_in_dim3A_3 : memref<4096xf32, #tpu.memory_space<vmem>>[vector<16xi32>], vector<16xf32>,
      %broadcast_in_dim3A_45 = arith.constant 0 : i32
      %broadcast_in_dim3A_46 = vector.broadcast %broadcast_in_dim3A_45 : i32 to vector<16xi32>
      %broadcast_in_dim3A_47 = vector.broadcast %add3A_40 : i32 to vector<16xi32>
      %gather3A_48 = tpu.vector_load_idx %arg5[%broadcast_in_dim3A_46, %broadcast_in_dim3A_47] : memref<16x128xi32, #tpu.memory_space<vmem>>[vector<16xi32>, vector<16xi32>], vector<16xi32>,
      %eq3A = arith.cmpi eq, %gather3A, %gather3A_48 : vector<16xi32>
      %gt3A_49 = arith.constant 0 : i32
      %gt3A_50 = vector.broadcast %gt3A_49 : i32 to vector<16xi32>
      %gt3A_51 = arith.cmpi sgt, %iota3A, %gt3A_50 : vector<16xi32>
      %and3A = arith.andi %eq3A, %gt3A_51 : vector<16xi1>
      %jit3A = arith.constant 1 : i32
      %jit3A_52 = arith.constant 0 : i32
      %broadcast_in_dim3A_53 = vector.broadcast %jit3A : i32 to vector<16xi32>
      %broadcast_in_dim3A_54 = vector.broadcast %jit3A_52 : i32 to vector<16xi32>
      %select_n3A = arith.select %and3A, %broadcast_in_dim3A_53, %broadcast_in_dim3A_54 : vector<16xi1>, vector<16xi32>
      %add3A_55 = arith.addi %broadcast_in_dim3A_5, %select_n3A : vector<16xi32>
      %broadcast_in_dim3A_56 = arith.constant 1 : i32
      %broadcast_in_dim3A_57 = vector.broadcast %broadcast_in_dim3A_56 : i32 to vector<16xi32>
      %broadcast_in_dim3A_58 = vector.broadcast %add3A_40 : i32 to vector<16xi32>
      %gather3A_59 = tpu.vector_load_idx %arg5[%broadcast_in_dim3A_57, %broadcast_in_dim3A_58] : memref<16x128xi32, #tpu.memory_space<vmem>>[vector<16xi32>, vector<16xi32>], vector<16xi32>,
      %eq3A_60 = arith.cmpi eq, %gather3A, %gather3A_59 : vector<16xi32>
      %gt3A_61 = arith.constant 1 : i32
      %gt3A_62 = vector.broadcast %gt3A_61 : i32 to vector<16xi32>
      %gt3A_63 = arith.cmpi sgt, %iota3A, %gt3A_62 : vector<16xi32>
      %and3A_64 = arith.andi %eq3A_60, %gt3A_63 : vector<16xi1>
      %jit3A_65 = arith.constant 1 : i32
      %jit3A_66 = arith.constant 0 : i32
      %broadcast_in_dim3A_67 = vector.broadcast %jit3A_65 : i32 to vector<16xi32>
      %broadcast_in_dim3A_68 = vector.broadcast %jit3A_66 : i32 to vector<16xi32>
      %select_n3A_69 = arith.select %and3A_64, %broadcast_in_dim3A_67, %broadcast_in_dim3A_68 : vector<16xi1>, vector<16xi32>
      %add3A_70 = arith.addi %add3A_55, %select_n3A_69 : vector<16xi32>
      %broadcast_in_dim3A_71 = arith.constant 2 : i32
      %broadcast_in_dim3A_72 = vector.broadcast %broadcast_in_dim3A_71 : i32 to vector<16xi32>
      %broadcast_in_dim3A_73 = vector.broadcast %add3A_40 : i32 to vector<16xi32>
      %gather3A_74 = tpu.vector_load_idx %arg5[%broadcast_in_dim3A_72, %broadcast_in_dim3A_73] : memref<16x128xi32, #tpu.memory_space<vmem>>[vector<16xi32>, vector<16xi32>], vector<16xi32>,
      %eq3A_75 = arith.cmpi eq, %gather3A, %gather3A_74 : vector<16xi32>
      %gt3A_76 = arith.constant 2 : i32
      %gt3A_77 = vector.broadcast %gt3A_76 : i32 to vector<16xi32>
      %gt3A_78 = arith.cmpi sgt, %iota3A, %gt3A_77 : vector<16xi32>
      %and3A_79 = arith.andi %eq3A_75, %gt3A_78 : vector<16xi1>
      %jit3A_80 = arith.constant 1 : i32
      %jit3A_81 = arith.constant 0 : i32
      %broadcast_in_dim3A_82 = vector.broadcast %jit3A_80 : i32 to vector<16xi32>
      %broadcast_in_dim3A_83 = vector.broadcast %jit3A_81 : i32 to vector<16xi32>
      %select_n3A_84 = arith.select %and3A_79, %broadcast_in_dim3A_82, %broadcast_in_dim3A_83 : vector<16xi1>, vector<16xi32>
      %add3A_85 = arith.addi %add3A_70, %select_n3A_84 : vector<16xi32>
      %broadcast_in_dim3A_86 = arith.constant 3 : i32
      %broadcast_in_dim3A_87 = vector.broadcast %broadcast_in_dim3A_86 : i32 to vector<16xi32>
      %broadcast_in_dim3A_88 = vector.broadcast %add3A_40 : i32 to vector<16xi32>
      %gather3A_89 = tpu.vector_load_idx %arg5[%broadcast_in_dim3A_87, %broadcast_in_dim3A_88] : memref<16x128xi32, #tpu.memory_space<vmem>>[vector<16xi32>, vector<16xi32>], vector<16xi32>,
      %eq3A_90 = arith.cmpi eq, %gather3A, %gather3A_89 : vector<16xi32>
      %gt3A_91 = arith.constant 3 : i32
      %gt3A_92 = vector.broadcast %gt3A_91 : i32 to vector<16xi32>
      %gt3A_93 = arith.cmpi sgt, %iota3A, %gt3A_92 : vector<16xi32>
      %and3A_94 = arith.andi %eq3A_90, %gt3A_93 : vector<16xi1>
      %jit3A_95 = arith.constant 1 : i32
      %jit3A_96 = arith.constant 0 : i32
      %broadcast_in_dim3A_97 = vector.broadcast %jit3A_95 : i32 to vector<16xi32>
      %broadcast_in_dim3A_98 = vector.broadcast %jit3A_96 : i32 to vector<16xi32>
      %select_n3A_99 = arith.select %and3A_94, %broadcast_in_dim3A_97, %broadcast_in_dim3A_98 : vector<16xi1>, vector<16xi32>
      %add3A_100 = arith.addi %add3A_85, %select_n3A_99 : vector<16xi32>
      %broadcast_in_dim3A_101 = arith.constant 4 : i32
      %broadcast_in_dim3A_102 = vector.broadcast %broadcast_in_dim3A_101 : i32 to vector<16xi32>
      %broadcast_in_dim3A_103 = vector.broadcast %add3A_40 : i32 to vector<16xi32>
      %gather3A_104 = tpu.vector_load_idx %arg5[%broadcast_in_dim3A_102, %broadcast_in_dim3A_103] : memref<16x128xi32, #tpu.memory_space<vmem>>[vector<16xi32>, vector<16xi32>], vector<16xi32>,
      %eq3A_105 = arith.cmpi eq, %gather3A, %gather3A_104 : vector<16xi32>
      %gt3A_106 = arith.constant 4 : i32
      %gt3A_107 = vector.broadcast %gt3A_106 : i32 to vector<16xi32>
      %gt3A_108 = arith.cmpi sgt, %iota3A, %gt3A_107 : vector<16xi32>
      %and3A_109 = arith.andi %eq3A_105, %gt3A_108 : vector<16xi1>
      %jit3A_110 = arith.constant 1 : i32
      %jit3A_111 = arith.constant 0 : i32
      %broadcast_in_dim3A_112 = vector.broadcast %jit3A_110 : i32 to vector<16xi32>
      %broadcast_in_dim3A_113 = vector.broadcast %jit3A_111 : i32 to vector<16xi32>
      %select_n3A_114 = arith.select %and3A_109, %broadcast_in_dim3A_112, %broadcast_in_dim3A_113 : vector<16xi1>, vector<16xi32>
      %add3A_115 = arith.addi %add3A_100, %select_n3A_114 : vector<16xi32>
      %broadcast_in_dim3A_116 = arith.constant 5 : i32
      %broadcast_in_dim3A_117 = vector.broadcast %broadcast_in_dim3A_116 : i32 to vector<16xi32>
      %broadcast_in_dim3A_118 = vector.broadcast %add3A_40 : i32 to vector<16xi32>
      %gather3A_119 = tpu.vector_load_idx %arg5[%broadcast_in_dim3A_117, %broadcast_in_dim3A_118] : memref<16x128xi32, #tpu.memory_space<vmem>>[vector<16xi32>, vector<16xi32>], vector<16xi32>,
      %eq3A_120 = arith.cmpi eq, %gather3A, %gather3A_119 : vector<16xi32>
      %gt3A_121 = arith.constant 5 : i32
      %gt3A_122 = vector.broadcast %gt3A_121 : i32 to vector<16xi32>
      %gt3A_123 = arith.cmpi sgt, %iota3A, %gt3A_122 : vector<16xi32>
      %and3A_124 = arith.andi %eq3A_120, %gt3A_123 : vector<16xi1>
      %jit3A_125 = arith.constant 1 : i32
      %jit3A_126 = arith.constant 0 : i32
      %broadcast_in_dim3A_127 = vector.broadcast %jit3A_125 : i32 to vector<16xi32>
      %broadcast_in_dim3A_128 = vector.broadcast %jit3A_126 : i32 to vector<16xi32>
      %select_n3A_129 = arith.select %and3A_124, %broadcast_in_dim3A_127, %broadcast_in_dim3A_128 : vector<16xi1>, vector<16xi32>
      %add3A_130 = arith.addi %add3A_115, %select_n3A_129 : vector<16xi32>
      %broadcast_in_dim3A_131 = arith.constant 6 : i32
      %broadcast_in_dim3A_132 = vector.broadcast %broadcast_in_dim3A_131 : i32 to vector<16xi32>
      %broadcast_in_dim3A_133 = vector.broadcast %add3A_40 : i32 to vector<16xi32>
      %gather3A_134 = tpu.vector_load_idx %arg5[%broadcast_in_dim3A_132, %broadcast_in_dim3A_133] : memref<16x128xi32, #tpu.memory_space<vmem>>[vector<16xi32>, vector<16xi32>], vector<16xi32>,
      %eq3A_135 = arith.cmpi eq, %gather3A, %gather3A_134 : vector<16xi32>
      %gt3A_136 = arith.constant 6 : i32
      %gt3A_137 = vector.broadcast %gt3A_136 : i32 to vector<16xi32>
      %gt3A_138 = arith.cmpi sgt, %iota3A, %gt3A_137 : vector<16xi32>
      %and3A_139 = arith.andi %eq3A_135, %gt3A_138 : vector<16xi1>
      %jit3A_140 = arith.constant 1 : i32
      %jit3A_141 = arith.constant 0 : i32
      %broadcast_in_dim3A_142 = vector.broadcast %jit3A_140 : i32 to vector<16xi32>
      %broadcast_in_dim3A_143 = vector.broadcast %jit3A_141 : i32 to vector<16xi32>
      %select_n3A_144 = arith.select %and3A_139, %broadcast_in_dim3A_142, %broadcast_in_dim3A_143 : vector<16xi1>, vector<16xi32>
      %add3A_145 = arith.addi %add3A_130, %select_n3A_144 : vector<16xi32>
      %broadcast_in_dim3A_146 = arith.constant 7 : i32
      %broadcast_in_dim3A_147 = vector.broadcast %broadcast_in_dim3A_146 : i32 to vector<16xi32>
      %broadcast_in_dim3A_148 = vector.broadcast %add3A_40 : i32 to vector<16xi32>
      %gather3A_149 = tpu.vector_load_idx %arg5[%broadcast_in_dim3A_147, %broadcast_in_dim3A_148] : memref<16x128xi32, #tpu.memory_space<vmem>>[vector<16xi32>, vector<16xi32>], vector<16xi32>,
      %eq3A_150 = arith.cmpi eq, %gather3A, %gather3A_149 : vector<16xi32>
      %gt3A_151 = arith.constant 7 : i32
      %gt3A_152 = vector.broadcast %gt3A_151 : i32 to vector<16xi32>
      %gt3A_153 = arith.cmpi sgt, %iota3A, %gt3A_152 : vector<16xi32>
      %and3A_154 = arith.andi %eq3A_150, %gt3A_153 : vector<16xi1>
      %jit3A_155 = arith.constant 1 : i32
      %jit3A_156 = arith.constant 0 : i32
      %broadcast_in_dim3A_157 = vector.broadcast %jit3A_155 : i32 to vector<16xi32>
      %broadcast_in_dim3A_158 = vector.broadcast %jit3A_156 : i32 to vector<16xi32>
      %select_n3A_159 = arith.select %and3A_154, %broadcast_in_dim3A_157, %broadcast_in_dim3A_158 : vector<16xi1>, vector<16xi32>
      %add3A_160 = arith.addi %add3A_145, %select_n3A_159 : vector<16xi32>
      %broadcast_in_dim3A_161 = arith.constant 8 : i32
      %broadcast_in_dim3A_162 = vector.broadcast %broadcast_in_dim3A_161 : i32 to vector<16xi32>
      %broadcast_in_dim3A_163 = vector.broadcast %add3A_40 : i32 to vector<16xi32>
      %gather3A_164 = tpu.vector_load_idx %arg5[%broadcast_in_dim3A_162, %broadcast_in_dim3A_163] : memref<16x128xi32, #tpu.memory_space<vmem>>[vector<16xi32>, vector<16xi32>], vector<16xi32>,
      %eq3A_165 = arith.cmpi eq, %gather3A, %gather3A_164 : vector<16xi32>
      %gt3A_166 = arith.constant 8 : i32
      %gt3A_167 = vector.broadcast %gt3A_166 : i32 to vector<16xi32>
      %gt3A_168 = arith.cmpi sgt, %iota3A, %gt3A_167 : vector<16xi32>
      %and3A_169 = arith.andi %eq3A_165, %gt3A_168 : vector<16xi1>
      %jit3A_170 = arith.constant 1 : i32
      %jit3A_171 = arith.constant 0 : i32
      %broadcast_in_dim3A_172 = vector.broadcast %jit3A_170 : i32 to vector<16xi32>
      %broadcast_in_dim3A_173 = vector.broadcast %jit3A_171 : i32 to vector<16xi32>
      %select_n3A_174 = arith.select %and3A_169, %broadcast_in_dim3A_172, %broadcast_in_dim3A_173 : vector<16xi1>, vector<16xi32>
      %add3A_175 = arith.addi %add3A_160, %select_n3A_174 : vector<16xi32>
      %broadcast_in_dim3A_176 = arith.constant 9 : i32
      %broadcast_in_dim3A_177 = vector.broadcast %broadcast_in_dim3A_176 : i32 to vector<16xi32>
      %broadcast_in_dim3A_178 = vector.broadcast %add3A_40 : i32 to vector<16xi32>
      %gather3A_179 = tpu.vector_load_idx %arg5[%broadcast_in_dim3A_177, %broadcast_in_dim3A_178] : memref<16x128xi32, #tpu.memory_space<vmem>>[vector<16xi32>, vector<16xi32>], vector<16xi32>,
      %eq3A_180 = arith.cmpi eq, %gather3A, %gather3A_179 : vector<16xi32>
      %gt3A_181 = arith.constant 9 : i32
      %gt3A_182 = vector.broadcast %gt3A_181 : i32 to vector<16xi32>
      %gt3A_183 = arith.cmpi sgt, %iota3A, %gt3A_182 : vector<16xi32>
      %and3A_184 = arith.andi %eq3A_180, %gt3A_183 : vector<16xi1>
      %jit3A_185 = arith.constant 1 : i32
      %jit3A_186 = arith.constant 0 : i32
      %broadcast_in_dim3A_187 = vector.broadcast %jit3A_185 : i32 to vector<16xi32>
      %broadcast_in_dim3A_188 = vector.broadcast %jit3A_186 : i32 to vector<16xi32>
      %select_n3A_189 = arith.select %and3A_184, %broadcast_in_dim3A_187, %broadcast_in_dim3A_188 : vector<16xi1>, vector<16xi32>
      %add3A_190 = arith.addi %add3A_175, %select_n3A_189 : vector<16xi32>
      %broadcast_in_dim3A_191 = arith.constant 10 : i32
      %broadcast_in_dim3A_192 = vector.broadcast %broadcast_in_dim3A_191 : i32 to vector<16xi32>
      %broadcast_in_dim3A_193 = vector.broadcast %add3A_40 : i32 to vector<16xi32>
      %gather3A_194 = tpu.vector_load_idx %arg5[%broadcast_in_dim3A_192, %broadcast_in_dim3A_193] : memref<16x128xi32, #tpu.memory_space<vmem>>[vector<16xi32>, vector<16xi32>], vector<16xi32>,
      %eq3A_195 = arith.cmpi eq, %gather3A, %gather3A_194 : vector<16xi32>
      %gt3A_196 = arith.constant 10 : i32
      %gt3A_197 = vector.broadcast %gt3A_196 : i32 to vector<16xi32>
      %gt3A_198 = arith.cmpi sgt, %iota3A, %gt3A_197 : vector<16xi32>
      %and3A_199 = arith.andi %eq3A_195, %gt3A_198 : vector<16xi1>
      %jit3A_200 = arith.constant 1 : i32
      %jit3A_201 = arith.constant 0 : i32
      %broadcast_in_dim3A_202 = vector.broadcast %jit3A_200 : i32 to vector<16xi32>
      %broadcast_in_dim3A_203 = vector.broadcast %jit3A_201 : i32 to vector<16xi32>
      %select_n3A_204 = arith.select %and3A_199, %broadcast_in_dim3A_202, %broadcast_in_dim3A_203 : vector<16xi1>, vector<16xi32>
      %add3A_205 = arith.addi %add3A_190, %select_n3A_204 : vector<16xi32>
      %broadcast_in_dim3A_206 = arith.constant 11 : i32
      %broadcast_in_dim3A_207 = vector.broadcast %broadcast_in_dim3A_206 : i32 to vector<16xi32>
      %broadcast_in_dim3A_208 = vector.broadcast %add3A_40 : i32 to vector<16xi32>
      %gather3A_209 = tpu.vector_load_idx %arg5[%broadcast_in_dim3A_207, %broadcast_in_dim3A_208] : memref<16x128xi32, #tpu.memory_space<vmem>>[vector<16xi32>, vector<16xi32>], vector<16xi32>,
      %eq3A_210 = arith.cmpi eq, %gather3A, %gather3A_209 : vector<16xi32>
      %gt3A_211 = arith.constant 11 : i32
      %gt3A_212 = vector.broadcast %gt3A_211 : i32 to vector<16xi32>
      %gt3A_213 = arith.cmpi sgt, %iota3A, %gt3A_212 : vector<16xi32>
      %and3A_214 = arith.andi %eq3A_210, %gt3A_213 : vector<16xi1>
      %jit3A_215 = arith.constant 1 : i32
      %jit3A_216 = arith.constant 0 : i32
      %broadcast_in_dim3A_217 = vector.broadcast %jit3A_215 : i32 to vector<16xi32>
      %broadcast_in_dim3A_218 = vector.broadcast %jit3A_216 : i32 to vector<16xi32>
      %select_n3A_219 = arith.select %and3A_214, %broadcast_in_dim3A_217, %broadcast_in_dim3A_218 : vector<16xi1>, vector<16xi32>
      %add3A_220 = arith.addi %add3A_205, %select_n3A_219 : vector<16xi32>
      %broadcast_in_dim3A_221 = arith.constant 12 : i32
      %broadcast_in_dim3A_222 = vector.broadcast %broadcast_in_dim3A_221 : i32 to vector<16xi32>
      %broadcast_in_dim3A_223 = vector.broadcast %add3A_40 : i32 to vector<16xi32>
      %gather3A_224 = tpu.vector_load_idx %arg5[%broadcast_in_dim3A_222, %broadcast_in_dim3A_223] : memref<16x128xi32, #tpu.memory_space<vmem>>[vector<16xi32>, vector<16xi32>], vector<16xi32>,
      %eq3A_225 = arith.cmpi eq, %gather3A, %gather3A_224 : vector<16xi32>
      %gt3A_226 = arith.constant 12 : i32
      %gt3A_227 = vector.broadcast %gt3A_226 : i32 to vector<16xi32>
      %gt3A_228 = arith.cmpi sgt, %iota3A, %gt3A_227 : vector<16xi32>
      %and3A_229 = arith.andi %eq3A_225, %gt3A_228 : vector<16xi1>
      %jit3A_230 = arith.constant 1 : i32
      %jit3A_231 = arith.constant 0 : i32
      %broadcast_in_dim3A_232 = vector.broadcast %jit3A_230 : i32 to vector<16xi32>
      %broadcast_in_dim3A_233 = vector.broadcast %jit3A_231 : i32 to vector<16xi32>
      %select_n3A_234 = arith.select %and3A_229, %broadcast_in_dim3A_232, %broadcast_in_dim3A_233 : vector<16xi1>, vector<16xi32>
      %add3A_235 = arith.addi %add3A_220, %select_n3A_234 : vector<16xi32>
      %broadcast_in_dim3A_236 = arith.constant 13 : i32
      %broadcast_in_dim3A_237 = vector.broadcast %broadcast_in_dim3A_236 : i32 to vector<16xi32>
      %broadcast_in_dim3A_238 = vector.broadcast %add3A_40 : i32 to vector<16xi32>
      %gather3A_239 = tpu.vector_load_idx %arg5[%broadcast_in_dim3A_237, %broadcast_in_dim3A_238] : memref<16x128xi32, #tpu.memory_space<vmem>>[vector<16xi32>, vector<16xi32>], vector<16xi32>,
      %eq3A_240 = arith.cmpi eq, %gather3A, %gather3A_239 : vector<16xi32>
      %gt3A_241 = arith.constant 13 : i32
      %gt3A_242 = vector.broadcast %gt3A_241 : i32 to vector<16xi32>
      %gt3A_243 = arith.cmpi sgt, %iota3A, %gt3A_242 : vector<16xi32>
      %and3A_244 = arith.andi %eq3A_240, %gt3A_243 : vector<16xi1>
      %jit3A_245 = arith.constant 1 : i32
      %jit3A_246 = arith.constant 0 : i32
      %broadcast_in_dim3A_247 = vector.broadcast %jit3A_245 : i32 to vector<16xi32>
      %broadcast_in_dim3A_248 = vector.broadcast %jit3A_246 : i32 to vector<16xi32>
      %select_n3A_249 = arith.select %and3A_244, %broadcast_in_dim3A_247, %broadcast_in_dim3A_248 : vector<16xi1>, vector<16xi32>
      %add3A_250 = arith.addi %add3A_235, %select_n3A_249 : vector<16xi32>
      %broadcast_in_dim3A_251 = arith.constant 14 : i32
      %broadcast_in_dim3A_252 = vector.broadcast %broadcast_in_dim3A_251 : i32 to vector<16xi32>
      %broadcast_in_dim3A_253 = vector.broadcast %add3A_40 : i32 to vector<16xi32>
      %gather3A_254 = tpu.vector_load_idx %arg5[%broadcast_in_dim3A_252, %broadcast_in_dim3A_253] : memref<16x128xi32, #tpu.memory_space<vmem>>[vector<16xi32>, vector<16xi32>], vector<16xi32>,
      %eq3A_255 = arith.cmpi eq, %gather3A, %gather3A_254 : vector<16xi32>
      %gt3A_256 = arith.constant 14 : i32
      %gt3A_257 = vector.broadcast %gt3A_256 : i32 to vector<16xi32>
      %gt3A_258 = arith.cmpi sgt, %iota3A, %gt3A_257 : vector<16xi32>
      %and3A_259 = arith.andi %eq3A_255, %gt3A_258 : vector<16xi1>
      %jit3A_260 = arith.constant 1 : i32
      %jit3A_261 = arith.constant 0 : i32
      %broadcast_in_dim3A_262 = vector.broadcast %jit3A_260 : i32 to vector<16xi32>
      %broadcast_in_dim3A_263 = vector.broadcast %jit3A_261 : i32 to vector<16xi32>
      %select_n3A_264 = arith.select %and3A_259, %broadcast_in_dim3A_262, %broadcast_in_dim3A_263 : vector<16xi1>, vector<16xi32>
      %add3A_265 = arith.addi %add3A_250, %select_n3A_264 : vector<16xi32>
      %broadcast_in_dim3A_266 = arith.constant 15 : i32
      %broadcast_in_dim3A_267 = vector.broadcast %broadcast_in_dim3A_266 : i32 to vector<16xi32>
      %broadcast_in_dim3A_268 = vector.broadcast %add3A_40 : i32 to vector<16xi32>
      %gather3A_269 = tpu.vector_load_idx %arg5[%broadcast_in_dim3A_267, %broadcast_in_dim3A_268] : memref<16x128xi32, #tpu.memory_space<vmem>>[vector<16xi32>, vector<16xi32>], vector<16xi32>,
      %eq3A_270 = arith.cmpi eq, %gather3A, %gather3A_269 : vector<16xi32>
      %gt3A_271 = arith.constant 15 : i32
      %gt3A_272 = vector.broadcast %gt3A_271 : i32 to vector<16xi32>
      %gt3A_273 = arith.cmpi sgt, %iota3A, %gt3A_272 : vector<16xi32>
      %and3A_274 = arith.andi %eq3A_270, %gt3A_273 : vector<16xi1>
      %jit3A_275 = arith.constant 1 : i32
      %jit3A_276 = arith.constant 0 : i32
      %broadcast_in_dim3A_277 = vector.broadcast %jit3A_275 : i32 to vector<16xi32>
      %broadcast_in_dim3A_278 = vector.broadcast %jit3A_276 : i32 to vector<16xi32>
      %select_n3A_279 = arith.select %and3A_274, %broadcast_in_dim3A_277, %broadcast_in_dim3A_278 : vector<16xi1>, vector<16xi32>
      %add3A_280 = arith.addi %add3A_265, %select_n3A_279 : vector<16xi32>
      %bitcast3A = vector.bitcast %gather3A_44 : vector<16xf32> to vector<16xi32>
      %add3A_281 = arith.constant 32767 : i32
      %add3A_282 = vector.broadcast %add3A_281 : i32 to vector<16xi32>
      %add3A_283 = arith.addi %bitcast3A, %add3A_282 : vector<16xi32>
      %shift_right_logical3A = arith.constant 16 : i32
      %shift_right_logical3A_284 = vector.broadcast %shift_right_logical3A : i32 to vector<16xi32>
      %shift_right_logical3A_285 = arith.shrui %bitcast3A, %shift_right_logical3A_284 : vector<16xi32>
      %and3A_286 = arith.constant 1 : i32
      %and3A_287 = vector.broadcast %and3A_286 : i32 to vector<16xi32>
      %and3A_288 = arith.andi %shift_right_logical3A_285, %and3A_287 : vector<16xi32>
      %add3A_289 = arith.addi %add3A_283, %and3A_288 : vector<16xi32>
      %shift_right_logical3A_290 = arith.constant 16 : i32
      %shift_right_logical3A_291 = vector.broadcast %shift_right_logical3A_290 : i32 to vector<16xi32>
      %shift_right_logical3A_292 = arith.shrui %add3A_289, %shift_right_logical3A_291 : vector<16xi32>
      %gt3A_293 = arith.constant 0 : i32
      %gt3A_294 = vector.broadcast %gt3A_293 : i32 to vector<16xi32>
      %gt3A_295 = arith.cmpi sgt, %add3A_280, %gt3A_294 : vector<16xi32>
      %broadcast_in_dim3A_296 = arith.constant 0 : i32
      %broadcast_in_dim3A_297 = vector.broadcast %broadcast_in_dim3A_296 : i32 to vector<16xi32>
      %select_n3A_298 = arith.select %gt3A_295, %broadcast_in_dim3A_297, %shift_right_logical3A_292 : vector<16xi1>, vector<16xi32>
      %bitcast3A_299 = vector.bitcast %select_n3A_298 : vector<16xi32> to vector<16xi32>
      tpu.vector_store_idx %arg8[%gather3A], %bitcast3A_299 {add = true} : memref<4096xi32, #tpu.memory_space<vmem>>[vector<16xi32>], vector<16xi32>,
      %mul3A_300 = arith.constant 2 : i32
      %mul3A_301 = arith.muli %mul3A_300, %add3A_34 : i32
      %add3A_302 = arith.constant 1 : i32
      %add3A_303 = arith.addi %mul3A_301, %add3A_302 : i32
      %broadcast_in_dim3A_304 = vector.broadcast %add3A_303 : i32 to vector<16xi32>
      %gather3A_305 = tpu.vector_load_idx %arg5[%iota3A, %broadcast_in_dim3A_304] : memref<16x128xi32, #tpu.memory_space<vmem>>[vector<16xi32>, vector<16xi32>], vector<16xi32>,
      %broadcast_in_dim3A_306 = vector.broadcast %add3A_303 : i32 to vector<16xi32>
      %gather3A_307 = tpu.vector_load_idx %arg6[%iota3A, %broadcast_in_dim3A_306] : memref<16x128xf32, #tpu.memory_space<vmem>>[vector<16xi32>, vector<16xi32>], vector<16xf32>,
      tpu.vector_store_idx %arg7[%gather3A_305], %gather3A_307 {add = true} : memref<4096xf32, #tpu.memory_space<vmem>>[vector<16xi32>], vector<16xf32>,
      %gather3A_308 = tpu.vector_load_idx %arg7[%gather3A_305] : memref<4096xf32, #tpu.memory_space<vmem>>[vector<16xi32>], vector<16xf32>,
      tpu.vector_store_idx %arg7[%gather3A_305], %broadcast_in_dim3A_3 : memref<4096xf32, #tpu.memory_space<vmem>>[vector<16xi32>], vector<16xf32>,
      %broadcast_in_dim3A_309 = arith.constant 0 : i32
      %broadcast_in_dim3A_310 = vector.broadcast %broadcast_in_dim3A_309 : i32 to vector<16xi32>
      %broadcast_in_dim3A_311 = vector.broadcast %add3A_303 : i32 to vector<16xi32>
      %gather3A_312 = tpu.vector_load_idx %arg5[%broadcast_in_dim3A_310, %broadcast_in_dim3A_311] : memref<16x128xi32, #tpu.memory_space<vmem>>[vector<16xi32>, vector<16xi32>], vector<16xi32>,
      %eq3A_313 = arith.cmpi eq, %gather3A_305, %gather3A_312 : vector<16xi32>
      %gt3A_314 = arith.constant 0 : i32
      %gt3A_315 = vector.broadcast %gt3A_314 : i32 to vector<16xi32>
      %gt3A_316 = arith.cmpi sgt, %iota3A, %gt3A_315 : vector<16xi32>
      %and3A_317 = arith.andi %eq3A_313, %gt3A_316 : vector<16xi1>
      %jit3A_318 = arith.constant 1 : i32
      %jit3A_319 = arith.constant 0 : i32
      %broadcast_in_dim3A_320 = vector.broadcast %jit3A_318 : i32 to vector<16xi32>
      %broadcast_in_dim3A_321 = vector.broadcast %jit3A_319 : i32 to vector<16xi32>
      %select_n3A_322 = arith.select %and3A_317, %broadcast_in_dim3A_320, %broadcast_in_dim3A_321 : vector<16xi1>, vector<16xi32>
      %add3A_323 = arith.addi %broadcast_in_dim3A_5, %select_n3A_322 : vector<16xi32>
      %broadcast_in_dim3A_324 = arith.constant 1 : i32
      %broadcast_in_dim3A_325 = vector.broadcast %broadcast_in_dim3A_324 : i32 to vector<16xi32>
      %broadcast_in_dim3A_326 = vector.broadcast %add3A_303 : i32 to vector<16xi32>
      %gather3A_327 = tpu.vector_load_idx %arg5[%broadcast_in_dim3A_325, %broadcast_in_dim3A_326] : memref<16x128xi32, #tpu.memory_space<vmem>>[vector<16xi32>, vector<16xi32>], vector<16xi32>,
      %eq3A_328 = arith.cmpi eq, %gather3A_305, %gather3A_327 : vector<16xi32>
      %gt3A_329 = arith.constant 1 : i32
      %gt3A_330 = vector.broadcast %gt3A_329 : i32 to vector<16xi32>
      %gt3A_331 = arith.cmpi sgt, %iota3A, %gt3A_330 : vector<16xi32>
      %and3A_332 = arith.andi %eq3A_328, %gt3A_331 : vector<16xi1>
      %jit3A_333 = arith.constant 1 : i32
      %jit3A_334 = arith.constant 0 : i32
      %broadcast_in_dim3A_335 = vector.broadcast %jit3A_333 : i32 to vector<16xi32>
      %broadcast_in_dim3A_336 = vector.broadcast %jit3A_334 : i32 to vector<16xi32>
      %select_n3A_337 = arith.select %and3A_332, %broadcast_in_dim3A_335, %broadcast_in_dim3A_336 : vector<16xi1>, vector<16xi32>
      %add3A_338 = arith.addi %add3A_323, %select_n3A_337 : vector<16xi32>
      %broadcast_in_dim3A_339 = arith.constant 2 : i32
      %broadcast_in_dim3A_340 = vector.broadcast %broadcast_in_dim3A_339 : i32 to vector<16xi32>
      %broadcast_in_dim3A_341 = vector.broadcast %add3A_303 : i32 to vector<16xi32>
      %gather3A_342 = tpu.vector_load_idx %arg5[%broadcast_in_dim3A_340, %broadcast_in_dim3A_341] : memref<16x128xi32, #tpu.memory_space<vmem>>[vector<16xi32>, vector<16xi32>], vector<16xi32>,
      %eq3A_343 = arith.cmpi eq, %gather3A_305, %gather3A_342 : vector<16xi32>
      %gt3A_344 = arith.constant 2 : i32
      %gt3A_345 = vector.broadcast %gt3A_344 : i32 to vector<16xi32>
      %gt3A_346 = arith.cmpi sgt, %iota3A, %gt3A_345 : vector<16xi32>
      %and3A_347 = arith.andi %eq3A_343, %gt3A_346 : vector<16xi1>
      %jit3A_348 = arith.constant 1 : i32
      %jit3A_349 = arith.constant 0 : i32
      %broadcast_in_dim3A_350 = vector.broadcast %jit3A_348 : i32 to vector<16xi32>
      %broadcast_in_dim3A_351 = vector.broadcast %jit3A_349 : i32 to vector<16xi32>
      %select_n3A_352 = arith.select %and3A_347, %broadcast_in_dim3A_350, %broadcast_in_dim3A_351 : vector<16xi1>, vector<16xi32>
      %add3A_353 = arith.addi %add3A_338, %select_n3A_352 : vector<16xi32>
      %broadcast_in_dim3A_354 = arith.constant 3 : i32
      %broadcast_in_dim3A_355 = vector.broadcast %broadcast_in_dim3A_354 : i32 to vector<16xi32>
      %broadcast_in_dim3A_356 = vector.broadcast %add3A_303 : i32 to vector<16xi32>
      %gather3A_357 = tpu.vector_load_idx %arg5[%broadcast_in_dim3A_355, %broadcast_in_dim3A_356] : memref<16x128xi32, #tpu.memory_space<vmem>>[vector<16xi32>, vector<16xi32>], vector<16xi32>,
      %eq3A_358 = arith.cmpi eq, %gather3A_305, %gather3A_357 : vector<16xi32>
      %gt3A_359 = arith.constant 3 : i32
      %gt3A_360 = vector.broadcast %gt3A_359 : i32 to vector<16xi32>
      %gt3A_361 = arith.cmpi sgt, %iota3A, %gt3A_360 : vector<16xi32>
      %and3A_362 = arith.andi %eq3A_358, %gt3A_361 : vector<16xi1>
      %jit3A_363 = arith.constant 1 : i32
      %jit3A_364 = arith.constant 0 : i32
      %broadcast_in_dim3A_365 = vector.broadcast %jit3A_363 : i32 to vector<16xi32>
      %broadcast_in_dim3A_366 = vector.broadcast %jit3A_364 : i32 to vector<16xi32>
      %select_n3A_367 = arith.select %and3A_362, %broadcast_in_dim3A_365, %broadcast_in_dim3A_366 : vector<16xi1>, vector<16xi32>
      %add3A_368 = arith.addi %add3A_353, %select_n3A_367 : vector<16xi32>
      %broadcast_in_dim3A_369 = arith.constant 4 : i32
      %broadcast_in_dim3A_370 = vector.broadcast %broadcast_in_dim3A_369 : i32 to vector<16xi32>
      %broadcast_in_dim3A_371 = vector.broadcast %add3A_303 : i32 to vector<16xi32>
      %gather3A_372 = tpu.vector_load_idx %arg5[%broadcast_in_dim3A_370, %broadcast_in_dim3A_371] : memref<16x128xi32, #tpu.memory_space<vmem>>[vector<16xi32>, vector<16xi32>], vector<16xi32>,
      %eq3A_373 = arith.cmpi eq, %gather3A_305, %gather3A_372 : vector<16xi32>
      %gt3A_374 = arith.constant 4 : i32
      %gt3A_375 = vector.broadcast %gt3A_374 : i32 to vector<16xi32>
      %gt3A_376 = arith.cmpi sgt, %iota3A, %gt3A_375 : vector<16xi32>
      %and3A_377 = arith.andi %eq3A_373, %gt3A_376 : vector<16xi1>
      %jit3A_378 = arith.constant 1 : i32
      %jit3A_379 = arith.constant 0 : i32
      %broadcast_in_dim3A_380 = vector.broadcast %jit3A_378 : i32 to vector<16xi32>
      %broadcast_in_dim3A_381 = vector.broadcast %jit3A_379 : i32 to vector<16xi32>
      %select_n3A_382 = arith.select %and3A_377, %broadcast_in_dim3A_380, %broadcast_in_dim3A_381 : vector<16xi1>, vector<16xi32>
      %add3A_383 = arith.addi %add3A_368, %select_n3A_382 : vector<16xi32>
      %broadcast_in_dim3A_384 = arith.constant 5 : i32
      %broadcast_in_dim3A_385 = vector.broadcast %broadcast_in_dim3A_384 : i32 to vector<16xi32>
      %broadcast_in_dim3A_386 = vector.broadcast %add3A_303 : i32 to vector<16xi32>
      %gather3A_387 = tpu.vector_load_idx %arg5[%broadcast_in_dim3A_385, %broadcast_in_dim3A_386] : memref<16x128xi32, #tpu.memory_space<vmem>>[vector<16xi32>, vector<16xi32>], vector<16xi32>,
      %eq3A_388 = arith.cmpi eq, %gather3A_305, %gather3A_387 : vector<16xi32>
      %gt3A_389 = arith.constant 5 : i32
      %gt3A_390 = vector.broadcast %gt3A_389 : i32 to vector<16xi32>
      %gt3A_391 = arith.cmpi sgt, %iota3A, %gt3A_390 : vector<16xi32>
      %and3A_392 = arith.andi %eq3A_388, %gt3A_391 : vector<16xi1>
      %jit3A_393 = arith.constant 1 : i32
      %jit3A_394 = arith.constant 0 : i32
      %broadcast_in_dim3A_395 = vector.broadcast %jit3A_393 : i32 to vector<16xi32>
      %broadcast_in_dim3A_396 = vector.broadcast %jit3A_394 : i32 to vector<16xi32>
      %select_n3A_397 = arith.select %and3A_392, %broadcast_in_dim3A_395, %broadcast_in_dim3A_396 : vector<16xi1>, vector<16xi32>
      %add3A_398 = arith.addi %add3A_383, %select_n3A_397 : vector<16xi32>
      %broadcast_in_dim3A_399 = arith.constant 6 : i32
      %broadcast_in_dim3A_400 = vector.broadcast %broadcast_in_dim3A_399 : i32 to vector<16xi32>
      %broadcast_in_dim3A_401 = vector.broadcast %add3A_303 : i32 to vector<16xi32>
      %gather3A_402 = tpu.vector_load_idx %arg5[%broadcast_in_dim3A_400, %broadcast_in_dim3A_401] : memref<16x128xi32, #tpu.memory_space<vmem>>[vector<16xi32>, vector<16xi32>], vector<16xi32>,
      %eq3A_403 = arith.cmpi eq, %gather3A_305, %gather3A_402 : vector<16xi32>
      %gt3A_404 = arith.constant 6 : i32
      %gt3A_405 = vector.broadcast %gt3A_404 : i32 to vector<16xi32>
      %gt3A_406 = arith.cmpi sgt, %iota3A, %gt3A_405 : vector<16xi32>
      %and3A_407 = arith.andi %eq3A_403, %gt3A_406 : vector<16xi1>
      %jit3A_408 = arith.constant 1 : i32
      %jit3A_409 = arith.constant 0 : i32
      %broadcast_in_dim3A_410 = vector.broadcast %jit3A_408 : i32 to vector<16xi32>
      %broadcast_in_dim3A_411 = vector.broadcast %jit3A_409 : i32 to vector<16xi32>
      %select_n3A_412 = arith.select %and3A_407, %broadcast_in_dim3A_410, %broadcast_in_dim3A_411 : vector<16xi1>, vector<16xi32>
      %add3A_413 = arith.addi %add3A_398, %select_n3A_412 : vector<16xi32>
      %broadcast_in_dim3A_414 = arith.constant 7 : i32
      %broadcast_in_dim3A_415 = vector.broadcast %broadcast_in_dim3A_414 : i32 to vector<16xi32>
      %broadcast_in_dim3A_416 = vector.broadcast %add3A_303 : i32 to vector<16xi32>
      %gather3A_417 = tpu.vector_load_idx %arg5[%broadcast_in_dim3A_415, %broadcast_in_dim3A_416] : memref<16x128xi32, #tpu.memory_space<vmem>>[vector<16xi32>, vector<16xi32>], vector<16xi32>,
      %eq3A_418 = arith.cmpi eq, %gather3A_305, %gather3A_417 : vector<16xi32>
      %gt3A_419 = arith.constant 7 : i32
      %gt3A_420 = vector.broadcast %gt3A_419 : i32 to vector<16xi32>
      %gt3A_421 = arith.cmpi sgt, %iota3A, %gt3A_420 : vector<16xi32>
      %and3A_422 = arith.andi %eq3A_418, %gt3A_421 : vector<16xi1>
      %jit3A_423 = arith.constant 1 : i32
      %jit3A_424 = arith.constant 0 : i32
      %broadcast_in_dim3A_425 = vector.broadcast %jit3A_423 : i32 to vector<16xi32>
      %broadcast_in_dim3A_426 = vector.broadcast %jit3A_424 : i32 to vector<16xi32>
      %select_n3A_427 = arith.select %and3A_422, %broadcast_in_dim3A_425, %broadcast_in_dim3A_426 : vector<16xi1>, vector<16xi32>
      %add3A_428 = arith.addi %add3A_413, %select_n3A_427 : vector<16xi32>
      %broadcast_in_dim3A_429 = arith.constant 8 : i32
      %broadcast_in_dim3A_430 = vector.broadcast %broadcast_in_dim3A_429 : i32 to vector<16xi32>
      %broadcast_in_dim3A_431 = vector.broadcast %add3A_303 : i32 to vector<16xi32>
      %gather3A_432 = tpu.vector_load_idx %arg5[%broadcast_in_dim3A_430, %broadcast_in_dim3A_431] : memref<16x128xi32, #tpu.memory_space<vmem>>[vector<16xi32>, vector<16xi32>], vector<16xi32>,
      %eq3A_433 = arith.cmpi eq, %gather3A_305, %gather3A_432 : vector<16xi32>
      %gt3A_434 = arith.constant 8 : i32
      %gt3A_435 = vector.broadcast %gt3A_434 : i32 to vector<16xi32>
      %gt3A_436 = arith.cmpi sgt, %iota3A, %gt3A_435 : vector<16xi32>
      %and3A_437 = arith.andi %eq3A_433, %gt3A_436 : vector<16xi1>
      %jit3A_438 = arith.constant 1 : i32
      %jit3A_439 = arith.constant 0 : i32
      %broadcast_in_dim3A_440 = vector.broadcast %jit3A_438 : i32 to vector<16xi32>
      %broadcast_in_dim3A_441 = vector.broadcast %jit3A_439 : i32 to vector<16xi32>
      %select_n3A_442 = arith.select %and3A_437, %broadcast_in_dim3A_440, %broadcast_in_dim3A_441 : vector<16xi1>, vector<16xi32>
      %add3A_443 = arith.addi %add3A_428, %select_n3A_442 : vector<16xi32>
      %broadcast_in_dim3A_444 = arith.constant 9 : i32
      %broadcast_in_dim3A_445 = vector.broadcast %broadcast_in_dim3A_444 : i32 to vector<16xi32>
      %broadcast_in_dim3A_446 = vector.broadcast %add3A_303 : i32 to vector<16xi32>
      %gather3A_447 = tpu.vector_load_idx %arg5[%broadcast_in_dim3A_445, %broadcast_in_dim3A_446] : memref<16x128xi32, #tpu.memory_space<vmem>>[vector<16xi32>, vector<16xi32>], vector<16xi32>,
      %eq3A_448 = arith.cmpi eq, %gather3A_305, %gather3A_447 : vector<16xi32>
      %gt3A_449 = arith.constant 9 : i32
      %gt3A_450 = vector.broadcast %gt3A_449 : i32 to vector<16xi32>
      %gt3A_451 = arith.cmpi sgt, %iota3A, %gt3A_450 : vector<16xi32>
      %and3A_452 = arith.andi %eq3A_448, %gt3A_451 : vector<16xi1>
      %jit3A_453 = arith.constant 1 : i32
      %jit3A_454 = arith.constant 0 : i32
      %broadcast_in_dim3A_455 = vector.broadcast %jit3A_453 : i32 to vector<16xi32>
      %broadcast_in_dim3A_456 = vector.broadcast %jit3A_454 : i32 to vector<16xi32>
      %select_n3A_457 = arith.select %and3A_452, %broadcast_in_dim3A_455, %broadcast_in_dim3A_456 : vector<16xi1>, vector<16xi32>
      %add3A_458 = arith.addi %add3A_443, %select_n3A_457 : vector<16xi32>
      %broadcast_in_dim3A_459 = arith.constant 10 : i32
      %broadcast_in_dim3A_460 = vector.broadcast %broadcast_in_dim3A_459 : i32 to vector<16xi32>
      %broadcast_in_dim3A_461 = vector.broadcast %add3A_303 : i32 to vector<16xi32>
      %gather3A_462 = tpu.vector_load_idx %arg5[%broadcast_in_dim3A_460, %broadcast_in_dim3A_461] : memref<16x128xi32, #tpu.memory_space<vmem>>[vector<16xi32>, vector<16xi32>], vector<16xi32>,
      %eq3A_463 = arith.cmpi eq, %gather3A_305, %gather3A_462 : vector<16xi32>
      %gt3A_464 = arith.constant 10 : i32
      %gt3A_465 = vector.broadcast %gt3A_464 : i32 to vector<16xi32>
      %gt3A_466 = arith.cmpi sgt, %iota3A, %gt3A_465 : vector<16xi32>
      %and3A_467 = arith.andi %eq3A_463, %gt3A_466 : vector<16xi1>
      %jit3A_468 = arith.constant 1 : i32
      %jit3A_469 = arith.constant 0 : i32
      %broadcast_in_dim3A_470 = vector.broadcast %jit3A_468 : i32 to vector<16xi32>
      %broadcast_in_dim3A_471 = vector.broadcast %jit3A_469 : i32 to vector<16xi32>
      %select_n3A_472 = arith.select %and3A_467, %broadcast_in_dim3A_470, %broadcast_in_dim3A_471 : vector<16xi1>, vector<16xi32>
      %add3A_473 = arith.addi %add3A_458, %select_n3A_472 : vector<16xi32>
      %broadcast_in_dim3A_474 = arith.constant 11 : i32
      %broadcast_in_dim3A_475 = vector.broadcast %broadcast_in_dim3A_474 : i32 to vector<16xi32>
      %broadcast_in_dim3A_476 = vector.broadcast %add3A_303 : i32 to vector<16xi32>
      %gather3A_477 = tpu.vector_load_idx %arg5[%broadcast_in_dim3A_475, %broadcast_in_dim3A_476] : memref<16x128xi32, #tpu.memory_space<vmem>>[vector<16xi32>, vector<16xi32>], vector<16xi32>,
      %eq3A_478 = arith.cmpi eq, %gather3A_305, %gather3A_477 : vector<16xi32>
      %gt3A_479 = arith.constant 11 : i32
      %gt3A_480 = vector.broadcast %gt3A_479 : i32 to vector<16xi32>
      %gt3A_481 = arith.cmpi sgt, %iota3A, %gt3A_480 : vector<16xi32>
      %and3A_482 = arith.andi %eq3A_478, %gt3A_481 : vector<16xi1>
      %jit3A_483 = arith.constant 1 : i32
      %jit3A_484 = arith.constant 0 : i32
      %broadcast_in_dim3A_485 = vector.broadcast %jit3A_483 : i32 to vector<16xi32>
      %broadcast_in_dim3A_486 = vector.broadcast %jit3A_484 : i32 to vector<16xi32>
      %select_n3A_487 = arith.select %and3A_482, %broadcast_in_dim3A_485, %broadcast_in_dim3A_486 : vector<16xi1>, vector<16xi32>
      %add3A_488 = arith.addi %add3A_473, %select_n3A_487 : vector<16xi32>
      %broadcast_in_dim3A_489 = arith.constant 12 : i32
      %broadcast_in_dim3A_490 = vector.broadcast %broadcast_in_dim3A_489 : i32 to vector<16xi32>
      %broadcast_in_dim3A_491 = vector.broadcast %add3A_303 : i32 to vector<16xi32>
      %gather3A_492 = tpu.vector_load_idx %arg5[%broadcast_in_dim3A_490, %broadcast_in_dim3A_491] : memref<16x128xi32, #tpu.memory_space<vmem>>[vector<16xi32>, vector<16xi32>], vector<16xi32>,
      %eq3A_493 = arith.cmpi eq, %gather3A_305, %gather3A_492 : vector<16xi32>
      %gt3A_494 = arith.constant 12 : i32
      %gt3A_495 = vector.broadcast %gt3A_494 : i32 to vector<16xi32>
      %gt3A_496 = arith.cmpi sgt, %iota3A, %gt3A_495 : vector<16xi32>
      %and3A_497 = arith.andi %eq3A_493, %gt3A_496 : vector<16xi1>
      %jit3A_498 = arith.constant 1 : i32
      %jit3A_499 = arith.constant 0 : i32
      %broadcast_in_dim3A_500 = vector.broadcast %jit3A_498 : i32 to vector<16xi32>
      %broadcast_in_dim3A_501 = vector.broadcast %jit3A_499 : i32 to vector<16xi32>
      %select_n3A_502 = arith.select %and3A_497, %broadcast_in_dim3A_500, %broadcast_in_dim3A_501 : vector<16xi1>, vector<16xi32>
      %add3A_503 = arith.addi %add3A_488, %select_n3A_502 : vector<16xi32>
      %broadcast_in_dim3A_504 = arith.constant 13 : i32
      %broadcast_in_dim3A_505 = vector.broadcast %broadcast_in_dim3A_504 : i32 to vector<16xi32>
      %broadcast_in_dim3A_506 = vector.broadcast %add3A_303 : i32 to vector<16xi32>
      %gather3A_507 = tpu.vector_load_idx %arg5[%broadcast_in_dim3A_505, %broadcast_in_dim3A_506] : memref<16x128xi32, #tpu.memory_space<vmem>>[vector<16xi32>, vector<16xi32>], vector<16xi32>,
      %eq3A_508 = arith.cmpi eq, %gather3A_305, %gather3A_507 : vector<16xi32>
      %gt3A_509 = arith.constant 13 : i32
      %gt3A_510 = vector.broadcast %gt3A_509 : i32 to vector<16xi32>
      %gt3A_511 = arith.cmpi sgt, %iota3A, %gt3A_510 : vector<16xi32>
      %and3A_512 = arith.andi %eq3A_508, %gt3A_511 : vector<16xi1>
      %jit3A_513 = arith.constant 1 : i32
      %jit3A_514 = arith.constant 0 : i32
      %broadcast_in_dim3A_515 = vector.broadcast %jit3A_513 : i32 to vector<16xi32>
      %broadcast_in_dim3A_516 = vector.broadcast %jit3A_514 : i32 to vector<16xi32>
      %select_n3A_517 = arith.select %and3A_512, %broadcast_in_dim3A_515, %broadcast_in_dim3A_516 : vector<16xi1>, vector<16xi32>
      %add3A_518 = arith.addi %add3A_503, %select_n3A_517 : vector<16xi32>
      %broadcast_in_dim3A_519 = arith.constant 14 : i32
      %broadcast_in_dim3A_520 = vector.broadcast %broadcast_in_dim3A_519 : i32 to vector<16xi32>
      %broadcast_in_dim3A_521 = vector.broadcast %add3A_303 : i32 to vector<16xi32>
      %gather3A_522 = tpu.vector_load_idx %arg5[%broadcast_in_dim3A_520, %broadcast_in_dim3A_521] : memref<16x128xi32, #tpu.memory_space<vmem>>[vector<16xi32>, vector<16xi32>], vector<16xi32>,
      %eq3A_523 = arith.cmpi eq, %gather3A_305, %gather3A_522 : vector<16xi32>
      %gt3A_524 = arith.constant 14 : i32
      %gt3A_525 = vector.broadcast %gt3A_524 : i32 to vector<16xi32>
      %gt3A_526 = arith.cmpi sgt, %iota3A, %gt3A_525 : vector<16xi32>
      %and3A_527 = arith.andi %eq3A_523, %gt3A_526 : vector<16xi1>
      %jit3A_528 = arith.constant 1 : i32
      %jit3A_529 = arith.constant 0 : i32
      %broadcast_in_dim3A_530 = vector.broadcast %jit3A_528 : i32 to vector<16xi32>
      %broadcast_in_dim3A_531 = vector.broadcast %jit3A_529 : i32 to vector<16xi32>
      %select_n3A_532 = arith.select %and3A_527, %broadcast_in_dim3A_530, %broadcast_in_dim3A_531 : vector<16xi1>, vector<16xi32>
      %add3A_533 = arith.addi %add3A_518, %select_n3A_532 : vector<16xi32>
      %broadcast_in_dim3A_534 = arith.constant 15 : i32
      %broadcast_in_dim3A_535 = vector.broadcast %broadcast_in_dim3A_534 : i32 to vector<16xi32>
      %broadcast_in_dim3A_536 = vector.broadcast %add3A_303 : i32 to vector<16xi32>
      %gather3A_537 = tpu.vector_load_idx %arg5[%broadcast_in_dim3A_535, %broadcast_in_dim3A_536] : memref<16x128xi32, #tpu.memory_space<vmem>>[vector<16xi32>, vector<16xi32>], vector<16xi32>,
      %eq3A_538 = arith.cmpi eq, %gather3A_305, %gather3A_537 : vector<16xi32>
      %gt3A_539 = arith.constant 15 : i32
      %gt3A_540 = vector.broadcast %gt3A_539 : i32 to vector<16xi32>
      %gt3A_541 = arith.cmpi sgt, %iota3A, %gt3A_540 : vector<16xi32>
      %and3A_542 = arith.andi %eq3A_538, %gt3A_541 : vector<16xi1>
      %jit3A_543 = arith.constant 1 : i32
      %jit3A_544 = arith.constant 0 : i32
      %broadcast_in_dim3A_545 = vector.broadcast %jit3A_543 : i32 to vector<16xi32>
      %broadcast_in_dim3A_546 = vector.broadcast %jit3A_544 : i32 to vector<16xi32>
      %select_n3A_547 = arith.select %and3A_542, %broadcast_in_dim3A_545, %broadcast_in_dim3A_546 : vector<16xi1>, vector<16xi32>
      %add3A_548 = arith.addi %add3A_533, %select_n3A_547 : vector<16xi32>
      %bitcast3A_549 = vector.bitcast %gather3A_308 : vector<16xf32> to vector<16xi32>
      %add3A_550 = arith.constant 32767 : i32
      %add3A_551 = vector.broadcast %add3A_550 : i32 to vector<16xi32>
      %add3A_552 = arith.addi %bitcast3A_549, %add3A_551 : vector<16xi32>
      %shift_right_logical3A_553 = arith.constant 16 : i32
      %shift_right_logical3A_554 = vector.broadcast %shift_right_logical3A_553 : i32 to vector<16xi32>
      %shift_right_logical3A_555 = arith.shrui %bitcast3A_549, %shift_right_logical3A_554 : vector<16xi32>
      %and3A_556 = arith.constant 1 : i32
      %and3A_557 = vector.broadcast %and3A_556 : i32 to vector<16xi32>
      %and3A_558 = arith.andi %shift_right_logical3A_555, %and3A_557 : vector<16xi32>
      %add3A_559 = arith.addi %add3A_552, %and3A_558 : vector<16xi32>
      %shift_right_logical3A_560 = arith.constant 16 : i32
      %shift_right_logical3A_561 = vector.broadcast %shift_right_logical3A_560 : i32 to vector<16xi32>
      %shift_right_logical3A_562 = arith.shrui %add3A_559, %shift_right_logical3A_561 : vector<16xi32>
      %shift_left3A = arith.constant 16 : i32
      %shift_left3A_563 = vector.broadcast %shift_left3A : i32 to vector<16xi32>
      %shift_left3A_564 = arith.shli %shift_right_logical3A_562, %shift_left3A_563 : vector<16xi32>
      %gt3A_565 = arith.constant 0 : i32
      %gt3A_566 = vector.broadcast %gt3A_565 : i32 to vector<16xi32>
      %gt3A_567 = arith.cmpi sgt, %add3A_548, %gt3A_566 : vector<16xi32>
      %broadcast_in_dim3A_568 = arith.constant 0 : i32
      %broadcast_in_dim3A_569 = vector.broadcast %broadcast_in_dim3A_568 : i32 to vector<16xi32>
      %select_n3A_570 = arith.select %gt3A_567, %broadcast_in_dim3A_569, %shift_left3A_564 : vector<16xi1>, vector<16xi32>
      %bitcast3A_571 = vector.bitcast %select_n3A_570 : vector<16xi32> to vector<16xi32>
      tpu.vector_store_idx %arg8[%gather3A_305], %bitcast3A_571 {add = true} : memref<4096xi32, #tpu.memory_space<vmem>>[vector<16xi32>], vector<16xi32>,
      %mul3A_572 = arith.constant 64 : i32
      %mul3A_573 = arith.muli %add3A, %mul3A_572 : i32
      %add3A_574 = arith.addi %mul3A_573, %add3A_34 : i32
      %dma_start3A = arith.constant 0 : i32
      %dma_start3A_575 = tpu.memref_slice %arg4[%add3A_574, %dma_start3A] : memref<2048x4096xi32, #tpu.memory_space<hbm>> -> memref<1x4096xi32, #tpu.memory_space<hbm>>
      %dma_start3A_576 = tpu.memref_squeeze %dma_start3A_575 : memref<1x4096xi32, #tpu.memory_space<hbm>> -> memref<4096xi32, #tpu.memory_space<hbm>>
      %dma_start3A_577 = arith.constant 0 : i32
      %dma_start3A_578 = tpu.memref_slice %arg4[%add3A_574, %dma_start3A_577] : memref<2048x4096xi32, #tpu.memory_space<hbm>> -> memref<1x4096xi32, #tpu.memory_space<hbm>>
      %dma_start3A_579 = tpu.memref_squeeze %dma_start3A_578 : memref<1x4096xi32, #tpu.memory_space<hbm>> -> memref<4096xi32, #tpu.memory_space<hbm>>
      tpu.enqueue_dma source(%arg8 : memref<4096xi32, #tpu.memory_space<vmem>>) target(%dma_start3A_579 : memref<4096xi32, #tpu.memory_space<hbm>>) target_semaphore(%arg10 : memref<!tpu.dma_semaphore, #tpu.memory_space<semaphore_mem>>)
      %mul3A_580 = arith.constant 2 : i32
      %mul3A_581 = arith.muli %mul3A_580, %scan3A_30 : i32
      %add3A_582 = arith.constant 1 : i32
      %add3A_583 = arith.addi %mul3A_581, %add3A_582 : i32
      %gt3A_584 = arith.constant 0 : i32
      %gt3A_585 = arith.cmpi sgt, %scan3A_30, %gt3A_584 : i32
      %convert_element_type3A_586 = arith.extui %gt3A_585 : i1 to i32
      %cond3A_587 = arith.constant 0 : i32
      %cond3A_588 = arith.cmpi ne, %convert_element_type3A_586, %cond3A_587 : i32
      scf.if %cond3A_588 {
        %dma_wait3A_1141 = arith.constant 0 : i32
        %dma_wait3A_1142 = arith.constant 0 : i32
        %dma_wait3A_1143 = tpu.memref_slice %arg4[%dma_wait3A_1141, %dma_wait3A_1142] : memref<2048x4096xi32, #tpu.memory_space<hbm>> -> memref<1x4096xi32, #tpu.memory_space<hbm>>
        %dma_wait3A_1144 = tpu.memref_squeeze %dma_wait3A_1143 : memref<1x4096xi32, #tpu.memory_space<hbm>> -> memref<4096xi32, #tpu.memory_space<hbm>>
        %dma_wait3A_1145 = arith.constant 0 : i32
        %dma_wait3A_1146 = tpu.memref_slice %arg4[%dma_wait3A_1141, %dma_wait3A_1145] : memref<2048x4096xi32, #tpu.memory_space<hbm>> -> memref<1x4096xi32, #tpu.memory_space<hbm>>
        %dma_wait3A_1147 = tpu.memref_squeeze %dma_wait3A_1146 : memref<1x4096xi32, #tpu.memory_space<hbm>> -> memref<4096xi32, #tpu.memory_space<hbm>>
        tpu.wait_dma2 semaphore(%arg11 : memref<!tpu.dma_semaphore, #tpu.memory_space<semaphore_mem>>) src(%arg9 : memref<4096xi32, #tpu.memory_space<vmem>>) dst(%dma_wait3A_1147 : memref<4096xi32, #tpu.memory_space<hbm>>)
        %sub3A = arith.constant 2 : i32
        %sub3A_1148 = arith.subi %add3A_583, %sub3A : i32
        %mul3A_1149 = arith.constant 2 : i32
        %mul3A_1150 = arith.muli %mul3A_1149, %sub3A_1148 : i32
        %add3A_1151 = arith.constant 0 : i32
        %add3A_1152 = arith.addi %mul3A_1150, %add3A_1151 : i32
        %broadcast_in_dim3A_1153 = vector.broadcast %add3A_1152 : i32 to vector<16xi32>
        %gather3A_1154 = tpu.vector_load_idx %arg5[%iota3A, %broadcast_in_dim3A_1153] : memref<16x128xi32, #tpu.memory_space<vmem>>[vector<16xi32>, vector<16xi32>], vector<16xi32>,
        tpu.vector_store_idx %arg9[%gather3A_1154], %broadcast_in_dim3A_5 : memref<4096xi32, #tpu.memory_space<vmem>>[vector<16xi32>], vector<16xi32>,
        %sub3A_1155 = arith.constant 2 : i32
        %sub3A_1156 = arith.subi %add3A_583, %sub3A_1155 : i32
        %mul3A_1157 = arith.constant 2 : i32
        %mul3A_1158 = arith.muli %mul3A_1157, %sub3A_1156 : i32
        %add3A_1159 = arith.constant 1 : i32
        %add3A_1160 = arith.addi %mul3A_1158, %add3A_1159 : i32
        %broadcast_in_dim3A_1161 = vector.broadcast %add3A_1160 : i32 to vector<16xi32>
        %gather3A_1162 = tpu.vector_load_idx %arg5[%iota3A, %broadcast_in_dim3A_1161] : memref<16x128xi32, #tpu.memory_space<vmem>>[vector<16xi32>, vector<16xi32>], vector<16xi32>,
        tpu.vector_store_idx %arg9[%gather3A_1162], %broadcast_in_dim3A_5 : memref<4096xi32, #tpu.memory_space<vmem>>[vector<16xi32>], vector<16xi32>,
      } else {
      }
      %mul3A_589 = arith.constant 2 : i32
      %mul3A_590 = arith.muli %mul3A_589, %add3A_583 : i32
      %add3A_591 = arith.constant 0 : i32
      %add3A_592 = arith.addi %mul3A_590, %add3A_591 : i32
      %broadcast_in_dim3A_593 = vector.broadcast %add3A_592 : i32 to vector<16xi32>
      %gather3A_594 = tpu.vector_load_idx %arg5[%iota3A, %broadcast_in_dim3A_593] : memref<16x128xi32, #tpu.memory_space<vmem>>[vector<16xi32>, vector<16xi32>], vector<16xi32>,
      %broadcast_in_dim3A_595 = vector.broadcast %add3A_592 : i32 to vector<16xi32>
      %gather3A_596 = tpu.vector_load_idx %arg6[%iota3A, %broadcast_in_dim3A_595] : memref<16x128xf32, #tpu.memory_space<vmem>>[vector<16xi32>, vector<16xi32>], vector<16xf32>,
      tpu.vector_store_idx %arg7[%gather3A_594], %gather3A_596 {add = true} : memref<4096xf32, #tpu.memory_space<vmem>>[vector<16xi32>], vector<16xf32>,
      %gather3A_597 = tpu.vector_load_idx %arg7[%gather3A_594] : memref<4096xf32, #tpu.memory_space<vmem>>[vector<16xi32>], vector<16xf32>,
      tpu.vector_store_idx %arg7[%gather3A_594], %broadcast_in_dim3A_3 : memref<4096xf32, #tpu.memory_space<vmem>>[vector<16xi32>], vector<16xf32>,
      %broadcast_in_dim3A_598 = arith.constant 0 : i32
      %broadcast_in_dim3A_599 = vector.broadcast %broadcast_in_dim3A_598 : i32 to vector<16xi32>
      %broadcast_in_dim3A_600 = vector.broadcast %add3A_592 : i32 to vector<16xi32>
      %gather3A_601 = tpu.vector_load_idx %arg5[%broadcast_in_dim3A_599, %broadcast_in_dim3A_600] : memref<16x128xi32, #tpu.memory_space<vmem>>[vector<16xi32>, vector<16xi32>], vector<16xi32>,
      %eq3A_602 = arith.cmpi eq, %gather3A_594, %gather3A_601 : vector<16xi32>
      %gt3A_603 = arith.constant 0 : i32
      %gt3A_604 = vector.broadcast %gt3A_603 : i32 to vector<16xi32>
      %gt3A_605 = arith.cmpi sgt, %iota3A, %gt3A_604 : vector<16xi32>
      %and3A_606 = arith.andi %eq3A_602, %gt3A_605 : vector<16xi1>
      %jit3A_607 = arith.constant 1 : i32
      %jit3A_608 = arith.constant 0 : i32
      %broadcast_in_dim3A_609 = vector.broadcast %jit3A_607 : i32 to vector<16xi32>
      %broadcast_in_dim3A_610 = vector.broadcast %jit3A_608 : i32 to vector<16xi32>
      %select_n3A_611 = arith.select %and3A_606, %broadcast_in_dim3A_609, %broadcast_in_dim3A_610 : vector<16xi1>, vector<16xi32>
      %add3A_612 = arith.addi %broadcast_in_dim3A_5, %select_n3A_611 : vector<16xi32>
      %broadcast_in_dim3A_613 = arith.constant 1 : i32
      %broadcast_in_dim3A_614 = vector.broadcast %broadcast_in_dim3A_613 : i32 to vector<16xi32>
      %broadcast_in_dim3A_615 = vector.broadcast %add3A_592 : i32 to vector<16xi32>
      %gather3A_616 = tpu.vector_load_idx %arg5[%broadcast_in_dim3A_614, %broadcast_in_dim3A_615] : memref<16x128xi32, #tpu.memory_space<vmem>>[vector<16xi32>, vector<16xi32>], vector<16xi32>,
      %eq3A_617 = arith.cmpi eq, %gather3A_594, %gather3A_616 : vector<16xi32>
      %gt3A_618 = arith.constant 1 : i32
      %gt3A_619 = vector.broadcast %gt3A_618 : i32 to vector<16xi32>
      %gt3A_620 = arith.cmpi sgt, %iota3A, %gt3A_619 : vector<16xi32>
      %and3A_621 = arith.andi %eq3A_617, %gt3A_620 : vector<16xi1>
      %jit3A_622 = arith.constant 1 : i32
      %jit3A_623 = arith.constant 0 : i32
      %broadcast_in_dim3A_624 = vector.broadcast %jit3A_622 : i32 to vector<16xi32>
      %broadcast_in_dim3A_625 = vector.broadcast %jit3A_623 : i32 to vector<16xi32>
      %select_n3A_626 = arith.select %and3A_621, %broadcast_in_dim3A_624, %broadcast_in_dim3A_625 : vector<16xi1>, vector<16xi32>
      %add3A_627 = arith.addi %add3A_612, %select_n3A_626 : vector<16xi32>
      %broadcast_in_dim3A_628 = arith.constant 2 : i32
      %broadcast_in_dim3A_629 = vector.broadcast %broadcast_in_dim3A_628 : i32 to vector<16xi32>
      %broadcast_in_dim3A_630 = vector.broadcast %add3A_592 : i32 to vector<16xi32>
      %gather3A_631 = tpu.vector_load_idx %arg5[%broadcast_in_dim3A_629, %broadcast_in_dim3A_630] : memref<16x128xi32, #tpu.memory_space<vmem>>[vector<16xi32>, vector<16xi32>], vector<16xi32>,
      %eq3A_632 = arith.cmpi eq, %gather3A_594, %gather3A_631 : vector<16xi32>
      %gt3A_633 = arith.constant 2 : i32
      %gt3A_634 = vector.broadcast %gt3A_633 : i32 to vector<16xi32>
      %gt3A_635 = arith.cmpi sgt, %iota3A, %gt3A_634 : vector<16xi32>
      %and3A_636 = arith.andi %eq3A_632, %gt3A_635 : vector<16xi1>
      %jit3A_637 = arith.constant 1 : i32
      %jit3A_638 = arith.constant 0 : i32
      %broadcast_in_dim3A_639 = vector.broadcast %jit3A_637 : i32 to vector<16xi32>
      %broadcast_in_dim3A_640 = vector.broadcast %jit3A_638 : i32 to vector<16xi32>
      %select_n3A_641 = arith.select %and3A_636, %broadcast_in_dim3A_639, %broadcast_in_dim3A_640 : vector<16xi1>, vector<16xi32>
      %add3A_642 = arith.addi %add3A_627, %select_n3A_641 : vector<16xi32>
      %broadcast_in_dim3A_643 = arith.constant 3 : i32
      %broadcast_in_dim3A_644 = vector.broadcast %broadcast_in_dim3A_643 : i32 to vector<16xi32>
      %broadcast_in_dim3A_645 = vector.broadcast %add3A_592 : i32 to vector<16xi32>
      %gather3A_646 = tpu.vector_load_idx %arg5[%broadcast_in_dim3A_644, %broadcast_in_dim3A_645] : memref<16x128xi32, #tpu.memory_space<vmem>>[vector<16xi32>, vector<16xi32>], vector<16xi32>,
      %eq3A_647 = arith.cmpi eq, %gather3A_594, %gather3A_646 : vector<16xi32>
      %gt3A_648 = arith.constant 3 : i32
      %gt3A_649 = vector.broadcast %gt3A_648 : i32 to vector<16xi32>
      %gt3A_650 = arith.cmpi sgt, %iota3A, %gt3A_649 : vector<16xi32>
      %and3A_651 = arith.andi %eq3A_647, %gt3A_650 : vector<16xi1>
      %jit3A_652 = arith.constant 1 : i32
      %jit3A_653 = arith.constant 0 : i32
      %broadcast_in_dim3A_654 = vector.broadcast %jit3A_652 : i32 to vector<16xi32>
      %broadcast_in_dim3A_655 = vector.broadcast %jit3A_653 : i32 to vector<16xi32>
      %select_n3A_656 = arith.select %and3A_651, %broadcast_in_dim3A_654, %broadcast_in_dim3A_655 : vector<16xi1>, vector<16xi32>
      %add3A_657 = arith.addi %add3A_642, %select_n3A_656 : vector<16xi32>
      %broadcast_in_dim3A_658 = arith.constant 4 : i32
      %broadcast_in_dim3A_659 = vector.broadcast %broadcast_in_dim3A_658 : i32 to vector<16xi32>
      %broadcast_in_dim3A_660 = vector.broadcast %add3A_592 : i32 to vector<16xi32>
      %gather3A_661 = tpu.vector_load_idx %arg5[%broadcast_in_dim3A_659, %broadcast_in_dim3A_660] : memref<16x128xi32, #tpu.memory_space<vmem>>[vector<16xi32>, vector<16xi32>], vector<16xi32>,
      %eq3A_662 = arith.cmpi eq, %gather3A_594, %gather3A_661 : vector<16xi32>
      %gt3A_663 = arith.constant 4 : i32
      %gt3A_664 = vector.broadcast %gt3A_663 : i32 to vector<16xi32>
      %gt3A_665 = arith.cmpi sgt, %iota3A, %gt3A_664 : vector<16xi32>
      %and3A_666 = arith.andi %eq3A_662, %gt3A_665 : vector<16xi1>
      %jit3A_667 = arith.constant 1 : i32
      %jit3A_668 = arith.constant 0 : i32
      %broadcast_in_dim3A_669 = vector.broadcast %jit3A_667 : i32 to vector<16xi32>
      %broadcast_in_dim3A_670 = vector.broadcast %jit3A_668 : i32 to vector<16xi32>
      %select_n3A_671 = arith.select %and3A_666, %broadcast_in_dim3A_669, %broadcast_in_dim3A_670 : vector<16xi1>, vector<16xi32>
      %add3A_672 = arith.addi %add3A_657, %select_n3A_671 : vector<16xi32>
      %broadcast_in_dim3A_673 = arith.constant 5 : i32
      %broadcast_in_dim3A_674 = vector.broadcast %broadcast_in_dim3A_673 : i32 to vector<16xi32>
      %broadcast_in_dim3A_675 = vector.broadcast %add3A_592 : i32 to vector<16xi32>
      %gather3A_676 = tpu.vector_load_idx %arg5[%broadcast_in_dim3A_674, %broadcast_in_dim3A_675] : memref<16x128xi32, #tpu.memory_space<vmem>>[vector<16xi32>, vector<16xi32>], vector<16xi32>,
      %eq3A_677 = arith.cmpi eq, %gather3A_594, %gather3A_676 : vector<16xi32>
      %gt3A_678 = arith.constant 5 : i32
      %gt3A_679 = vector.broadcast %gt3A_678 : i32 to vector<16xi32>
      %gt3A_680 = arith.cmpi sgt, %iota3A, %gt3A_679 : vector<16xi32>
      %and3A_681 = arith.andi %eq3A_677, %gt3A_680 : vector<16xi1>
      %jit3A_682 = arith.constant 1 : i32
      %jit3A_683 = arith.constant 0 : i32
      %broadcast_in_dim3A_684 = vector.broadcast %jit3A_682 : i32 to vector<16xi32>
      %broadcast_in_dim3A_685 = vector.broadcast %jit3A_683 : i32 to vector<16xi32>
      %select_n3A_686 = arith.select %and3A_681, %broadcast_in_dim3A_684, %broadcast_in_dim3A_685 : vector<16xi1>, vector<16xi32>
      %add3A_687 = arith.addi %add3A_672, %select_n3A_686 : vector<16xi32>
      %broadcast_in_dim3A_688 = arith.constant 6 : i32
      %broadcast_in_dim3A_689 = vector.broadcast %broadcast_in_dim3A_688 : i32 to vector<16xi32>
      %broadcast_in_dim3A_690 = vector.broadcast %add3A_592 : i32 to vector<16xi32>
      %gather3A_691 = tpu.vector_load_idx %arg5[%broadcast_in_dim3A_689, %broadcast_in_dim3A_690] : memref<16x128xi32, #tpu.memory_space<vmem>>[vector<16xi32>, vector<16xi32>], vector<16xi32>,
      %eq3A_692 = arith.cmpi eq, %gather3A_594, %gather3A_691 : vector<16xi32>
      %gt3A_693 = arith.constant 6 : i32
      %gt3A_694 = vector.broadcast %gt3A_693 : i32 to vector<16xi32>
      %gt3A_695 = arith.cmpi sgt, %iota3A, %gt3A_694 : vector<16xi32>
      %and3A_696 = arith.andi %eq3A_692, %gt3A_695 : vector<16xi1>
      %jit3A_697 = arith.constant 1 : i32
      %jit3A_698 = arith.constant 0 : i32
      %broadcast_in_dim3A_699 = vector.broadcast %jit3A_697 : i32 to vector<16xi32>
      %broadcast_in_dim3A_700 = vector.broadcast %jit3A_698 : i32 to vector<16xi32>
      %select_n3A_701 = arith.select %and3A_696, %broadcast_in_dim3A_699, %broadcast_in_dim3A_700 : vector<16xi1>, vector<16xi32>
      %add3A_702 = arith.addi %add3A_687, %select_n3A_701 : vector<16xi32>
      %broadcast_in_dim3A_703 = arith.constant 7 : i32
      %broadcast_in_dim3A_704 = vector.broadcast %broadcast_in_dim3A_703 : i32 to vector<16xi32>
      %broadcast_in_dim3A_705 = vector.broadcast %add3A_592 : i32 to vector<16xi32>
      %gather3A_706 = tpu.vector_load_idx %arg5[%broadcast_in_dim3A_704, %broadcast_in_dim3A_705] : memref<16x128xi32, #tpu.memory_space<vmem>>[vector<16xi32>, vector<16xi32>], vector<16xi32>,
      %eq3A_707 = arith.cmpi eq, %gather3A_594, %gather3A_706 : vector<16xi32>
      %gt3A_708 = arith.constant 7 : i32
      %gt3A_709 = vector.broadcast %gt3A_708 : i32 to vector<16xi32>
      %gt3A_710 = arith.cmpi sgt, %iota3A, %gt3A_709 : vector<16xi32>
      %and3A_711 = arith.andi %eq3A_707, %gt3A_710 : vector<16xi1>
      %jit3A_712 = arith.constant 1 : i32
      %jit3A_713 = arith.constant 0 : i32
      %broadcast_in_dim3A_714 = vector.broadcast %jit3A_712 : i32 to vector<16xi32>
      %broadcast_in_dim3A_715 = vector.broadcast %jit3A_713 : i32 to vector<16xi32>
      %select_n3A_716 = arith.select %and3A_711, %broadcast_in_dim3A_714, %broadcast_in_dim3A_715 : vector<16xi1>, vector<16xi32>
      %add3A_717 = arith.addi %add3A_702, %select_n3A_716 : vector<16xi32>
      %broadcast_in_dim3A_718 = arith.constant 8 : i32
      %broadcast_in_dim3A_719 = vector.broadcast %broadcast_in_dim3A_718 : i32 to vector<16xi32>
      %broadcast_in_dim3A_720 = vector.broadcast %add3A_592 : i32 to vector<16xi32>
      %gather3A_721 = tpu.vector_load_idx %arg5[%broadcast_in_dim3A_719, %broadcast_in_dim3A_720] : memref<16x128xi32, #tpu.memory_space<vmem>>[vector<16xi32>, vector<16xi32>], vector<16xi32>,
      %eq3A_722 = arith.cmpi eq, %gather3A_594, %gather3A_721 : vector<16xi32>
      %gt3A_723 = arith.constant 8 : i32
      %gt3A_724 = vector.broadcast %gt3A_723 : i32 to vector<16xi32>
      %gt3A_725 = arith.cmpi sgt, %iota3A, %gt3A_724 : vector<16xi32>
      %and3A_726 = arith.andi %eq3A_722, %gt3A_725 : vector<16xi1>
      %jit3A_727 = arith.constant 1 : i32
      %jit3A_728 = arith.constant 0 : i32
      %broadcast_in_dim3A_729 = vector.broadcast %jit3A_727 : i32 to vector<16xi32>
      %broadcast_in_dim3A_730 = vector.broadcast %jit3A_728 : i32 to vector<16xi32>
      %select_n3A_731 = arith.select %and3A_726, %broadcast_in_dim3A_729, %broadcast_in_dim3A_730 : vector<16xi1>, vector<16xi32>
      %add3A_732 = arith.addi %add3A_717, %select_n3A_731 : vector<16xi32>
      %broadcast_in_dim3A_733 = arith.constant 9 : i32
      %broadcast_in_dim3A_734 = vector.broadcast %broadcast_in_dim3A_733 : i32 to vector<16xi32>
      %broadcast_in_dim3A_735 = vector.broadcast %add3A_592 : i32 to vector<16xi32>
      %gather3A_736 = tpu.vector_load_idx %arg5[%broadcast_in_dim3A_734, %broadcast_in_dim3A_735] : memref<16x128xi32, #tpu.memory_space<vmem>>[vector<16xi32>, vector<16xi32>], vector<16xi32>,
      %eq3A_737 = arith.cmpi eq, %gather3A_594, %gather3A_736 : vector<16xi32>
      %gt3A_738 = arith.constant 9 : i32
      %gt3A_739 = vector.broadcast %gt3A_738 : i32 to vector<16xi32>
      %gt3A_740 = arith.cmpi sgt, %iota3A, %gt3A_739 : vector<16xi32>
      %and3A_741 = arith.andi %eq3A_737, %gt3A_740 : vector<16xi1>
      %jit3A_742 = arith.constant 1 : i32
      %jit3A_743 = arith.constant 0 : i32
      %broadcast_in_dim3A_744 = vector.broadcast %jit3A_742 : i32 to vector<16xi32>
      %broadcast_in_dim3A_745 = vector.broadcast %jit3A_743 : i32 to vector<16xi32>
      %select_n3A_746 = arith.select %and3A_741, %broadcast_in_dim3A_744, %broadcast_in_dim3A_745 : vector<16xi1>, vector<16xi32>
      %add3A_747 = arith.addi %add3A_732, %select_n3A_746 : vector<16xi32>
      %broadcast_in_dim3A_748 = arith.constant 10 : i32
      %broadcast_in_dim3A_749 = vector.broadcast %broadcast_in_dim3A_748 : i32 to vector<16xi32>
      %broadcast_in_dim3A_750 = vector.broadcast %add3A_592 : i32 to vector<16xi32>
      %gather3A_751 = tpu.vector_load_idx %arg5[%broadcast_in_dim3A_749, %broadcast_in_dim3A_750] : memref<16x128xi32, #tpu.memory_space<vmem>>[vector<16xi32>, vector<16xi32>], vector<16xi32>,
      %eq3A_752 = arith.cmpi eq, %gather3A_594, %gather3A_751 : vector<16xi32>
      %gt3A_753 = arith.constant 10 : i32
      %gt3A_754 = vector.broadcast %gt3A_753 : i32 to vector<16xi32>
      %gt3A_755 = arith.cmpi sgt, %iota3A, %gt3A_754 : vector<16xi32>
      %and3A_756 = arith.andi %eq3A_752, %gt3A_755 : vector<16xi1>
      %jit3A_757 = arith.constant 1 : i32
      %jit3A_758 = arith.constant 0 : i32
      %broadcast_in_dim3A_759 = vector.broadcast %jit3A_757 : i32 to vector<16xi32>
      %broadcast_in_dim3A_760 = vector.broadcast %jit3A_758 : i32 to vector<16xi32>
      %select_n3A_761 = arith.select %and3A_756, %broadcast_in_dim3A_759, %broadcast_in_dim3A_760 : vector<16xi1>, vector<16xi32>
      %add3A_762 = arith.addi %add3A_747, %select_n3A_761 : vector<16xi32>
      %broadcast_in_dim3A_763 = arith.constant 11 : i32
      %broadcast_in_dim3A_764 = vector.broadcast %broadcast_in_dim3A_763 : i32 to vector<16xi32>
      %broadcast_in_dim3A_765 = vector.broadcast %add3A_592 : i32 to vector<16xi32>
      %gather3A_766 = tpu.vector_load_idx %arg5[%broadcast_in_dim3A_764, %broadcast_in_dim3A_765] : memref<16x128xi32, #tpu.memory_space<vmem>>[vector<16xi32>, vector<16xi32>], vector<16xi32>,
      %eq3A_767 = arith.cmpi eq, %gather3A_594, %gather3A_766 : vector<16xi32>
      %gt3A_768 = arith.constant 11 : i32
      %gt3A_769 = vector.broadcast %gt3A_768 : i32 to vector<16xi32>
      %gt3A_770 = arith.cmpi sgt, %iota3A, %gt3A_769 : vector<16xi32>
      %and3A_771 = arith.andi %eq3A_767, %gt3A_770 : vector<16xi1>
      %jit3A_772 = arith.constant 1 : i32
      %jit3A_773 = arith.constant 0 : i32
      %broadcast_in_dim3A_774 = vector.broadcast %jit3A_772 : i32 to vector<16xi32>
      %broadcast_in_dim3A_775 = vector.broadcast %jit3A_773 : i32 to vector<16xi32>
      %select_n3A_776 = arith.select %and3A_771, %broadcast_in_dim3A_774, %broadcast_in_dim3A_775 : vector<16xi1>, vector<16xi32>
      %add3A_777 = arith.addi %add3A_762, %select_n3A_776 : vector<16xi32>
      %broadcast_in_dim3A_778 = arith.constant 12 : i32
      %broadcast_in_dim3A_779 = vector.broadcast %broadcast_in_dim3A_778 : i32 to vector<16xi32>
      %broadcast_in_dim3A_780 = vector.broadcast %add3A_592 : i32 to vector<16xi32>
      %gather3A_781 = tpu.vector_load_idx %arg5[%broadcast_in_dim3A_779, %broadcast_in_dim3A_780] : memref<16x128xi32, #tpu.memory_space<vmem>>[vector<16xi32>, vector<16xi32>], vector<16xi32>,
      %eq3A_782 = arith.cmpi eq, %gather3A_594, %gather3A_781 : vector<16xi32>
      %gt3A_783 = arith.constant 12 : i32
      %gt3A_784 = vector.broadcast %gt3A_783 : i32 to vector<16xi32>
      %gt3A_785 = arith.cmpi sgt, %iota3A, %gt3A_784 : vector<16xi32>
      %and3A_786 = arith.andi %eq3A_782, %gt3A_785 : vector<16xi1>
      %jit3A_787 = arith.constant 1 : i32
      %jit3A_788 = arith.constant 0 : i32
      %broadcast_in_dim3A_789 = vector.broadcast %jit3A_787 : i32 to vector<16xi32>
      %broadcast_in_dim3A_790 = vector.broadcast %jit3A_788 : i32 to vector<16xi32>
      %select_n3A_791 = arith.select %and3A_786, %broadcast_in_dim3A_789, %broadcast_in_dim3A_790 : vector<16xi1>, vector<16xi32>
      %add3A_792 = arith.addi %add3A_777, %select_n3A_791 : vector<16xi32>
      %broadcast_in_dim3A_793 = arith.constant 13 : i32
      %broadcast_in_dim3A_794 = vector.broadcast %broadcast_in_dim3A_793 : i32 to vector<16xi32>
      %broadcast_in_dim3A_795 = vector.broadcast %add3A_592 : i32 to vector<16xi32>
      %gather3A_796 = tpu.vector_load_idx %arg5[%broadcast_in_dim3A_794, %broadcast_in_dim3A_795] : memref<16x128xi32, #tpu.memory_space<vmem>>[vector<16xi32>, vector<16xi32>], vector<16xi32>,
      %eq3A_797 = arith.cmpi eq, %gather3A_594, %gather3A_796 : vector<16xi32>
      %gt3A_798 = arith.constant 13 : i32
      %gt3A_799 = vector.broadcast %gt3A_798 : i32 to vector<16xi32>
      %gt3A_800 = arith.cmpi sgt, %iota3A, %gt3A_799 : vector<16xi32>
      %and3A_801 = arith.andi %eq3A_797, %gt3A_800 : vector<16xi1>
      %jit3A_802 = arith.constant 1 : i32
      %jit3A_803 = arith.constant 0 : i32
      %broadcast_in_dim3A_804 = vector.broadcast %jit3A_802 : i32 to vector<16xi32>
      %broadcast_in_dim3A_805 = vector.broadcast %jit3A_803 : i32 to vector<16xi32>
      %select_n3A_806 = arith.select %and3A_801, %broadcast_in_dim3A_804, %broadcast_in_dim3A_805 : vector<16xi1>, vector<16xi32>
      %add3A_807 = arith.addi %add3A_792, %select_n3A_806 : vector<16xi32>
      %broadcast_in_dim3A_808 = arith.constant 14 : i32
      %broadcast_in_dim3A_809 = vector.broadcast %broadcast_in_dim3A_808 : i32 to vector<16xi32>
      %broadcast_in_dim3A_810 = vector.broadcast %add3A_592 : i32 to vector<16xi32>
      %gather3A_811 = tpu.vector_load_idx %arg5[%broadcast_in_dim3A_809, %broadcast_in_dim3A_810] : memref<16x128xi32, #tpu.memory_space<vmem>>[vector<16xi32>, vector<16xi32>], vector<16xi32>,
      %eq3A_812 = arith.cmpi eq, %gather3A_594, %gather3A_811 : vector<16xi32>
      %gt3A_813 = arith.constant 14 : i32
      %gt3A_814 = vector.broadcast %gt3A_813 : i32 to vector<16xi32>
      %gt3A_815 = arith.cmpi sgt, %iota3A, %gt3A_814 : vector<16xi32>
      %and3A_816 = arith.andi %eq3A_812, %gt3A_815 : vector<16xi1>
      %jit3A_817 = arith.constant 1 : i32
      %jit3A_818 = arith.constant 0 : i32
      %broadcast_in_dim3A_819 = vector.broadcast %jit3A_817 : i32 to vector<16xi32>
      %broadcast_in_dim3A_820 = vector.broadcast %jit3A_818 : i32 to vector<16xi32>
      %select_n3A_821 = arith.select %and3A_816, %broadcast_in_dim3A_819, %broadcast_in_dim3A_820 : vector<16xi1>, vector<16xi32>
      %add3A_822 = arith.addi %add3A_807, %select_n3A_821 : vector<16xi32>
      %broadcast_in_dim3A_823 = arith.constant 15 : i32
      %broadcast_in_dim3A_824 = vector.broadcast %broadcast_in_dim3A_823 : i32 to vector<16xi32>
      %broadcast_in_dim3A_825 = vector.broadcast %add3A_592 : i32 to vector<16xi32>
      %gather3A_826 = tpu.vector_load_idx %arg5[%broadcast_in_dim3A_824, %broadcast_in_dim3A_825] : memref<16x128xi32, #tpu.memory_space<vmem>>[vector<16xi32>, vector<16xi32>], vector<16xi32>,
      %eq3A_827 = arith.cmpi eq, %gather3A_594, %gather3A_826 : vector<16xi32>
      %gt3A_828 = arith.constant 15 : i32
      %gt3A_829 = vector.broadcast %gt3A_828 : i32 to vector<16xi32>
      %gt3A_830 = arith.cmpi sgt, %iota3A, %gt3A_829 : vector<16xi32>
      %and3A_831 = arith.andi %eq3A_827, %gt3A_830 : vector<16xi1>
      %jit3A_832 = arith.constant 1 : i32
      %jit3A_833 = arith.constant 0 : i32
      %broadcast_in_dim3A_834 = vector.broadcast %jit3A_832 : i32 to vector<16xi32>
      %broadcast_in_dim3A_835 = vector.broadcast %jit3A_833 : i32 to vector<16xi32>
      %select_n3A_836 = arith.select %and3A_831, %broadcast_in_dim3A_834, %broadcast_in_dim3A_835 : vector<16xi1>, vector<16xi32>
      %add3A_837 = arith.addi %add3A_822, %select_n3A_836 : vector<16xi32>
      %bitcast3A_838 = vector.bitcast %gather3A_597 : vector<16xf32> to vector<16xi32>
      %add3A_839 = arith.constant 32767 : i32
      %add3A_840 = vector.broadcast %add3A_839 : i32 to vector<16xi32>
      %add3A_841 = arith.addi %bitcast3A_838, %add3A_840 : vector<16xi32>
      %shift_right_logical3A_842 = arith.constant 16 : i32
      %shift_right_logical3A_843 = vector.broadcast %shift_right_logical3A_842 : i32 to vector<16xi32>
      %shift_right_logical3A_844 = arith.shrui %bitcast3A_838, %shift_right_logical3A_843 : vector<16xi32>
      %and3A_845 = arith.constant 1 : i32
      %and3A_846 = vector.broadcast %and3A_845 : i32 to vector<16xi32>
      %and3A_847 = arith.andi %shift_right_logical3A_844, %and3A_846 : vector<16xi32>
      %add3A_848 = arith.addi %add3A_841, %and3A_847 : vector<16xi32>
      %shift_right_logical3A_849 = arith.constant 16 : i32
      %shift_right_logical3A_850 = vector.broadcast %shift_right_logical3A_849 : i32 to vector<16xi32>
      %shift_right_logical3A_851 = arith.shrui %add3A_848, %shift_right_logical3A_850 : vector<16xi32>
      %gt3A_852 = arith.constant 0 : i32
      %gt3A_853 = vector.broadcast %gt3A_852 : i32 to vector<16xi32>
      %gt3A_854 = arith.cmpi sgt, %add3A_837, %gt3A_853 : vector<16xi32>
      %broadcast_in_dim3A_855 = arith.constant 0 : i32
      %broadcast_in_dim3A_856 = vector.broadcast %broadcast_in_dim3A_855 : i32 to vector<16xi32>
      %select_n3A_857 = arith.select %gt3A_854, %broadcast_in_dim3A_856, %shift_right_logical3A_851 : vector<16xi1>, vector<16xi32>
      %bitcast3A_858 = vector.bitcast %select_n3A_857 : vector<16xi32> to vector<16xi32>
      tpu.vector_store_idx %arg9[%gather3A_594], %bitcast3A_858 {add = true} : memref<4096xi32, #tpu.memory_space<vmem>>[vector<16xi32>], vector<16xi32>,
      %mul3A_859 = arith.constant 2 : i32
      %mul3A_860 = arith.muli %mul3A_859, %add3A_583 : i32
      %add3A_861 = arith.constant 1 : i32
      %add3A_862 = arith.addi %mul3A_860, %add3A_861 : i32
      %broadcast_in_dim3A_863 = vector.broadcast %add3A_862 : i32 to vector<16xi32>
      %gather3A_864 = tpu.vector_load_idx %arg5[%iota3A, %broadcast_in_dim3A_863] : memref<16x128xi32, #tpu.memory_space<vmem>>[vector<16xi32>, vector<16xi32>], vector<16xi32>,
      %broadcast_in_dim3A_865 = vector.broadcast %add3A_862 : i32 to vector<16xi32>
      %gather3A_866 = tpu.vector_load_idx %arg6[%iota3A, %broadcast_in_dim3A_865] : memref<16x128xf32, #tpu.memory_space<vmem>>[vector<16xi32>, vector<16xi32>], vector<16xf32>,
      tpu.vector_store_idx %arg7[%gather3A_864], %gather3A_866 {add = true} : memref<4096xf32, #tpu.memory_space<vmem>>[vector<16xi32>], vector<16xf32>,
      %gather3A_867 = tpu.vector_load_idx %arg7[%gather3A_864] : memref<4096xf32, #tpu.memory_space<vmem>>[vector<16xi32>], vector<16xf32>,
      tpu.vector_store_idx %arg7[%gather3A_864], %broadcast_in_dim3A_3 : memref<4096xf32, #tpu.memory_space<vmem>>[vector<16xi32>], vector<16xf32>,
      %broadcast_in_dim3A_868 = arith.constant 0 : i32
      %broadcast_in_dim3A_869 = vector.broadcast %broadcast_in_dim3A_868 : i32 to vector<16xi32>
      %broadcast_in_dim3A_870 = vector.broadcast %add3A_862 : i32 to vector<16xi32>
      %gather3A_871 = tpu.vector_load_idx %arg5[%broadcast_in_dim3A_869, %broadcast_in_dim3A_870] : memref<16x128xi32, #tpu.memory_space<vmem>>[vector<16xi32>, vector<16xi32>], vector<16xi32>,
      %eq3A_872 = arith.cmpi eq, %gather3A_864, %gather3A_871 : vector<16xi32>
      %gt3A_873 = arith.constant 0 : i32
      %gt3A_874 = vector.broadcast %gt3A_873 : i32 to vector<16xi32>
      %gt3A_875 = arith.cmpi sgt, %iota3A, %gt3A_874 : vector<16xi32>
      %and3A_876 = arith.andi %eq3A_872, %gt3A_875 : vector<16xi1>
      %jit3A_877 = arith.constant 1 : i32
      %jit3A_878 = arith.constant 0 : i32
      %broadcast_in_dim3A_879 = vector.broadcast %jit3A_877 : i32 to vector<16xi32>
      %broadcast_in_dim3A_880 = vector.broadcast %jit3A_878 : i32 to vector<16xi32>
      %select_n3A_881 = arith.select %and3A_876, %broadcast_in_dim3A_879, %broadcast_in_dim3A_880 : vector<16xi1>, vector<16xi32>
      %add3A_882 = arith.addi %broadcast_in_dim3A_5, %select_n3A_881 : vector<16xi32>
      %broadcast_in_dim3A_883 = arith.constant 1 : i32
      %broadcast_in_dim3A_884 = vector.broadcast %broadcast_in_dim3A_883 : i32 to vector<16xi32>
      %broadcast_in_dim3A_885 = vector.broadcast %add3A_862 : i32 to vector<16xi32>
      %gather3A_886 = tpu.vector_load_idx %arg5[%broadcast_in_dim3A_884, %broadcast_in_dim3A_885] : memref<16x128xi32, #tpu.memory_space<vmem>>[vector<16xi32>, vector<16xi32>], vector<16xi32>,
      %eq3A_887 = arith.cmpi eq, %gather3A_864, %gather3A_886 : vector<16xi32>
      %gt3A_888 = arith.constant 1 : i32
      %gt3A_889 = vector.broadcast %gt3A_888 : i32 to vector<16xi32>
      %gt3A_890 = arith.cmpi sgt, %iota3A, %gt3A_889 : vector<16xi32>
      %and3A_891 = arith.andi %eq3A_887, %gt3A_890 : vector<16xi1>
      %jit3A_892 = arith.constant 1 : i32
      %jit3A_893 = arith.constant 0 : i32
      %broadcast_in_dim3A_894 = vector.broadcast %jit3A_892 : i32 to vector<16xi32>
      %broadcast_in_dim3A_895 = vector.broadcast %jit3A_893 : i32 to vector<16xi32>
      %select_n3A_896 = arith.select %and3A_891, %broadcast_in_dim3A_894, %broadcast_in_dim3A_895 : vector<16xi1>, vector<16xi32>
      %add3A_897 = arith.addi %add3A_882, %select_n3A_896 : vector<16xi32>
      %broadcast_in_dim3A_898 = arith.constant 2 : i32
      %broadcast_in_dim3A_899 = vector.broadcast %broadcast_in_dim3A_898 : i32 to vector<16xi32>
      %broadcast_in_dim3A_900 = vector.broadcast %add3A_862 : i32 to vector<16xi32>
      %gather3A_901 = tpu.vector_load_idx %arg5[%broadcast_in_dim3A_899, %broadcast_in_dim3A_900] : memref<16x128xi32, #tpu.memory_space<vmem>>[vector<16xi32>, vector<16xi32>], vector<16xi32>,
      %eq3A_902 = arith.cmpi eq, %gather3A_864, %gather3A_901 : vector<16xi32>
      %gt3A_903 = arith.constant 2 : i32
      %gt3A_904 = vector.broadcast %gt3A_903 : i32 to vector<16xi32>
      %gt3A_905 = arith.cmpi sgt, %iota3A, %gt3A_904 : vector<16xi32>
      %and3A_906 = arith.andi %eq3A_902, %gt3A_905 : vector<16xi1>
      %jit3A_907 = arith.constant 1 : i32
      %jit3A_908 = arith.constant 0 : i32
      %broadcast_in_dim3A_909 = vector.broadcast %jit3A_907 : i32 to vector<16xi32>
      %broadcast_in_dim3A_910 = vector.broadcast %jit3A_908 : i32 to vector<16xi32>
      %select_n3A_911 = arith.select %and3A_906, %broadcast_in_dim3A_909, %broadcast_in_dim3A_910 : vector<16xi1>, vector<16xi32>
      %add3A_912 = arith.addi %add3A_897, %select_n3A_911 : vector<16xi32>
      %broadcast_in_dim3A_913 = arith.constant 3 : i32
      %broadcast_in_dim3A_914 = vector.broadcast %broadcast_in_dim3A_913 : i32 to vector<16xi32>
      %broadcast_in_dim3A_915 = vector.broadcast %add3A_862 : i32 to vector<16xi32>
      %gather3A_916 = tpu.vector_load_idx %arg5[%broadcast_in_dim3A_914, %broadcast_in_dim3A_915] : memref<16x128xi32, #tpu.memory_space<vmem>>[vector<16xi32>, vector<16xi32>], vector<16xi32>,
      %eq3A_917 = arith.cmpi eq, %gather3A_864, %gather3A_916 : vector<16xi32>
      %gt3A_918 = arith.constant 3 : i32
      %gt3A_919 = vector.broadcast %gt3A_918 : i32 to vector<16xi32>
      %gt3A_920 = arith.cmpi sgt, %iota3A, %gt3A_919 : vector<16xi32>
      %and3A_921 = arith.andi %eq3A_917, %gt3A_920 : vector<16xi1>
      %jit3A_922 = arith.constant 1 : i32
      %jit3A_923 = arith.constant 0 : i32
      %broadcast_in_dim3A_924 = vector.broadcast %jit3A_922 : i32 to vector<16xi32>
      %broadcast_in_dim3A_925 = vector.broadcast %jit3A_923 : i32 to vector<16xi32>
      %select_n3A_926 = arith.select %and3A_921, %broadcast_in_dim3A_924, %broadcast_in_dim3A_925 : vector<16xi1>, vector<16xi32>
      %add3A_927 = arith.addi %add3A_912, %select_n3A_926 : vector<16xi32>
      %broadcast_in_dim3A_928 = arith.constant 4 : i32
      %broadcast_in_dim3A_929 = vector.broadcast %broadcast_in_dim3A_928 : i32 to vector<16xi32>
      %broadcast_in_dim3A_930 = vector.broadcast %add3A_862 : i32 to vector<16xi32>
      %gather3A_931 = tpu.vector_load_idx %arg5[%broadcast_in_dim3A_929, %broadcast_in_dim3A_930] : memref<16x128xi32, #tpu.memory_space<vmem>>[vector<16xi32>, vector<16xi32>], vector<16xi32>,
      %eq3A_932 = arith.cmpi eq, %gather3A_864, %gather3A_931 : vector<16xi32>
      %gt3A_933 = arith.constant 4 : i32
      %gt3A_934 = vector.broadcast %gt3A_933 : i32 to vector<16xi32>
      %gt3A_935 = arith.cmpi sgt, %iota3A, %gt3A_934 : vector<16xi32>
      %and3A_936 = arith.andi %eq3A_932, %gt3A_935 : vector<16xi1>
      %jit3A_937 = arith.constant 1 : i32
      %jit3A_938 = arith.constant 0 : i32
      %broadcast_in_dim3A_939 = vector.broadcast %jit3A_937 : i32 to vector<16xi32>
      %broadcast_in_dim3A_940 = vector.broadcast %jit3A_938 : i32 to vector<16xi32>
      %select_n3A_941 = arith.select %and3A_936, %broadcast_in_dim3A_939, %broadcast_in_dim3A_940 : vector<16xi1>, vector<16xi32>
      %add3A_942 = arith.addi %add3A_927, %select_n3A_941 : vector<16xi32>
      %broadcast_in_dim3A_943 = arith.constant 5 : i32
      %broadcast_in_dim3A_944 = vector.broadcast %broadcast_in_dim3A_943 : i32 to vector<16xi32>
      %broadcast_in_dim3A_945 = vector.broadcast %add3A_862 : i32 to vector<16xi32>
      %gather3A_946 = tpu.vector_load_idx %arg5[%broadcast_in_dim3A_944, %broadcast_in_dim3A_945] : memref<16x128xi32, #tpu.memory_space<vmem>>[vector<16xi32>, vector<16xi32>], vector<16xi32>,
      %eq3A_947 = arith.cmpi eq, %gather3A_864, %gather3A_946 : vector<16xi32>
      %gt3A_948 = arith.constant 5 : i32
      %gt3A_949 = vector.broadcast %gt3A_948 : i32 to vector<16xi32>
      %gt3A_950 = arith.cmpi sgt, %iota3A, %gt3A_949 : vector<16xi32>
      %and3A_951 = arith.andi %eq3A_947, %gt3A_950 : vector<16xi1>
      %jit3A_952 = arith.constant 1 : i32
      %jit3A_953 = arith.constant 0 : i32
      %broadcast_in_dim3A_954 = vector.broadcast %jit3A_952 : i32 to vector<16xi32>
      %broadcast_in_dim3A_955 = vector.broadcast %jit3A_953 : i32 to vector<16xi32>
      %select_n3A_956 = arith.select %and3A_951, %broadcast_in_dim3A_954, %broadcast_in_dim3A_955 : vector<16xi1>, vector<16xi32>
      %add3A_957 = arith.addi %add3A_942, %select_n3A_956 : vector<16xi32>
      %broadcast_in_dim3A_958 = arith.constant 6 : i32
      %broadcast_in_dim3A_959 = vector.broadcast %broadcast_in_dim3A_958 : i32 to vector<16xi32>
      %broadcast_in_dim3A_960 = vector.broadcast %add3A_862 : i32 to vector<16xi32>
      %gather3A_961 = tpu.vector_load_idx %arg5[%broadcast_in_dim3A_959, %broadcast_in_dim3A_960] : memref<16x128xi32, #tpu.memory_space<vmem>>[vector<16xi32>, vector<16xi32>], vector<16xi32>,
      %eq3A_962 = arith.cmpi eq, %gather3A_864, %gather3A_961 : vector<16xi32>
      %gt3A_963 = arith.constant 6 : i32
      %gt3A_964 = vector.broadcast %gt3A_963 : i32 to vector<16xi32>
      %gt3A_965 = arith.cmpi sgt, %iota3A, %gt3A_964 : vector<16xi32>
      %and3A_966 = arith.andi %eq3A_962, %gt3A_965 : vector<16xi1>
      %jit3A_967 = arith.constant 1 : i32
      %jit3A_968 = arith.constant 0 : i32
      %broadcast_in_dim3A_969 = vector.broadcast %jit3A_967 : i32 to vector<16xi32>
      %broadcast_in_dim3A_970 = vector.broadcast %jit3A_968 : i32 to vector<16xi32>
      %select_n3A_971 = arith.select %and3A_966, %broadcast_in_dim3A_969, %broadcast_in_dim3A_970 : vector<16xi1>, vector<16xi32>
      %add3A_972 = arith.addi %add3A_957, %select_n3A_971 : vector<16xi32>
      %broadcast_in_dim3A_973 = arith.constant 7 : i32
      %broadcast_in_dim3A_974 = vector.broadcast %broadcast_in_dim3A_973 : i32 to vector<16xi32>
      %broadcast_in_dim3A_975 = vector.broadcast %add3A_862 : i32 to vector<16xi32>
      %gather3A_976 = tpu.vector_load_idx %arg5[%broadcast_in_dim3A_974, %broadcast_in_dim3A_975] : memref<16x128xi32, #tpu.memory_space<vmem>>[vector<16xi32>, vector<16xi32>], vector<16xi32>,
      %eq3A_977 = arith.cmpi eq, %gather3A_864, %gather3A_976 : vector<16xi32>
      %gt3A_978 = arith.constant 7 : i32
      %gt3A_979 = vector.broadcast %gt3A_978 : i32 to vector<16xi32>
      %gt3A_980 = arith.cmpi sgt, %iota3A, %gt3A_979 : vector<16xi32>
      %and3A_981 = arith.andi %eq3A_977, %gt3A_980 : vector<16xi1>
      %jit3A_982 = arith.constant 1 : i32
      %jit3A_983 = arith.constant 0 : i32
      %broadcast_in_dim3A_984 = vector.broadcast %jit3A_982 : i32 to vector<16xi32>
      %broadcast_in_dim3A_985 = vector.broadcast %jit3A_983 : i32 to vector<16xi32>
      %select_n3A_986 = arith.select %and3A_981, %broadcast_in_dim3A_984, %broadcast_in_dim3A_985 : vector<16xi1>, vector<16xi32>
      %add3A_987 = arith.addi %add3A_972, %select_n3A_986 : vector<16xi32>
      %broadcast_in_dim3A_988 = arith.constant 8 : i32
      %broadcast_in_dim3A_989 = vector.broadcast %broadcast_in_dim3A_988 : i32 to vector<16xi32>
      %broadcast_in_dim3A_990 = vector.broadcast %add3A_862 : i32 to vector<16xi32>
      %gather3A_991 = tpu.vector_load_idx %arg5[%broadcast_in_dim3A_989, %broadcast_in_dim3A_990] : memref<16x128xi32, #tpu.memory_space<vmem>>[vector<16xi32>, vector<16xi32>], vector<16xi32>,
      %eq3A_992 = arith.cmpi eq, %gather3A_864, %gather3A_991 : vector<16xi32>
      %gt3A_993 = arith.constant 8 : i32
      %gt3A_994 = vector.broadcast %gt3A_993 : i32 to vector<16xi32>
      %gt3A_995 = arith.cmpi sgt, %iota3A, %gt3A_994 : vector<16xi32>
      %and3A_996 = arith.andi %eq3A_992, %gt3A_995 : vector<16xi1>
      %jit3A_997 = arith.constant 1 : i32
      %jit3A_998 = arith.constant 0 : i32
      %broadcast_in_dim3A_999 = vector.broadcast %jit3A_997 : i32 to vector<16xi32>
      %broadcast_in_dim3A_1000 = vector.broadcast %jit3A_998 : i32 to vector<16xi32>
      %select_n3A_1001 = arith.select %and3A_996, %broadcast_in_dim3A_999, %broadcast_in_dim3A_1000 : vector<16xi1>, vector<16xi32>
      %add3A_1002 = arith.addi %add3A_987, %select_n3A_1001 : vector<16xi32>
      %broadcast_in_dim3A_1003 = arith.constant 9 : i32
      %broadcast_in_dim3A_1004 = vector.broadcast %broadcast_in_dim3A_1003 : i32 to vector<16xi32>
      %broadcast_in_dim3A_1005 = vector.broadcast %add3A_862 : i32 to vector<16xi32>
      %gather3A_1006 = tpu.vector_load_idx %arg5[%broadcast_in_dim3A_1004, %broadcast_in_dim3A_1005] : memref<16x128xi32, #tpu.memory_space<vmem>>[vector<16xi32>, vector<16xi32>], vector<16xi32>,
      %eq3A_1007 = arith.cmpi eq, %gather3A_864, %gather3A_1006 : vector<16xi32>
      %gt3A_1008 = arith.constant 9 : i32
      %gt3A_1009 = vector.broadcast %gt3A_1008 : i32 to vector<16xi32>
      %gt3A_1010 = arith.cmpi sgt, %iota3A, %gt3A_1009 : vector<16xi32>
      %and3A_1011 = arith.andi %eq3A_1007, %gt3A_1010 : vector<16xi1>
      %jit3A_1012 = arith.constant 1 : i32
      %jit3A_1013 = arith.constant 0 : i32
      %broadcast_in_dim3A_1014 = vector.broadcast %jit3A_1012 : i32 to vector<16xi32>
      %broadcast_in_dim3A_1015 = vector.broadcast %jit3A_1013 : i32 to vector<16xi32>
      %select_n3A_1016 = arith.select %and3A_1011, %broadcast_in_dim3A_1014, %broadcast_in_dim3A_1015 : vector<16xi1>, vector<16xi32>
      %add3A_1017 = arith.addi %add3A_1002, %select_n3A_1016 : vector<16xi32>
      %broadcast_in_dim3A_1018 = arith.constant 10 : i32
      %broadcast_in_dim3A_1019 = vector.broadcast %broadcast_in_dim3A_1018 : i32 to vector<16xi32>
      %broadcast_in_dim3A_1020 = vector.broadcast %add3A_862 : i32 to vector<16xi32>
      %gather3A_1021 = tpu.vector_load_idx %arg5[%broadcast_in_dim3A_1019, %broadcast_in_dim3A_1020] : memref<16x128xi32, #tpu.memory_space<vmem>>[vector<16xi32>, vector<16xi32>], vector<16xi32>,
      %eq3A_1022 = arith.cmpi eq, %gather3A_864, %gather3A_1021 : vector<16xi32>
      %gt3A_1023 = arith.constant 10 : i32
      %gt3A_1024 = vector.broadcast %gt3A_1023 : i32 to vector<16xi32>
      %gt3A_1025 = arith.cmpi sgt, %iota3A, %gt3A_1024 : vector<16xi32>
      %and3A_1026 = arith.andi %eq3A_1022, %gt3A_1025 : vector<16xi1>
      %jit3A_1027 = arith.constant 1 : i32
      %jit3A_1028 = arith.constant 0 : i32
      %broadcast_in_dim3A_1029 = vector.broadcast %jit3A_1027 : i32 to vector<16xi32>
      %broadcast_in_dim3A_1030 = vector.broadcast %jit3A_1028 : i32 to vector<16xi32>
      %select_n3A_1031 = arith.select %and3A_1026, %broadcast_in_dim3A_1029, %broadcast_in_dim3A_1030 : vector<16xi1>, vector<16xi32>
      %add3A_1032 = arith.addi %add3A_1017, %select_n3A_1031 : vector<16xi32>
      %broadcast_in_dim3A_1033 = arith.constant 11 : i32
      %broadcast_in_dim3A_1034 = vector.broadcast %broadcast_in_dim3A_1033 : i32 to vector<16xi32>
      %broadcast_in_dim3A_1035 = vector.broadcast %add3A_862 : i32 to vector<16xi32>
      %gather3A_1036 = tpu.vector_load_idx %arg5[%broadcast_in_dim3A_1034, %broadcast_in_dim3A_1035] : memref<16x128xi32, #tpu.memory_space<vmem>>[vector<16xi32>, vector<16xi32>], vector<16xi32>,
      %eq3A_1037 = arith.cmpi eq, %gather3A_864, %gather3A_1036 : vector<16xi32>
      %gt3A_1038 = arith.constant 11 : i32
      %gt3A_1039 = vector.broadcast %gt3A_1038 : i32 to vector<16xi32>
      %gt3A_1040 = arith.cmpi sgt, %iota3A, %gt3A_1039 : vector<16xi32>
      %and3A_1041 = arith.andi %eq3A_1037, %gt3A_1040 : vector<16xi1>
      %jit3A_1042 = arith.constant 1 : i32
      %jit3A_1043 = arith.constant 0 : i32
      %broadcast_in_dim3A_1044 = vector.broadcast %jit3A_1042 : i32 to vector<16xi32>
      %broadcast_in_dim3A_1045 = vector.broadcast %jit3A_1043 : i32 to vector<16xi32>
      %select_n3A_1046 = arith.select %and3A_1041, %broadcast_in_dim3A_1044, %broadcast_in_dim3A_1045 : vector<16xi1>, vector<16xi32>
      %add3A_1047 = arith.addi %add3A_1032, %select_n3A_1046 : vector<16xi32>
      %broadcast_in_dim3A_1048 = arith.constant 12 : i32
      %broadcast_in_dim3A_1049 = vector.broadcast %broadcast_in_dim3A_1048 : i32 to vector<16xi32>
      %broadcast_in_dim3A_1050 = vector.broadcast %add3A_862 : i32 to vector<16xi32>
      %gather3A_1051 = tpu.vector_load_idx %arg5[%broadcast_in_dim3A_1049, %broadcast_in_dim3A_1050] : memref<16x128xi32, #tpu.memory_space<vmem>>[vector<16xi32>, vector<16xi32>], vector<16xi32>,
      %eq3A_1052 = arith.cmpi eq, %gather3A_864, %gather3A_1051 : vector<16xi32>
      %gt3A_1053 = arith.constant 12 : i32
      %gt3A_1054 = vector.broadcast %gt3A_1053 : i32 to vector<16xi32>
      %gt3A_1055 = arith.cmpi sgt, %iota3A, %gt3A_1054 : vector<16xi32>
      %and3A_1056 = arith.andi %eq3A_1052, %gt3A_1055 : vector<16xi1>
      %jit3A_1057 = arith.constant 1 : i32
      %jit3A_1058 = arith.constant 0 : i32
      %broadcast_in_dim3A_1059 = vector.broadcast %jit3A_1057 : i32 to vector<16xi32>
      %broadcast_in_dim3A_1060 = vector.broadcast %jit3A_1058 : i32 to vector<16xi32>
      %select_n3A_1061 = arith.select %and3A_1056, %broadcast_in_dim3A_1059, %broadcast_in_dim3A_1060 : vector<16xi1>, vector<16xi32>
      %add3A_1062 = arith.addi %add3A_1047, %select_n3A_1061 : vector<16xi32>
      %broadcast_in_dim3A_1063 = arith.constant 13 : i32
      %broadcast_in_dim3A_1064 = vector.broadcast %broadcast_in_dim3A_1063 : i32 to vector<16xi32>
      %broadcast_in_dim3A_1065 = vector.broadcast %add3A_862 : i32 to vector<16xi32>
      %gather3A_1066 = tpu.vector_load_idx %arg5[%broadcast_in_dim3A_1064, %broadcast_in_dim3A_1065] : memref<16x128xi32, #tpu.memory_space<vmem>>[vector<16xi32>, vector<16xi32>], vector<16xi32>,
      %eq3A_1067 = arith.cmpi eq, %gather3A_864, %gather3A_1066 : vector<16xi32>
      %gt3A_1068 = arith.constant 13 : i32
      %gt3A_1069 = vector.broadcast %gt3A_1068 : i32 to vector<16xi32>
      %gt3A_1070 = arith.cmpi sgt, %iota3A, %gt3A_1069 : vector<16xi32>
      %and3A_1071 = arith.andi %eq3A_1067, %gt3A_1070 : vector<16xi1>
      %jit3A_1072 = arith.constant 1 : i32
      %jit3A_1073 = arith.constant 0 : i32
      %broadcast_in_dim3A_1074 = vector.broadcast %jit3A_1072 : i32 to vector<16xi32>
      %broadcast_in_dim3A_1075 = vector.broadcast %jit3A_1073 : i32 to vector<16xi32>
      %select_n3A_1076 = arith.select %and3A_1071, %broadcast_in_dim3A_1074, %broadcast_in_dim3A_1075 : vector<16xi1>, vector<16xi32>
      %add3A_1077 = arith.addi %add3A_1062, %select_n3A_1076 : vector<16xi32>
      %broadcast_in_dim3A_1078 = arith.constant 14 : i32
      %broadcast_in_dim3A_1079 = vector.broadcast %broadcast_in_dim3A_1078 : i32 to vector<16xi32>
      %broadcast_in_dim3A_1080 = vector.broadcast %add3A_862 : i32 to vector<16xi32>
      %gather3A_1081 = tpu.vector_load_idx %arg5[%broadcast_in_dim3A_1079, %broadcast_in_dim3A_1080] : memref<16x128xi32, #tpu.memory_space<vmem>>[vector<16xi32>, vector<16xi32>], vector<16xi32>,
      %eq3A_1082 = arith.cmpi eq, %gather3A_864, %gather3A_1081 : vector<16xi32>
      %gt3A_1083 = arith.constant 14 : i32
      %gt3A_1084 = vector.broadcast %gt3A_1083 : i32 to vector<16xi32>
      %gt3A_1085 = arith.cmpi sgt, %iota3A, %gt3A_1084 : vector<16xi32>
      %and3A_1086 = arith.andi %eq3A_1082, %gt3A_1085 : vector<16xi1>
      %jit3A_1087 = arith.constant 1 : i32
      %jit3A_1088 = arith.constant 0 : i32
      %broadcast_in_dim3A_1089 = vector.broadcast %jit3A_1087 : i32 to vector<16xi32>
      %broadcast_in_dim3A_1090 = vector.broadcast %jit3A_1088 : i32 to vector<16xi32>
      %select_n3A_1091 = arith.select %and3A_1086, %broadcast_in_dim3A_1089, %broadcast_in_dim3A_1090 : vector<16xi1>, vector<16xi32>
      %add3A_1092 = arith.addi %add3A_1077, %select_n3A_1091 : vector<16xi32>
      %broadcast_in_dim3A_1093 = arith.constant 15 : i32
      %broadcast_in_dim3A_1094 = vector.broadcast %broadcast_in_dim3A_1093 : i32 to vector<16xi32>
      %broadcast_in_dim3A_1095 = vector.broadcast %add3A_862 : i32 to vector<16xi32>
      %gather3A_1096 = tpu.vector_load_idx %arg5[%broadcast_in_dim3A_1094, %broadcast_in_dim3A_1095] : memref<16x128xi32, #tpu.memory_space<vmem>>[vector<16xi32>, vector<16xi32>], vector<16xi32>,
      %eq3A_1097 = arith.cmpi eq, %gather3A_864, %gather3A_1096 : vector<16xi32>
      %gt3A_1098 = arith.constant 15 : i32
      %gt3A_1099 = vector.broadcast %gt3A_1098 : i32 to vector<16xi32>
      %gt3A_1100 = arith.cmpi sgt, %iota3A, %gt3A_1099 : vector<16xi32>
      %and3A_1101 = arith.andi %eq3A_1097, %gt3A_1100 : vector<16xi1>
      %jit3A_1102 = arith.constant 1 : i32
      %jit3A_1103 = arith.constant 0 : i32
      %broadcast_in_dim3A_1104 = vector.broadcast %jit3A_1102 : i32 to vector<16xi32>
      %broadcast_in_dim3A_1105 = vector.broadcast %jit3A_1103 : i32 to vector<16xi32>
      %select_n3A_1106 = arith.select %and3A_1101, %broadcast_in_dim3A_1104, %broadcast_in_dim3A_1105 : vector<16xi1>, vector<16xi32>
      %add3A_1107 = arith.addi %add3A_1092, %select_n3A_1106 : vector<16xi32>
      %bitcast3A_1108 = vector.bitcast %gather3A_867 : vector<16xf32> to vector<16xi32>
      %add3A_1109 = arith.constant 32767 : i32
      %add3A_1110 = vector.broadcast %add3A_1109 : i32 to vector<16xi32>
      %add3A_1111 = arith.addi %bitcast3A_1108, %add3A_1110 : vector<16xi32>
      %shift_right_logical3A_1112 = arith.constant 16 : i32
      %shift_right_logical3A_1113 = vector.broadcast %shift_right_logical3A_1112 : i32 to vector<16xi32>
      %shift_right_logical3A_1114 = arith.shrui %bitcast3A_1108, %shift_right_logical3A_1113 : vector<16xi32>
      %and3A_1115 = arith.constant 1 : i32
      %and3A_1116 = vector.broadcast %and3A_1115 : i32 to vector<16xi32>
      %and3A_1117 = arith.andi %shift_right_logical3A_1114, %and3A_1116 : vector<16xi32>
      %add3A_1118 = arith.addi %add3A_1111, %and3A_1117 : vector<16xi32>
      %shift_right_logical3A_1119 = arith.constant 16 : i32
      %shift_right_logical3A_1120 = vector.broadcast %shift_right_logical3A_1119 : i32 to vector<16xi32>
      %shift_right_logical3A_1121 = arith.shrui %add3A_1118, %shift_right_logical3A_1120 : vector<16xi32>
      %shift_left3A_1122 = arith.constant 16 : i32
      %shift_left3A_1123 = vector.broadcast %shift_left3A_1122 : i32 to vector<16xi32>
      %shift_left3A_1124 = arith.shli %shift_right_logical3A_1121, %shift_left3A_1123 : vector<16xi32>
      %gt3A_1125 = arith.constant 0 : i32
      %gt3A_1126 = vector.broadcast %gt3A_1125 : i32 to vector<16xi32>
      %gt3A_1127 = arith.cmpi sgt, %add3A_1107, %gt3A_1126 : vector<16xi32>
      %broadcast_in_dim3A_1128 = arith.constant 0 : i32
      %broadcast_in_dim3A_1129 = vector.broadcast %broadcast_in_dim3A_1128 : i32 to vector<16xi32>
      %select_n3A_1130 = arith.select %gt3A_1127, %broadcast_in_dim3A_1129, %shift_left3A_1124 : vector<16xi1>, vector<16xi32>
      %bitcast3A_1131 = vector.bitcast %select_n3A_1130 : vector<16xi32> to vector<16xi32>
      tpu.vector_store_idx %arg9[%gather3A_864], %bitcast3A_1131 {add = true} : memref<4096xi32, #tpu.memory_space<vmem>>[vector<16xi32>], vector<16xi32>,
      %mul3A_1132 = arith.constant 64 : i32
      %mul3A_1133 = arith.muli %add3A, %mul3A_1132 : i32
      %add3A_1134 = arith.addi %mul3A_1133, %add3A_583 : i32
      %dma_start3A_1135 = arith.constant 0 : i32
      %dma_start3A_1136 = tpu.memref_slice %arg4[%add3A_1134, %dma_start3A_1135] : memref<2048x4096xi32, #tpu.memory_space<hbm>> -> memref<1x4096xi32, #tpu.memory_space<hbm>>
      %dma_start3A_1137 = tpu.memref_squeeze %dma_start3A_1136 : memref<1x4096xi32, #tpu.memory_space<hbm>> -> memref<4096xi32, #tpu.memory_space<hbm>>
      %dma_start3A_1138 = arith.constant 0 : i32
      %dma_start3A_1139 = tpu.memref_slice %arg4[%add3A_1134, %dma_start3A_1138] : memref<2048x4096xi32, #tpu.memory_space<hbm>> -> memref<1x4096xi32, #tpu.memory_space<hbm>>
      %dma_start3A_1140 = tpu.memref_squeeze %dma_start3A_1139 : memref<1x4096xi32, #tpu.memory_space<hbm>> -> memref<4096xi32, #tpu.memory_space<hbm>>
      tpu.enqueue_dma source(%arg9 : memref<4096xi32, #tpu.memory_space<vmem>>) target(%dma_start3A_1140 : memref<4096xi32, #tpu.memory_space<hbm>>) target_semaphore(%arg11 : memref<!tpu.dma_semaphore, #tpu.memory_space<semaphore_mem>>)
    }
    %scan3A_16 = arith.constant 32 : i32
    %dma_wait3A = arith.constant 0 : i32
    %dma_wait3A_17 = arith.constant 0 : i32
    %dma_wait3A_18 = tpu.memref_slice %arg4[%dma_wait3A, %dma_wait3A_17] : memref<2048x4096xi32, #tpu.memory_space<hbm>> -> memref<1x4096xi32, #tpu.memory_space<hbm>>
    %dma_wait3A_19 = tpu.memref_squeeze %dma_wait3A_18 : memref<1x4096xi32, #tpu.memory_space<hbm>> -> memref<4096xi32, #tpu.memory_space<hbm>>
    %dma_wait3A_20 = arith.constant 0 : i32
    %dma_wait3A_21 = tpu.memref_slice %arg4[%dma_wait3A, %dma_wait3A_20] : memref<2048x4096xi32, #tpu.memory_space<hbm>> -> memref<1x4096xi32, #tpu.memory_space<hbm>>
    %dma_wait3A_22 = tpu.memref_squeeze %dma_wait3A_21 : memref<1x4096xi32, #tpu.memory_space<hbm>> -> memref<4096xi32, #tpu.memory_space<hbm>>
    tpu.wait_dma2 semaphore(%arg10 : memref<!tpu.dma_semaphore, #tpu.memory_space<semaphore_mem>>) src(%arg8 : memref<4096xi32, #tpu.memory_space<vmem>>) dst(%dma_wait3A_22 : memref<4096xi32, #tpu.memory_space<hbm>>)
    %dma_wait3A_23 = arith.constant 0 : i32
    %dma_wait3A_24 = arith.constant 0 : i32
    %dma_wait3A_25 = tpu.memref_slice %arg4[%dma_wait3A_23, %dma_wait3A_24] : memref<2048x4096xi32, #tpu.memory_space<hbm>> -> memref<1x4096xi32, #tpu.memory_space<hbm>>
    %dma_wait3A_26 = tpu.memref_squeeze %dma_wait3A_25 : memref<1x4096xi32, #tpu.memory_space<hbm>> -> memref<4096xi32, #tpu.memory_space<hbm>>
    %dma_wait3A_27 = arith.constant 0 : i32
    %dma_wait3A_28 = tpu.memref_slice %arg4[%dma_wait3A_23, %dma_wait3A_27] : memref<2048x4096xi32, #tpu.memory_space<hbm>> -> memref<1x4096xi32, #tpu.memory_space<hbm>>
    %dma_wait3A_29 = tpu.memref_squeeze %dma_wait3A_28 : memref<1x4096xi32, #tpu.memory_space<hbm>> -> memref<4096xi32, #tpu.memory_space<hbm>>
    tpu.wait_dma2 semaphore(%arg11 : memref<!tpu.dma_semaphore, #tpu.memory_space<semaphore_mem>>) src(%arg9 : memref<4096xi32, #tpu.memory_space<vmem>>) dst(%dma_wait3A_29 : memref<4096xi32, #tpu.memory_space<hbm>>)
    return
  }
}

#map = affine_map<(d0, d1) -> (0, 0)>
module attributes {stable_mosaic.version = 14 : i64} {
  func.func @_sbuild_body(%arg0: i32, %arg1: i32, %arg2: memref<16x4096xf32, #tpu.memory_space<hbm>>, %arg3: memref<16x4096xi32, #tpu.memory_space<hbm>>, %arg4: memref<2048x4096xi32, #tpu.memory_space<hbm>>, %arg5: memref<16x128xi32, #tpu.memory_space<vmem>>, %arg6: memref<16x128xf32, #tpu.memory_space<vmem>>, %arg7: memref<4096xf32, #tpu.memory_space<vmem>>, %arg8: memref<4096xi32, #tpu.memory_space<vmem>>, %arg9: memref<4096xi32, #tpu.memory_space<vmem>>, %arg10: memref<!tpu.dma_semaphore, #tpu.memory_space<semaphore_mem>>, %arg11: memref<!tpu.dma_semaphore, #tpu.memory_space<semaphore_mem>>) attributes {dimension_semantics = [#tpu.dimension_semantics<core_parallel>, #tpu.dimension_semantics<subcore_parallel>], iteration_bounds = array<i64: 2, 16>, scalar_prefetch = 0 : i64, scratch_operands = 7 : i64, tpu.core_type = #tpu.core_type<sc_vector_subcore>, window_params = [{transform_indices = #map}, {transform_indices = #map}, {transform_indices = #map}]} {
    %mul3A = arith.constant 2 : i32
    %mul3A_0 = arith.muli %arg1, %mul3A : i32
    %add3A = arith.addi %mul3A_0, %arg0 : i32
    %mul3A_1 = arith.constant 128 : i32
    %mul3A_2 = arith.muli %add3A, %mul3A_1 : i32
    "tpu.region"() ({
      %run_scoped3A = tpu.sem_alloc : memref<!tpu.dma_semaphore, #tpu.memory_space<semaphore_mem>>
      %dma_start3A = arith.constant 0 : i32
      %dma_start3A_30 = tpu.memref_slice %arg3[%dma_start3A, %mul3A_2] : memref<16x4096xi32, #tpu.memory_space<hbm>> -> memref<16x128xi32, #tpu.memory_space<hbm>>
      %dma_start3A_31 = arith.constant 0 : i32
      %dma_start3A_32 = tpu.memref_slice %arg3[%dma_start3A_31, %mul3A_2] : memref<16x4096xi32, #tpu.memory_space<hbm>> -> memref<16x128xi32, #tpu.memory_space<hbm>>
      tpu.enqueue_dma source(%dma_start3A_32 : memref<16x128xi32, #tpu.memory_space<hbm>>) target(%arg5 : memref<16x128xi32, #tpu.memory_space<vmem>>) target_semaphore(%run_scoped3A : memref<!tpu.dma_semaphore, #tpu.memory_space<semaphore_mem>>)
      %dma_wait3A_33 = arith.constant 0 : i32
      %dma_wait3A_34 = tpu.memref_slice %arg3[%dma_wait3A_33, %mul3A_2] : memref<16x4096xi32, #tpu.memory_space<hbm>> -> memref<16x128xi32, #tpu.memory_space<hbm>>
      %dma_wait3A_35 = arith.constant 0 : i32
      %dma_wait3A_36 = tpu.memref_slice %arg3[%dma_wait3A_35, %mul3A_2] : memref<16x4096xi32, #tpu.memory_space<hbm>> -> memref<16x128xi32, #tpu.memory_space<hbm>>
      tpu.wait_dma2 semaphore(%run_scoped3A : memref<!tpu.dma_semaphore, #tpu.memory_space<semaphore_mem>>) src(%dma_wait3A_36 : memref<16x128xi32, #tpu.memory_space<hbm>>) dst(%arg5 : memref<16x128xi32, #tpu.memory_space<vmem>>)
      tpu.yield
    }) : () -> ()
    "tpu.region"() ({
      %run_scoped3A = tpu.sem_alloc : memref<!tpu.dma_semaphore, #tpu.memory_space<semaphore_mem>>
      %dma_start3A = arith.constant 0 : i32
      %dma_start3A_30 = tpu.memref_slice %arg2[%dma_start3A, %mul3A_2] : memref<16x4096xf32, #tpu.memory_space<hbm>> -> memref<16x128xf32, #tpu.memory_space<hbm>>
      %dma_start3A_31 = arith.constant 0 : i32
      %dma_start3A_32 = tpu.memref_slice %arg2[%dma_start3A_31, %mul3A_2] : memref<16x4096xf32, #tpu.memory_space<hbm>> -> memref<16x128xf32, #tpu.memory_space<hbm>>
      tpu.enqueue_dma source(%dma_start3A_32 : memref<16x128xf32, #tpu.memory_space<hbm>>) target(%arg6 : memref<16x128xf32, #tpu.memory_space<vmem>>) target_semaphore(%run_scoped3A : memref<!tpu.dma_semaphore, #tpu.memory_space<semaphore_mem>>)
      %dma_wait3A_33 = arith.constant 0 : i32
      %dma_wait3A_34 = tpu.memref_slice %arg2[%dma_wait3A_33, %mul3A_2] : memref<16x4096xf32, #tpu.memory_space<hbm>> -> memref<16x128xf32, #tpu.memory_space<hbm>>
      %dma_wait3A_35 = arith.constant 0 : i32
      %dma_wait3A_36 = tpu.memref_slice %arg2[%dma_wait3A_35, %mul3A_2] : memref<16x4096xf32, #tpu.memory_space<hbm>> -> memref<16x128xf32, #tpu.memory_space<hbm>>
      tpu.wait_dma2 semaphore(%run_scoped3A : memref<!tpu.dma_semaphore, #tpu.memory_space<semaphore_mem>>) src(%dma_wait3A_36 : memref<16x128xf32, #tpu.memory_space<hbm>>) dst(%arg6 : memref<16x128xf32, #tpu.memory_space<vmem>>)
      tpu.yield
    }) : () -> ()
    %broadcast_in_dim3A = arith.constant 0.000000e+00 : f32
    %broadcast_in_dim3A_3 = vector.broadcast %broadcast_in_dim3A : f32 to vector<16xf32>
    %broadcast_in_dim3A_4 = arith.constant 0 : i32
    %broadcast_in_dim3A_5 = vector.broadcast %broadcast_in_dim3A_4 : i32 to vector<16xi32>
    %iota3A = tpu.iota {dimensions = array<i32: 0>} : vector<16xi32>
    %scan3A = arith.constant 0 : i32
    %scan3A_6 = arith.constant 0 : i32
    %scan3A_7 = arith.constant 256 : i32
    %scan3A_8 = arith.addi %scan3A_6, %scan3A_7 : i32
    %scan3A_9 = arith.constant 1 : i32
    scf.for %scan3A_30 = %scan3A_6 to %scan3A_8 step %scan3A_9  : i32 {
      %mul3A_31 = arith.constant 16 : i32
      %mul3A_32 = arith.muli %scan3A_30, %mul3A_31 : i32
      %swap3A = arith.index_cast %mul3A_32 : i32 to index
      %swap3A_33 = tpu.vector_load %arg7[%swap3A] {strides = array<i32>} : memref<4096xf32, #tpu.memory_space<vmem>>, vector<16xf32>,
      tpu.vector_store %arg7[%swap3A], %broadcast_in_dim3A_3 {strides = array<i32>} : memref<4096xf32, #tpu.memory_space<vmem>>, vector<16xf32>,
      %mul3A_34 = arith.constant 16 : i32
      %mul3A_35 = arith.muli %scan3A_30, %mul3A_34 : i32
      %swap3A_36 = arith.index_cast %mul3A_35 : i32 to index
      %swap3A_37 = tpu.vector_load %arg8[%swap3A_36] {strides = array<i32>} : memref<4096xi32, #tpu.memory_space<vmem>>, vector<16xi32>,
      tpu.vector_store %arg8[%swap3A_36], %broadcast_in_dim3A_5 {strides = array<i32>} : memref<4096xi32, #tpu.memory_space<vmem>>, vector<16xi32>,
      %mul3A_38 = arith.constant 16 : i32
      %mul3A_39 = arith.muli %scan3A_30, %mul3A_38 : i32
      %swap3A_40 = arith.index_cast %mul3A_39 : i32 to index
      %swap3A_41 = tpu.vector_load %arg9[%swap3A_40] {strides = array<i32>} : memref<4096xi32, #tpu.memory_space<vmem>>, vector<16xi32>,
      tpu.vector_store %arg9[%swap3A_40], %broadcast_in_dim3A_5 {strides = array<i32>} : memref<4096xi32, #tpu.memory_space<vmem>>, vector<16xi32>,
    }
    %scan3A_10 = arith.constant 256 : i32
    %scan3A_11 = arith.constant 0 : i32
    %scan3A_12 = arith.constant 0 : i32
    %scan3A_13 = arith.constant 32 : i32
    %scan3A_14 = arith.addi %scan3A_12, %scan3A_13 : i32
    %scan3A_15 = arith.constant 1 : i32
    scf.for %scan3A_30 = %scan3A_12 to %scan3A_14 step %scan3A_15  : i32 {
      %mul3A_31 = arith.constant 2 : i32
      %mul3A_32 = arith.muli %mul3A_31, %scan3A_30 : i32
      %add3A_33 = arith.constant 0 : i32
      %add3A_34 = arith.addi %mul3A_32, %add3A_33 : i32
      %gt3A = arith.constant 0 : i32
      %gt3A_35 = arith.cmpi sgt, %scan3A_30, %gt3A : i32
      %convert_element_type3A = arith.extui %gt3A_35 : i1 to i32
      %cond3A = arith.constant 0 : i32
      %cond3A_36 = arith.cmpi ne, %convert_element_type3A, %cond3A : i32
      scf.if %cond3A_36 {
        %dma_wait3A_1141 = arith.constant 0 : i32
        %dma_wait3A_1142 = arith.constant 0 : i32
        %dma_wait3A_1143 = tpu.memref_slice %arg4[%dma_wait3A_1141, %dma_wait3A_1142] : memref<2048x4096xi32, #tpu.memory_space<hbm>> -> memref<1x4096xi32, #tpu.memory_space<hbm>>
        %dma_wait3A_1144 = tpu.memref_squeeze %dma_wait3A_1143 : memref<1x4096xi32, #tpu.memory_space<hbm>> -> memref<4096xi32, #tpu.memory_space<hbm>>
        %dma_wait3A_1145 = arith.constant 0 : i32
        %dma_wait3A_1146 = tpu.memref_slice %arg4[%dma_wait3A_1141, %dma_wait3A_1145] : memref<2048x4096xi32, #tpu.memory_space<hbm>> -> memref<1x4096xi32, #tpu.memory_space<hbm>>
        %dma_wait3A_1147 = tpu.memref_squeeze %dma_wait3A_1146 : memref<1x4096xi32, #tpu.memory_space<hbm>> -> memref<4096xi32, #tpu.memory_space<hbm>>
        tpu.wait_dma2 semaphore(%arg10 : memref<!tpu.dma_semaphore, #tpu.memory_space<semaphore_mem>>) src(%arg8 : memref<4096xi32, #tpu.memory_space<vmem>>) dst(%dma_wait3A_1147 : memref<4096xi32, #tpu.memory_space<hbm>>)
        %sub3A = arith.constant 2 : i32
        %sub3A_1148 = arith.subi %add3A_34, %sub3A : i32
        %mul3A_1149 = arith.constant 2 : i32
        %mul3A_1150 = arith.muli %mul3A_1149, %sub3A_1148 : i32
        %add3A_1151 = arith.constant 0 : i32
        %add3A_1152 = arith.addi %mul3A_1150, %add3A_1151 : i32
        %broadcast_in_dim3A_1153 = vector.broadcast %add3A_1152 : i32 to vector<16xi32>
        %gather3A_1154 = tpu.vector_load_idx %arg5[%iota3A, %broadcast_in_dim3A_1153] : memref<16x128xi32, #tpu.memory_space<vmem>>[vector<16xi32>, vector<16xi32>], vector<16xi32>,
        tpu.vector_store_idx %arg8[%gather3A_1154], %broadcast_in_dim3A_5 : memref<4096xi32, #tpu.memory_space<vmem>>[vector<16xi32>], vector<16xi32>,
        %sub3A_1155 = arith.constant 2 : i32
        %sub3A_1156 = arith.subi %add3A_34, %sub3A_1155 : i32
        %mul3A_1157 = arith.constant 2 : i32
        %mul3A_1158 = arith.muli %mul3A_1157, %sub3A_1156 : i32
        %add3A_1159 = arith.constant 1 : i32
        %add3A_1160 = arith.addi %mul3A_1158, %add3A_1159 : i32
        %broadcast_in_dim3A_1161 = vector.broadcast %add3A_1160 : i32 to vector<16xi32>
        %gather3A_1162 = tpu.vector_load_idx %arg5[%iota3A, %broadcast_in_dim3A_1161] : memref<16x128xi32, #tpu.memory_space<vmem>>[vector<16xi32>, vector<16xi32>], vector<16xi32>,
        tpu.vector_store_idx %arg8[%gather3A_1162], %broadcast_in_dim3A_5 : memref<4096xi32, #tpu.memory_space<vmem>>[vector<16xi32>], vector<16xi32>,
      } else {
      }
      %mul3A_37 = arith.constant 2 : i32
      %mul3A_38 = arith.muli %mul3A_37, %add3A_34 : i32
      %add3A_39 = arith.constant 0 : i32
      %add3A_40 = arith.addi %mul3A_38, %add3A_39 : i32
      %broadcast_in_dim3A_41 = vector.broadcast %add3A_40 : i32 to vector<16xi32>
      %gather3A = tpu.vector_load_idx %arg5[%iota3A, %broadcast_in_dim3A_41] : memref<16x128xi32, #tpu.memory_space<vmem>>[vector<16xi32>, vector<16xi32>], vector<16xi32>,
      %broadcast_in_dim3A_42 = vector.broadcast %add3A_40 : i32 to vector<16xi32>
      %gather3A_43 = tpu.vector_load_idx %arg6[%iota3A, %broadcast_in_dim3A_42] : memref<16x128xf32, #tpu.memory_space<vmem>>[vector<16xi32>, vector<16xi32>], vector<16xf32>,
      tpu.vector_store_idx %arg7[%gather3A], %gather3A_43 {add = true} : memref<4096xf32, #tpu.memory_space<vmem>>[vector<16xi32>], vector<16xf32>,
      %gather3A_44 = tpu.vector_load_idx %arg7[%gather3A] : memref<4096xf32, #tpu.memory_space<vmem>>[vector<16xi32>], vector<16xf32>,
      tpu.vector_store_idx %arg7[%gather3A], %broadcast_in_dim3A_3 : memref<4096xf32, #tpu.memory_space<vmem>>[vector<16xi32>], vector<16xf32>,
      %broadcast_in_dim3A_45 = arith.constant 0 : i32
      %broadcast_in_dim3A_46 = vector.broadcast %broadcast_in_dim3A_45 : i32 to vector<16xi32>
      %broadcast_in_dim3A_47 = vector.broadcast %add3A_40 : i32 to vector<16xi32>
      %gather3A_48 = tpu.vector_load_idx %arg5[%broadcast_in_dim3A_46, %broadcast_in_dim3A_47] : memref<16x128xi32, #tpu.memory_space<vmem>>[vector<16xi32>, vector<16xi32>], vector<16xi32>,
      %eq3A = arith.cmpi eq, %gather3A, %gather3A_48 : vector<16xi32>
      %gt3A_49 = arith.constant 0 : i32
      %gt3A_50 = vector.broadcast %gt3A_49 : i32 to vector<16xi32>
      %gt3A_51 = arith.cmpi sgt, %iota3A, %gt3A_50 : vector<16xi32>
      %and3A = arith.andi %eq3A, %gt3A_51 : vector<16xi1>
      %jit3A = arith.constant 1 : i32
      %jit3A_52 = arith.constant 0 : i32
      %broadcast_in_dim3A_53 = vector.broadcast %jit3A : i32 to vector<16xi32>
      %broadcast_in_dim3A_54 = vector.broadcast %jit3A_52 : i32 to vector<16xi32>
      %select_n3A = arith.select %and3A, %broadcast_in_dim3A_53, %broadcast_in_dim3A_54 : vector<16xi1>, vector<16xi32>
      %add3A_55 = arith.addi %broadcast_in_dim3A_5, %select_n3A : vector<16xi32>
      %broadcast_in_dim3A_56 = arith.constant 1 : i32
      %broadcast_in_dim3A_57 = vector.broadcast %broadcast_in_dim3A_56 : i32 to vector<16xi32>
      %broadcast_in_dim3A_58 = vector.broadcast %add3A_40 : i32 to vector<16xi32>
      %gather3A_59 = tpu.vector_load_idx %arg5[%broadcast_in_dim3A_57, %broadcast_in_dim3A_58] : memref<16x128xi32, #tpu.memory_space<vmem>>[vector<16xi32>, vector<16xi32>], vector<16xi32>,
      %eq3A_60 = arith.cmpi eq, %gather3A, %gather3A_59 : vector<16xi32>
      %gt3A_61 = arith.constant 1 : i32
      %gt3A_62 = vector.broadcast %gt3A_61 : i32 to vector<16xi32>
      %gt3A_63 = arith.cmpi sgt, %iota3A, %gt3A_62 : vector<16xi32>
      %and3A_64 = arith.andi %eq3A_60, %gt3A_63 : vector<16xi1>
      %jit3A_65 = arith.constant 1 : i32
      %jit3A_66 = arith.constant 0 : i32
      %broadcast_in_dim3A_67 = vector.broadcast %jit3A_65 : i32 to vector<16xi32>
      %broadcast_in_dim3A_68 = vector.broadcast %jit3A_66 : i32 to vector<16xi32>
      %select_n3A_69 = arith.select %and3A_64, %broadcast_in_dim3A_67, %broadcast_in_dim3A_68 : vector<16xi1>, vector<16xi32>
      %add3A_70 = arith.addi %add3A_55, %select_n3A_69 : vector<16xi32>
      %broadcast_in_dim3A_71 = arith.constant 2 : i32
      %broadcast_in_dim3A_72 = vector.broadcast %broadcast_in_dim3A_71 : i32 to vector<16xi32>
      %broadcast_in_dim3A_73 = vector.broadcast %add3A_40 : i32 to vector<16xi32>
      %gather3A_74 = tpu.vector_load_idx %arg5[%broadcast_in_dim3A_72, %broadcast_in_dim3A_73] : memref<16x128xi32, #tpu.memory_space<vmem>>[vector<16xi32>, vector<16xi32>], vector<16xi32>,
      %eq3A_75 = arith.cmpi eq, %gather3A, %gather3A_74 : vector<16xi32>
      %gt3A_76 = arith.constant 2 : i32
      %gt3A_77 = vector.broadcast %gt3A_76 : i32 to vector<16xi32>
      %gt3A_78 = arith.cmpi sgt, %iota3A, %gt3A_77 : vector<16xi32>
      %and3A_79 = arith.andi %eq3A_75, %gt3A_78 : vector<16xi1>
      %jit3A_80 = arith.constant 1 : i32
      %jit3A_81 = arith.constant 0 : i32
      %broadcast_in_dim3A_82 = vector.broadcast %jit3A_80 : i32 to vector<16xi32>
      %broadcast_in_dim3A_83 = vector.broadcast %jit3A_81 : i32 to vector<16xi32>
      %select_n3A_84 = arith.select %and3A_79, %broadcast_in_dim3A_82, %broadcast_in_dim3A_83 : vector<16xi1>, vector<16xi32>
      %add3A_85 = arith.addi %add3A_70, %select_n3A_84 : vector<16xi32>
      %broadcast_in_dim3A_86 = arith.constant 3 : i32
      %broadcast_in_dim3A_87 = vector.broadcast %broadcast_in_dim3A_86 : i32 to vector<16xi32>
      %broadcast_in_dim3A_88 = vector.broadcast %add3A_40 : i32 to vector<16xi32>
      %gather3A_89 = tpu.vector_load_idx %arg5[%broadcast_in_dim3A_87, %broadcast_in_dim3A_88] : memref<16x128xi32, #tpu.memory_space<vmem>>[vector<16xi32>, vector<16xi32>], vector<16xi32>,
      %eq3A_90 = arith.cmpi eq, %gather3A, %gather3A_89 : vector<16xi32>
      %gt3A_91 = arith.constant 3 : i32
      %gt3A_92 = vector.broadcast %gt3A_91 : i32 to vector<16xi32>
      %gt3A_93 = arith.cmpi sgt, %iota3A, %gt3A_92 : vector<16xi32>
      %and3A_94 = arith.andi %eq3A_90, %gt3A_93 : vector<16xi1>
      %jit3A_95 = arith.constant 1 : i32
      %jit3A_96 = arith.constant 0 : i32
      %broadcast_in_dim3A_97 = vector.broadcast %jit3A_95 : i32 to vector<16xi32>
      %broadcast_in_dim3A_98 = vector.broadcast %jit3A_96 : i32 to vector<16xi32>
      %select_n3A_99 = arith.select %and3A_94, %broadcast_in_dim3A_97, %broadcast_in_dim3A_98 : vector<16xi1>, vector<16xi32>
      %add3A_100 = arith.addi %add3A_85, %select_n3A_99 : vector<16xi32>
      %broadcast_in_dim3A_101 = arith.constant 4 : i32
      %broadcast_in_dim3A_102 = vector.broadcast %broadcast_in_dim3A_101 : i32 to vector<16xi32>
      %broadcast_in_dim3A_103 = vector.broadcast %add3A_40 : i32 to vector<16xi32>
      %gather3A_104 = tpu.vector_load_idx %arg5[%broadcast_in_dim3A_102, %broadcast_in_dim3A_103] : memref<16x128xi32, #tpu.memory_space<vmem>>[vector<16xi32>, vector<16xi32>], vector<16xi32>,
      %eq3A_105 = arith.cmpi eq, %gather3A, %gather3A_104 : vector<16xi32>
      %gt3A_106 = arith.constant 4 : i32
      %gt3A_107 = vector.broadcast %gt3A_106 : i32 to vector<16xi32>
      %gt3A_108 = arith.cmpi sgt, %iota3A, %gt3A_107 : vector<16xi32>
      %and3A_109 = arith.andi %eq3A_105, %gt3A_108 : vector<16xi1>
      %jit3A_110 = arith.constant 1 : i32
      %jit3A_111 = arith.constant 0 : i32
      %broadcast_in_dim3A_112 = vector.broadcast %jit3A_110 : i32 to vector<16xi32>
      %broadcast_in_dim3A_113 = vector.broadcast %jit3A_111 : i32 to vector<16xi32>
      %select_n3A_114 = arith.select %and3A_109, %broadcast_in_dim3A_112, %broadcast_in_dim3A_113 : vector<16xi1>, vector<16xi32>
      %add3A_115 = arith.addi %add3A_100, %select_n3A_114 : vector<16xi32>
      %broadcast_in_dim3A_116 = arith.constant 5 : i32
      %broadcast_in_dim3A_117 = vector.broadcast %broadcast_in_dim3A_116 : i32 to vector<16xi32>
      %broadcast_in_dim3A_118 = vector.broadcast %add3A_40 : i32 to vector<16xi32>
      %gather3A_119 = tpu.vector_load_idx %arg5[%broadcast_in_dim3A_117, %broadcast_in_dim3A_118] : memref<16x128xi32, #tpu.memory_space<vmem>>[vector<16xi32>, vector<16xi32>], vector<16xi32>,
      %eq3A_120 = arith.cmpi eq, %gather3A, %gather3A_119 : vector<16xi32>
      %gt3A_121 = arith.constant 5 : i32
      %gt3A_122 = vector.broadcast %gt3A_121 : i32 to vector<16xi32>
      %gt3A_123 = arith.cmpi sgt, %iota3A, %gt3A_122 : vector<16xi32>
      %and3A_124 = arith.andi %eq3A_120, %gt3A_123 : vector<16xi1>
      %jit3A_125 = arith.constant 1 : i32
      %jit3A_126 = arith.constant 0 : i32
      %broadcast_in_dim3A_127 = vector.broadcast %jit3A_125 : i32 to vector<16xi32>
      %broadcast_in_dim3A_128 = vector.broadcast %jit3A_126 : i32 to vector<16xi32>
      %select_n3A_129 = arith.select %and3A_124, %broadcast_in_dim3A_127, %broadcast_in_dim3A_128 : vector<16xi1>, vector<16xi32>
      %add3A_130 = arith.addi %add3A_115, %select_n3A_129 : vector<16xi32>
      %broadcast_in_dim3A_131 = arith.constant 6 : i32
      %broadcast_in_dim3A_132 = vector.broadcast %broadcast_in_dim3A_131 : i32 to vector<16xi32>
      %broadcast_in_dim3A_133 = vector.broadcast %add3A_40 : i32 to vector<16xi32>
      %gather3A_134 = tpu.vector_load_idx %arg5[%broadcast_in_dim3A_132, %broadcast_in_dim3A_133] : memref<16x128xi32, #tpu.memory_space<vmem>>[vector<16xi32>, vector<16xi32>], vector<16xi32>,
      %eq3A_135 = arith.cmpi eq, %gather3A, %gather3A_134 : vector<16xi32>
      %gt3A_136 = arith.constant 6 : i32
      %gt3A_137 = vector.broadcast %gt3A_136 : i32 to vector<16xi32>
      %gt3A_138 = arith.cmpi sgt, %iota3A, %gt3A_137 : vector<16xi32>
      %and3A_139 = arith.andi %eq3A_135, %gt3A_138 : vector<16xi1>
      %jit3A_140 = arith.constant 1 : i32
      %jit3A_141 = arith.constant 0 : i32
      %broadcast_in_dim3A_142 = vector.broadcast %jit3A_140 : i32 to vector<16xi32>
      %broadcast_in_dim3A_143 = vector.broadcast %jit3A_141 : i32 to vector<16xi32>
      %select_n3A_144 = arith.select %and3A_139, %broadcast_in_dim3A_142, %broadcast_in_dim3A_143 : vector<16xi1>, vector<16xi32>
      %add3A_145 = arith.addi %add3A_130, %select_n3A_144 : vector<16xi32>
      %broadcast_in_dim3A_146 = arith.constant 7 : i32
      %broadcast_in_dim3A_147 = vector.broadcast %broadcast_in_dim3A_146 : i32 to vector<16xi32>
      %broadcast_in_dim3A_148 = vector.broadcast %add3A_40 : i32 to vector<16xi32>
      %gather3A_149 = tpu.vector_load_idx %arg5[%broadcast_in_dim3A_147, %broadcast_in_dim3A_148] : memref<16x128xi32, #tpu.memory_space<vmem>>[vector<16xi32>, vector<16xi32>], vector<16xi32>,
      %eq3A_150 = arith.cmpi eq, %gather3A, %gather3A_149 : vector<16xi32>
      %gt3A_151 = arith.constant 7 : i32
      %gt3A_152 = vector.broadcast %gt3A_151 : i32 to vector<16xi32>
      %gt3A_153 = arith.cmpi sgt, %iota3A, %gt3A_152 : vector<16xi32>
      %and3A_154 = arith.andi %eq3A_150, %gt3A_153 : vector<16xi1>
      %jit3A_155 = arith.constant 1 : i32
      %jit3A_156 = arith.constant 0 : i32
      %broadcast_in_dim3A_157 = vector.broadcast %jit3A_155 : i32 to vector<16xi32>
      %broadcast_in_dim3A_158 = vector.broadcast %jit3A_156 : i32 to vector<16xi32>
      %select_n3A_159 = arith.select %and3A_154, %broadcast_in_dim3A_157, %broadcast_in_dim3A_158 : vector<16xi1>, vector<16xi32>
      %add3A_160 = arith.addi %add3A_145, %select_n3A_159 : vector<16xi32>
      %broadcast_in_dim3A_161 = arith.constant 8 : i32
      %broadcast_in_dim3A_162 = vector.broadcast %broadcast_in_dim3A_161 : i32 to vector<16xi32>
      %broadcast_in_dim3A_163 = vector.broadcast %add3A_40 : i32 to vector<16xi32>
      %gather3A_164 = tpu.vector_load_idx %arg5[%broadcast_in_dim3A_162, %broadcast_in_dim3A_163] : memref<16x128xi32, #tpu.memory_space<vmem>>[vector<16xi32>, vector<16xi32>], vector<16xi32>,
      %eq3A_165 = arith.cmpi eq, %gather3A, %gather3A_164 : vector<16xi32>
      %gt3A_166 = arith.constant 8 : i32
      %gt3A_167 = vector.broadcast %gt3A_166 : i32 to vector<16xi32>
      %gt3A_168 = arith.cmpi sgt, %iota3A, %gt3A_167 : vector<16xi32>
      %and3A_169 = arith.andi %eq3A_165, %gt3A_168 : vector<16xi1>
      %jit3A_170 = arith.constant 1 : i32
      %jit3A_171 = arith.constant 0 : i32
      %broadcast_in_dim3A_172 = vector.broadcast %jit3A_170 : i32 to vector<16xi32>
      %broadcast_in_dim3A_173 = vector.broadcast %jit3A_171 : i32 to vector<16xi32>
      %select_n3A_174 = arith.select %and3A_169, %broadcast_in_dim3A_172, %broadcast_in_dim3A_173 : vector<16xi1>, vector<16xi32>
      %add3A_175 = arith.addi %add3A_160, %select_n3A_174 : vector<16xi32>
      %broadcast_in_dim3A_176 = arith.constant 9 : i32
      %broadcast_in_dim3A_177 = vector.broadcast %broadcast_in_dim3A_176 : i32 to vector<16xi32>
      %broadcast_in_dim3A_178 = vector.broadcast %add3A_40 : i32 to vector<16xi32>
      %gather3A_179 = tpu.vector_load_idx %arg5[%broadcast_in_dim3A_177, %broadcast_in_dim3A_178] : memref<16x128xi32, #tpu.memory_space<vmem>>[vector<16xi32>, vector<16xi32>], vector<16xi32>,
      %eq3A_180 = arith.cmpi eq, %gather3A, %gather3A_179 : vector<16xi32>
      %gt3A_181 = arith.constant 9 : i32
      %gt3A_182 = vector.broadcast %gt3A_181 : i32 to vector<16xi32>
      %gt3A_183 = arith.cmpi sgt, %iota3A, %gt3A_182 : vector<16xi32>
      %and3A_184 = arith.andi %eq3A_180, %gt3A_183 : vector<16xi1>
      %jit3A_185 = arith.constant 1 : i32
      %jit3A_186 = arith.constant 0 : i32
      %broadcast_in_dim3A_187 = vector.broadcast %jit3A_185 : i32 to vector<16xi32>
      %broadcast_in_dim3A_188 = vector.broadcast %jit3A_186 : i32 to vector<16xi32>
      %select_n3A_189 = arith.select %and3A_184, %broadcast_in_dim3A_187, %broadcast_in_dim3A_188 : vector<16xi1>, vector<16xi32>
      %add3A_190 = arith.addi %add3A_175, %select_n3A_189 : vector<16xi32>
      %broadcast_in_dim3A_191 = arith.constant 10 : i32
      %broadcast_in_dim3A_192 = vector.broadcast %broadcast_in_dim3A_191 : i32 to vector<16xi32>
      %broadcast_in_dim3A_193 = vector.broadcast %add3A_40 : i32 to vector<16xi32>
      %gather3A_194 = tpu.vector_load_idx %arg5[%broadcast_in_dim3A_192, %broadcast_in_dim3A_193] : memref<16x128xi32, #tpu.memory_space<vmem>>[vector<16xi32>, vector<16xi32>], vector<16xi32>,
      %eq3A_195 = arith.cmpi eq, %gather3A, %gather3A_194 : vector<16xi32>
      %gt3A_196 = arith.constant 10 : i32
      %gt3A_197 = vector.broadcast %gt3A_196 : i32 to vector<16xi32>
      %gt3A_198 = arith.cmpi sgt, %iota3A, %gt3A_197 : vector<16xi32>
      %and3A_199 = arith.andi %eq3A_195, %gt3A_198 : vector<16xi1>
      %jit3A_200 = arith.constant 1 : i32
      %jit3A_201 = arith.constant 0 : i32
      %broadcast_in_dim3A_202 = vector.broadcast %jit3A_200 : i32 to vector<16xi32>
      %broadcast_in_dim3A_203 = vector.broadcast %jit3A_201 : i32 to vector<16xi32>
      %select_n3A_204 = arith.select %and3A_199, %broadcast_in_dim3A_202, %broadcast_in_dim3A_203 : vector<16xi1>, vector<16xi32>
      %add3A_205 = arith.addi %add3A_190, %select_n3A_204 : vector<16xi32>
      %broadcast_in_dim3A_206 = arith.constant 11 : i32
      %broadcast_in_dim3A_207 = vector.broadcast %broadcast_in_dim3A_206 : i32 to vector<16xi32>
      %broadcast_in_dim3A_208 = vector.broadcast %add3A_40 : i32 to vector<16xi32>
      %gather3A_209 = tpu.vector_load_idx %arg5[%broadcast_in_dim3A_207, %broadcast_in_dim3A_208] : memref<16x128xi32, #tpu.memory_space<vmem>>[vector<16xi32>, vector<16xi32>], vector<16xi32>,
      %eq3A_210 = arith.cmpi eq, %gather3A, %gather3A_209 : vector<16xi32>
      %gt3A_211 = arith.constant 11 : i32
      %gt3A_212 = vector.broadcast %gt3A_211 : i32 to vector<16xi32>
      %gt3A_213 = arith.cmpi sgt, %iota3A, %gt3A_212 : vector<16xi32>
      %and3A_214 = arith.andi %eq3A_210, %gt3A_213 : vector<16xi1>
      %jit3A_215 = arith.constant 1 : i32
      %jit3A_216 = arith.constant 0 : i32
      %broadcast_in_dim3A_217 = vector.broadcast %jit3A_215 : i32 to vector<16xi32>
      %broadcast_in_dim3A_218 = vector.broadcast %jit3A_216 : i32 to vector<16xi32>
      %select_n3A_219 = arith.select %and3A_214, %broadcast_in_dim3A_217, %broadcast_in_dim3A_218 : vector<16xi1>, vector<16xi32>
      %add3A_220 = arith.addi %add3A_205, %select_n3A_219 : vector<16xi32>
      %broadcast_in_dim3A_221 = arith.constant 12 : i32
      %broadcast_in_dim3A_222 = vector.broadcast %broadcast_in_dim3A_221 : i32 to vector<16xi32>
      %broadcast_in_dim3A_223 = vector.broadcast %add3A_40 : i32 to vector<16xi32>
      %gather3A_224 = tpu.vector_load_idx %arg5[%broadcast_in_dim3A_222, %broadcast_in_dim3A_223] : memref<16x128xi32, #tpu.memory_space<vmem>>[vector<16xi32>, vector<16xi32>], vector<16xi32>,
      %eq3A_225 = arith.cmpi eq, %gather3A, %gather3A_224 : vector<16xi32>
      %gt3A_226 = arith.constant 12 : i32
      %gt3A_227 = vector.broadcast %gt3A_226 : i32 to vector<16xi32>
      %gt3A_228 = arith.cmpi sgt, %iota3A, %gt3A_227 : vector<16xi32>
      %and3A_229 = arith.andi %eq3A_225, %gt3A_228 : vector<16xi1>
      %jit3A_230 = arith.constant 1 : i32
      %jit3A_231 = arith.constant 0 : i32
      %broadcast_in_dim3A_232 = vector.broadcast %jit3A_230 : i32 to vector<16xi32>
      %broadcast_in_dim3A_233 = vector.broadcast %jit3A_231 : i32 to vector<16xi32>
      %select_n3A_234 = arith.select %and3A_229, %broadcast_in_dim3A_232, %broadcast_in_dim3A_233 : vector<16xi1>, vector<16xi32>
      %add3A_235 = arith.addi %add3A_220, %select_n3A_234 : vector<16xi32>
      %broadcast_in_dim3A_236 = arith.constant 13 : i32
      %broadcast_in_dim3A_237 = vector.broadcast %broadcast_in_dim3A_236 : i32 to vector<16xi32>
      %broadcast_in_dim3A_238 = vector.broadcast %add3A_40 : i32 to vector<16xi32>
      %gather3A_239 = tpu.vector_load_idx %arg5[%broadcast_in_dim3A_237, %broadcast_in_dim3A_238] : memref<16x128xi32, #tpu.memory_space<vmem>>[vector<16xi32>, vector<16xi32>], vector<16xi32>,
      %eq3A_240 = arith.cmpi eq, %gather3A, %gather3A_239 : vector<16xi32>
      %gt3A_241 = arith.constant 13 : i32
      %gt3A_242 = vector.broadcast %gt3A_241 : i32 to vector<16xi32>
      %gt3A_243 = arith.cmpi sgt, %iota3A, %gt3A_242 : vector<16xi32>
      %and3A_244 = arith.andi %eq3A_240, %gt3A_243 : vector<16xi1>
      %jit3A_245 = arith.constant 1 : i32
      %jit3A_246 = arith.constant 0 : i32
      %broadcast_in_dim3A_247 = vector.broadcast %jit3A_245 : i32 to vector<16xi32>
      %broadcast_in_dim3A_248 = vector.broadcast %jit3A_246 : i32 to vector<16xi32>
      %select_n3A_249 = arith.select %and3A_244, %broadcast_in_dim3A_247, %broadcast_in_dim3A_248 : vector<16xi1>, vector<16xi32>
      %add3A_250 = arith.addi %add3A_235, %select_n3A_249 : vector<16xi32>
      %broadcast_in_dim3A_251 = arith.constant 14 : i32
      %broadcast_in_dim3A_252 = vector.broadcast %broadcast_in_dim3A_251 : i32 to vector<16xi32>
      %broadcast_in_dim3A_253 = vector.broadcast %add3A_40 : i32 to vector<16xi32>
      %gather3A_254 = tpu.vector_load_idx %arg5[%broadcast_in_dim3A_252, %broadcast_in_dim3A_253] : memref<16x128xi32, #tpu.memory_space<vmem>>[vector<16xi32>, vector<16xi32>], vector<16xi32>,
      %eq3A_255 = arith.cmpi eq, %gather3A, %gather3A_254 : vector<16xi32>
      %gt3A_256 = arith.constant 14 : i32
      %gt3A_257 = vector.broadcast %gt3A_256 : i32 to vector<16xi32>
      %gt3A_258 = arith.cmpi sgt, %iota3A, %gt3A_257 : vector<16xi32>
      %and3A_259 = arith.andi %eq3A_255, %gt3A_258 : vector<16xi1>
      %jit3A_260 = arith.constant 1 : i32
      %jit3A_261 = arith.constant 0 : i32
      %broadcast_in_dim3A_262 = vector.broadcast %jit3A_260 : i32 to vector<16xi32>
      %broadcast_in_dim3A_263 = vector.broadcast %jit3A_261 : i32 to vector<16xi32>
      %select_n3A_264 = arith.select %and3A_259, %broadcast_in_dim3A_262, %broadcast_in_dim3A_263 : vector<16xi1>, vector<16xi32>
      %add3A_265 = arith.addi %add3A_250, %select_n3A_264 : vector<16xi32>
      %broadcast_in_dim3A_266 = arith.constant 15 : i32
      %broadcast_in_dim3A_267 = vector.broadcast %broadcast_in_dim3A_266 : i32 to vector<16xi32>
      %broadcast_in_dim3A_268 = vector.broadcast %add3A_40 : i32 to vector<16xi32>
      %gather3A_269 = tpu.vector_load_idx %arg5[%broadcast_in_dim3A_267, %broadcast_in_dim3A_268] : memref<16x128xi32, #tpu.memory_space<vmem>>[vector<16xi32>, vector<16xi32>], vector<16xi32>,
      %eq3A_270 = arith.cmpi eq, %gather3A, %gather3A_269 : vector<16xi32>
      %gt3A_271 = arith.constant 15 : i32
      %gt3A_272 = vector.broadcast %gt3A_271 : i32 to vector<16xi32>
      %gt3A_273 = arith.cmpi sgt, %iota3A, %gt3A_272 : vector<16xi32>
      %and3A_274 = arith.andi %eq3A_270, %gt3A_273 : vector<16xi1>
      %jit3A_275 = arith.constant 1 : i32
      %jit3A_276 = arith.constant 0 : i32
      %broadcast_in_dim3A_277 = vector.broadcast %jit3A_275 : i32 to vector<16xi32>
      %broadcast_in_dim3A_278 = vector.broadcast %jit3A_276 : i32 to vector<16xi32>
      %select_n3A_279 = arith.select %and3A_274, %broadcast_in_dim3A_277, %broadcast_in_dim3A_278 : vector<16xi1>, vector<16xi32>
      %add3A_280 = arith.addi %add3A_265, %select_n3A_279 : vector<16xi32>
      %bitcast3A = vector.bitcast %gather3A_44 : vector<16xf32> to vector<16xi32>
      %add3A_281 = arith.constant 32767 : i32
      %add3A_282 = vector.broadcast %add3A_281 : i32 to vector<16xi32>
      %add3A_283 = arith.addi %bitcast3A, %add3A_282 : vector<16xi32>
      %shift_right_logical3A = arith.constant 16 : i32
      %shift_right_logical3A_284 = vector.broadcast %shift_right_logical3A : i32 to vector<16xi32>
      %shift_right_logical3A_285 = arith.shrui %bitcast3A, %shift_right_logical3A_284 : vector<16xi32>
      %and3A_286 = arith.constant 1 : i32
      %and3A_287 = vector.broadcast %and3A_286 : i32 to vector<16xi32>
      %and3A_288 = arith.andi %shift_right_logical3A_285, %and3A_287 : vector<16xi32>
      %add3A_289 = arith.addi %add3A_283, %and3A_288 : vector<16xi32>
      %shift_right_logical3A_290 = arith.constant 16 : i32
      %shift_right_logical3A_291 = vector.broadcast %shift_right_logical3A_290 : i32 to vector<16xi32>
      %shift_right_logical3A_292 = arith.shrui %add3A_289, %shift_right_logical3A_291 : vector<16xi32>
      %gt3A_293 = arith.constant 0 : i32
      %gt3A_294 = vector.broadcast %gt3A_293 : i32 to vector<16xi32>
      %gt3A_295 = arith.cmpi sgt, %add3A_280, %gt3A_294 : vector<16xi32>
      %broadcast_in_dim3A_296 = arith.constant 0 : i32
      %broadcast_in_dim3A_297 = vector.broadcast %broadcast_in_dim3A_296 : i32 to vector<16xi32>
      %select_n3A_298 = arith.select %gt3A_295, %broadcast_in_dim3A_297, %shift_right_logical3A_292 : vector<16xi1>, vector<16xi32>
      %bitcast3A_299 = vector.bitcast %select_n3A_298 : vector<16xi32> to vector<16xi32>
      tpu.vector_store_idx %arg8[%gather3A], %bitcast3A_299 {add = true} : memref<4096xi32, #tpu.memory_space<vmem>>[vector<16xi32>], vector<16xi32>,
      %mul3A_300 = arith.constant 2 : i32
      %mul3A_301 = arith.muli %mul3A_300, %add3A_34 : i32
      %add3A_302 = arith.constant 1 : i32
      %add3A_303 = arith.addi %mul3A_301, %add3A_302 : i32
      %broadcast_in_dim3A_304 = vector.broadcast %add3A_303 : i32 to vector<16xi32>
      %gather3A_305 = tpu.vector_load_idx %arg5[%iota3A, %broadcast_in_dim3A_304] : memref<16x128xi32, #tpu.memory_space<vmem>>[vector<16xi32>, vector<16xi32>], vector<16xi32>,
      %broadcast_in_dim3A_306 = vector.broadcast %add3A_303 : i32 to vector<16xi32>
      %gather3A_307 = tpu.vector_load_idx %arg6[%iota3A, %broadcast_in_dim3A_306] : memref<16x128xf32, #tpu.memory_space<vmem>>[vector<16xi32>, vector<16xi32>], vector<16xf32>,
      tpu.vector_store_idx %arg7[%gather3A_305], %gather3A_307 {add = true} : memref<4096xf32, #tpu.memory_space<vmem>>[vector<16xi32>], vector<16xf32>,
      %gather3A_308 = tpu.vector_load_idx %arg7[%gather3A_305] : memref<4096xf32, #tpu.memory_space<vmem>>[vector<16xi32>], vector<16xf32>,
      tpu.vector_store_idx %arg7[%gather3A_305], %broadcast_in_dim3A_3 : memref<4096xf32, #tpu.memory_space<vmem>>[vector<16xi32>], vector<16xf32>,
      %broadcast_in_dim3A_309 = arith.constant 0 : i32
      %broadcast_in_dim3A_310 = vector.broadcast %broadcast_in_dim3A_309 : i32 to vector<16xi32>
      %broadcast_in_dim3A_311 = vector.broadcast %add3A_303 : i32 to vector<16xi32>
      %gather3A_312 = tpu.vector_load_idx %arg5[%broadcast_in_dim3A_310, %broadcast_in_dim3A_311] : memref<16x128xi32, #tpu.memory_space<vmem>>[vector<16xi32>, vector<16xi32>], vector<16xi32>,
      %eq3A_313 = arith.cmpi eq, %gather3A_305, %gather3A_312 : vector<16xi32>
      %gt3A_314 = arith.constant 0 : i32
      %gt3A_315 = vector.broadcast %gt3A_314 : i32 to vector<16xi32>
      %gt3A_316 = arith.cmpi sgt, %iota3A, %gt3A_315 : vector<16xi32>
      %and3A_317 = arith.andi %eq3A_313, %gt3A_316 : vector<16xi1>
      %jit3A_318 = arith.constant 1 : i32
      %jit3A_319 = arith.constant 0 : i32
      %broadcast_in_dim3A_320 = vector.broadcast %jit3A_318 : i32 to vector<16xi32>
      %broadcast_in_dim3A_321 = vector.broadcast %jit3A_319 : i32 to vector<16xi32>
      %select_n3A_322 = arith.select %and3A_317, %broadcast_in_dim3A_320, %broadcast_in_dim3A_321 : vector<16xi1>, vector<16xi32>
      %add3A_323 = arith.addi %broadcast_in_dim3A_5, %select_n3A_322 : vector<16xi32>
      %broadcast_in_dim3A_324 = arith.constant 1 : i32
      %broadcast_in_dim3A_325 = vector.broadcast %broadcast_in_dim3A_324 : i32 to vector<16xi32>
      %broadcast_in_dim3A_326 = vector.broadcast %add3A_303 : i32 to vector<16xi32>
      %gather3A_327 = tpu.vector_load_idx %arg5[%broadcast_in_dim3A_325, %broadcast_in_dim3A_326] : memref<16x128xi32, #tpu.memory_space<vmem>>[vector<16xi32>, vector<16xi32>], vector<16xi32>,
      %eq3A_328 = arith.cmpi eq, %gather3A_305, %gather3A_327 : vector<16xi32>
      %gt3A_329 = arith.constant 1 : i32
      %gt3A_330 = vector.broadcast %gt3A_329 : i32 to vector<16xi32>
      %gt3A_331 = arith.cmpi sgt, %iota3A, %gt3A_330 : vector<16xi32>
      %and3A_332 = arith.andi %eq3A_328, %gt3A_331 : vector<16xi1>
      %jit3A_333 = arith.constant 1 : i32
      %jit3A_334 = arith.constant 0 : i32
      %broadcast_in_dim3A_335 = vector.broadcast %jit3A_333 : i32 to vector<16xi32>
      %broadcast_in_dim3A_336 = vector.broadcast %jit3A_334 : i32 to vector<16xi32>
      %select_n3A_337 = arith.select %and3A_332, %broadcast_in_dim3A_335, %broadcast_in_dim3A_336 : vector<16xi1>, vector<16xi32>
      %add3A_338 = arith.addi %add3A_323, %select_n3A_337 : vector<16xi32>
      %broadcast_in_dim3A_339 = arith.constant 2 : i32
      %broadcast_in_dim3A_340 = vector.broadcast %broadcast_in_dim3A_339 : i32 to vector<16xi32>
      %broadcast_in_dim3A_341 = vector.broadcast %add3A_303 : i32 to vector<16xi32>
      %gather3A_342 = tpu.vector_load_idx %arg5[%broadcast_in_dim3A_340, %broadcast_in_dim3A_341] : memref<16x128xi32, #tpu.memory_space<vmem>>[vector<16xi32>, vector<16xi32>], vector<16xi32>,
      %eq3A_343 = arith.cmpi eq, %gather3A_305, %gather3A_342 : vector<16xi32>
      %gt3A_344 = arith.constant 2 : i32
      %gt3A_345 = vector.broadcast %gt3A_344 : i32 to vector<16xi32>
      %gt3A_346 = arith.cmpi sgt, %iota3A, %gt3A_345 : vector<16xi32>
      %and3A_347 = arith.andi %eq3A_343, %gt3A_346 : vector<16xi1>
      %jit3A_348 = arith.constant 1 : i32
      %jit3A_349 = arith.constant 0 : i32
      %broadcast_in_dim3A_350 = vector.broadcast %jit3A_348 : i32 to vector<16xi32>
      %broadcast_in_dim3A_351 = vector.broadcast %jit3A_349 : i32 to vector<16xi32>
      %select_n3A_352 = arith.select %and3A_347, %broadcast_in_dim3A_350, %broadcast_in_dim3A_351 : vector<16xi1>, vector<16xi32>
      %add3A_353 = arith.addi %add3A_338, %select_n3A_352 : vector<16xi32>
      %broadcast_in_dim3A_354 = arith.constant 3 : i32
      %broadcast_in_dim3A_355 = vector.broadcast %broadcast_in_dim3A_354 : i32 to vector<16xi32>
      %broadcast_in_dim3A_356 = vector.broadcast %add3A_303 : i32 to vector<16xi32>
      %gather3A_357 = tpu.vector_load_idx %arg5[%broadcast_in_dim3A_355, %broadcast_in_dim3A_356] : memref<16x128xi32, #tpu.memory_space<vmem>>[vector<16xi32>, vector<16xi32>], vector<16xi32>,
      %eq3A_358 = arith.cmpi eq, %gather3A_305, %gather3A_357 : vector<16xi32>
      %gt3A_359 = arith.constant 3 : i32
      %gt3A_360 = vector.broadcast %gt3A_359 : i32 to vector<16xi32>
      %gt3A_361 = arith.cmpi sgt, %iota3A, %gt3A_360 : vector<16xi32>
      %and3A_362 = arith.andi %eq3A_358, %gt3A_361 : vector<16xi1>
      %jit3A_363 = arith.constant 1 : i32
      %jit3A_364 = arith.constant 0 : i32
      %broadcast_in_dim3A_365 = vector.broadcast %jit3A_363 : i32 to vector<16xi32>
      %broadcast_in_dim3A_366 = vector.broadcast %jit3A_364 : i32 to vector<16xi32>
      %select_n3A_367 = arith.select %and3A_362, %broadcast_in_dim3A_365, %broadcast_in_dim3A_366 : vector<16xi1>, vector<16xi32>
      %add3A_368 = arith.addi %add3A_353, %select_n3A_367 : vector<16xi32>
      %broadcast_in_dim3A_369 = arith.constant 4 : i32
      %broadcast_in_dim3A_370 = vector.broadcast %broadcast_in_dim3A_369 : i32 to vector<16xi32>
      %broadcast_in_dim3A_371 = vector.broadcast %add3A_303 : i32 to vector<16xi32>
      %gather3A_372 = tpu.vector_load_idx %arg5[%broadcast_in_dim3A_370, %broadcast_in_dim3A_371] : memref<16x128xi32, #tpu.memory_space<vmem>>[vector<16xi32>, vector<16xi32>], vector<16xi32>,
      %eq3A_373 = arith.cmpi eq, %gather3A_305, %gather3A_372 : vector<16xi32>
      %gt3A_374 = arith.constant 4 : i32
      %gt3A_375 = vector.broadcast %gt3A_374 : i32 to vector<16xi32>
      %gt3A_376 = arith.cmpi sgt, %iota3A, %gt3A_375 : vector<16xi32>
      %and3A_377 = arith.andi %eq3A_373, %gt3A_376 : vector<16xi1>
      %jit3A_378 = arith.constant 1 : i32
      %jit3A_379 = arith.constant 0 : i32
      %broadcast_in_dim3A_380 = vector.broadcast %jit3A_378 : i32 to vector<16xi32>
      %broadcast_in_dim3A_381 = vector.broadcast %jit3A_379 : i32 to vector<16xi32>
      %select_n3A_382 = arith.select %and3A_377, %broadcast_in_dim3A_380, %broadcast_in_dim3A_381 : vector<16xi1>, vector<16xi32>
      %add3A_383 = arith.addi %add3A_368, %select_n3A_382 : vector<16xi32>
      %broadcast_in_dim3A_384 = arith.constant 5 : i32
      %broadcast_in_dim3A_385 = vector.broadcast %broadcast_in_dim3A_384 : i32 to vector<16xi32>
      %broadcast_in_dim3A_386 = vector.broadcast %add3A_303 : i32 to vector<16xi32>
      %gather3A_387 = tpu.vector_load_idx %arg5[%broadcast_in_dim3A_385, %broadcast_in_dim3A_386] : memref<16x128xi32, #tpu.memory_space<vmem>>[vector<16xi32>, vector<16xi32>], vector<16xi32>,
      %eq3A_388 = arith.cmpi eq, %gather3A_305, %gather3A_387 : vector<16xi32>
      %gt3A_389 = arith.constant 5 : i32
      %gt3A_390 = vector.broadcast %gt3A_389 : i32 to vector<16xi32>
      %gt3A_391 = arith.cmpi sgt, %iota3A, %gt3A_390 : vector<16xi32>
      %and3A_392 = arith.andi %eq3A_388, %gt3A_391 : vector<16xi1>
      %jit3A_393 = arith.constant 1 : i32
      %jit3A_394 = arith.constant 0 : i32
      %broadcast_in_dim3A_395 = vector.broadcast %jit3A_393 : i32 to vector<16xi32>
      %broadcast_in_dim3A_396 = vector.broadcast %jit3A_394 : i32 to vector<16xi32>
      %select_n3A_397 = arith.select %and3A_392, %broadcast_in_dim3A_395, %broadcast_in_dim3A_396 : vector<16xi1>, vector<16xi32>
      %add3A_398 = arith.addi %add3A_383, %select_n3A_397 : vector<16xi32>
      %broadcast_in_dim3A_399 = arith.constant 6 : i32
      %broadcast_in_dim3A_400 = vector.broadcast %broadcast_in_dim3A_399 : i32 to vector<16xi32>
      %broadcast_in_dim3A_401 = vector.broadcast %add3A_303 : i32 to vector<16xi32>
      %gather3A_402 = tpu.vector_load_idx %arg5[%broadcast_in_dim3A_400, %broadcast_in_dim3A_401] : memref<16x128xi32, #tpu.memory_space<vmem>>[vector<16xi32>, vector<16xi32>], vector<16xi32>,
      %eq3A_403 = arith.cmpi eq, %gather3A_305, %gather3A_402 : vector<16xi32>
      %gt3A_404 = arith.constant 6 : i32
      %gt3A_405 = vector.broadcast %gt3A_404 : i32 to vector<16xi32>
      %gt3A_406 = arith.cmpi sgt, %iota3A, %gt3A_405 : vector<16xi32>
      %and3A_407 = arith.andi %eq3A_403, %gt3A_406 : vector<16xi1>
      %jit3A_408 = arith.constant 1 : i32
      %jit3A_409 = arith.constant 0 : i32
      %broadcast_in_dim3A_410 = vector.broadcast %jit3A_408 : i32 to vector<16xi32>
      %broadcast_in_dim3A_411 = vector.broadcast %jit3A_409 : i32 to vector<16xi32>
      %select_n3A_412 = arith.select %and3A_407, %broadcast_in_dim3A_410, %broadcast_in_dim3A_411 : vector<16xi1>, vector<16xi32>
      %add3A_413 = arith.addi %add3A_398, %select_n3A_412 : vector<16xi32>
      %broadcast_in_dim3A_414 = arith.constant 7 : i32
      %broadcast_in_dim3A_415 = vector.broadcast %broadcast_in_dim3A_414 : i32 to vector<16xi32>
      %broadcast_in_dim3A_416 = vector.broadcast %add3A_303 : i32 to vector<16xi32>
      %gather3A_417 = tpu.vector_load_idx %arg5[%broadcast_in_dim3A_415, %broadcast_in_dim3A_416] : memref<16x128xi32, #tpu.memory_space<vmem>>[vector<16xi32>, vector<16xi32>], vector<16xi32>,
      %eq3A_418 = arith.cmpi eq, %gather3A_305, %gather3A_417 : vector<16xi32>
      %gt3A_419 = arith.constant 7 : i32
      %gt3A_420 = vector.broadcast %gt3A_419 : i32 to vector<16xi32>
      %gt3A_421 = arith.cmpi sgt, %iota3A, %gt3A_420 : vector<16xi32>
      %and3A_422 = arith.andi %eq3A_418, %gt3A_421 : vector<16xi1>
      %jit3A_423 = arith.constant 1 : i32
      %jit3A_424 = arith.constant 0 : i32
      %broadcast_in_dim3A_425 = vector.broadcast %jit3A_423 : i32 to vector<16xi32>
      %broadcast_in_dim3A_426 = vector.broadcast %jit3A_424 : i32 to vector<16xi32>
      %select_n3A_427 = arith.select %and3A_422, %broadcast_in_dim3A_425, %broadcast_in_dim3A_426 : vector<16xi1>, vector<16xi32>
      %add3A_428 = arith.addi %add3A_413, %select_n3A_427 : vector<16xi32>
      %broadcast_in_dim3A_429 = arith.constant 8 : i32
      %broadcast_in_dim3A_430 = vector.broadcast %broadcast_in_dim3A_429 : i32 to vector<16xi32>
      %broadcast_in_dim3A_431 = vector.broadcast %add3A_303 : i32 to vector<16xi32>
      %gather3A_432 = tpu.vector_load_idx %arg5[%broadcast_in_dim3A_430, %broadcast_in_dim3A_431] : memref<16x128xi32, #tpu.memory_space<vmem>>[vector<16xi32>, vector<16xi32>], vector<16xi32>,
      %eq3A_433 = arith.cmpi eq, %gather3A_305, %gather3A_432 : vector<16xi32>
      %gt3A_434 = arith.constant 8 : i32
      %gt3A_435 = vector.broadcast %gt3A_434 : i32 to vector<16xi32>
      %gt3A_436 = arith.cmpi sgt, %iota3A, %gt3A_435 : vector<16xi32>
      %and3A_437 = arith.andi %eq3A_433, %gt3A_436 : vector<16xi1>
      %jit3A_438 = arith.constant 1 : i32
      %jit3A_439 = arith.constant 0 : i32
      %broadcast_in_dim3A_440 = vector.broadcast %jit3A_438 : i32 to vector<16xi32>
      %broadcast_in_dim3A_441 = vector.broadcast %jit3A_439 : i32 to vector<16xi32>
      %select_n3A_442 = arith.select %and3A_437, %broadcast_in_dim3A_440, %broadcast_in_dim3A_441 : vector<16xi1>, vector<16xi32>
      %add3A_443 = arith.addi %add3A_428, %select_n3A_442 : vector<16xi32>
      %broadcast_in_dim3A_444 = arith.constant 9 : i32
      %broadcast_in_dim3A_445 = vector.broadcast %broadcast_in_dim3A_444 : i32 to vector<16xi32>
      %broadcast_in_dim3A_446 = vector.broadcast %add3A_303 : i32 to vector<16xi32>
      %gather3A_447 = tpu.vector_load_idx %arg5[%broadcast_in_dim3A_445, %broadcast_in_dim3A_446] : memref<16x128xi32, #tpu.memory_space<vmem>>[vector<16xi32>, vector<16xi32>], vector<16xi32>,
      %eq3A_448 = arith.cmpi eq, %gather3A_305, %gather3A_447 : vector<16xi32>
      %gt3A_449 = arith.constant 9 : i32
      %gt3A_450 = vector.broadcast %gt3A_449 : i32 to vector<16xi32>
      %gt3A_451 = arith.cmpi sgt, %iota3A, %gt3A_450 : vector<16xi32>
      %and3A_452 = arith.andi %eq3A_448, %gt3A_451 : vector<16xi1>
      %jit3A_453 = arith.constant 1 : i32
      %jit3A_454 = arith.constant 0 : i32
      %broadcast_in_dim3A_455 = vector.broadcast %jit3A_453 : i32 to vector<16xi32>
      %broadcast_in_dim3A_456 = vector.broadcast %jit3A_454 : i32 to vector<16xi32>
      %select_n3A_457 = arith.select %and3A_452, %broadcast_in_dim3A_455, %broadcast_in_dim3A_456 : vector<16xi1>, vector<16xi32>
      %add3A_458 = arith.addi %add3A_443, %select_n3A_457 : vector<16xi32>
      %broadcast_in_dim3A_459 = arith.constant 10 : i32
      %broadcast_in_dim3A_460 = vector.broadcast %broadcast_in_dim3A_459 : i32 to vector<16xi32>
      %broadcast_in_dim3A_461 = vector.broadcast %add3A_303 : i32 to vector<16xi32>
      %gather3A_462 = tpu.vector_load_idx %arg5[%broadcast_in_dim3A_460, %broadcast_in_dim3A_461] : memref<16x128xi32, #tpu.memory_space<vmem>>[vector<16xi32>, vector<16xi32>], vector<16xi32>,
      %eq3A_463 = arith.cmpi eq, %gather3A_305, %gather3A_462 : vector<16xi32>
      %gt3A_464 = arith.constant 10 : i32
      %gt3A_465 = vector.broadcast %gt3A_464 : i32 to vector<16xi32>
      %gt3A_466 = arith.cmpi sgt, %iota3A, %gt3A_465 : vector<16xi32>
      %and3A_467 = arith.andi %eq3A_463, %gt3A_466 : vector<16xi1>
      %jit3A_468 = arith.constant 1 : i32
      %jit3A_469 = arith.constant 0 : i32
      %broadcast_in_dim3A_470 = vector.broadcast %jit3A_468 : i32 to vector<16xi32>
      %broadcast_in_dim3A_471 = vector.broadcast %jit3A_469 : i32 to vector<16xi32>
      %select_n3A_472 = arith.select %and3A_467, %broadcast_in_dim3A_470, %broadcast_in_dim3A_471 : vector<16xi1>, vector<16xi32>
      %add3A_473 = arith.addi %add3A_458, %select_n3A_472 : vector<16xi32>
      %broadcast_in_dim3A_474 = arith.constant 11 : i32
      %broadcast_in_dim3A_475 = vector.broadcast %broadcast_in_dim3A_474 : i32 to vector<16xi32>
      %broadcast_in_dim3A_476 = vector.broadcast %add3A_303 : i32 to vector<16xi32>
      %gather3A_477 = tpu.vector_load_idx %arg5[%broadcast_in_dim3A_475, %broadcast_in_dim3A_476] : memref<16x128xi32, #tpu.memory_space<vmem>>[vector<16xi32>, vector<16xi32>], vector<16xi32>,
      %eq3A_478 = arith.cmpi eq, %gather3A_305, %gather3A_477 : vector<16xi32>
      %gt3A_479 = arith.constant 11 : i32
      %gt3A_480 = vector.broadcast %gt3A_479 : i32 to vector<16xi32>
      %gt3A_481 = arith.cmpi sgt, %iota3A, %gt3A_480 : vector<16xi32>
      %and3A_482 = arith.andi %eq3A_478, %gt3A_481 : vector<16xi1>
      %jit3A_483 = arith.constant 1 : i32
      %jit3A_484 = arith.constant 0 : i32
      %broadcast_in_dim3A_485 = vector.broadcast %jit3A_483 : i32 to vector<16xi32>
      %broadcast_in_dim3A_486 = vector.broadcast %jit3A_484 : i32 to vector<16xi32>
      %select_n3A_487 = arith.select %and3A_482, %broadcast_in_dim3A_485, %broadcast_in_dim3A_486 : vector<16xi1>, vector<16xi32>
      %add3A_488 = arith.addi %add3A_473, %select_n3A_487 : vector<16xi32>
      %broadcast_in_dim3A_489 = arith.constant 12 : i32
      %broadcast_in_dim3A_490 = vector.broadcast %broadcast_in_dim3A_489 : i32 to vector<16xi32>
      %broadcast_in_dim3A_491 = vector.broadcast %add3A_303 : i32 to vector<16xi32>
      %gather3A_492 = tpu.vector_load_idx %arg5[%broadcast_in_dim3A_490, %broadcast_in_dim3A_491] : memref<16x128xi32, #tpu.memory_space<vmem>>[vector<16xi32>, vector<16xi32>], vector<16xi32>,
      %eq3A_493 = arith.cmpi eq, %gather3A_305, %gather3A_492 : vector<16xi32>
      %gt3A_494 = arith.constant 12 : i32
      %gt3A_495 = vector.broadcast %gt3A_494 : i32 to vector<16xi32>
      %gt3A_496 = arith.cmpi sgt, %iota3A, %gt3A_495 : vector<16xi32>
      %and3A_497 = arith.andi %eq3A_493, %gt3A_496 : vector<16xi1>
      %jit3A_498 = arith.constant 1 : i32
      %jit3A_499 = arith.constant 0 : i32
      %broadcast_in_dim3A_500 = vector.broadcast %jit3A_498 : i32 to vector<16xi32>
      %broadcast_in_dim3A_501 = vector.broadcast %jit3A_499 : i32 to vector<16xi32>
      %select_n3A_502 = arith.select %and3A_497, %broadcast_in_dim3A_500, %broadcast_in_dim3A_501 : vector<16xi1>, vector<16xi32>
      %add3A_503 = arith.addi %add3A_488, %select_n3A_502 : vector<16xi32>
      %broadcast_in_dim3A_504 = arith.constant 13 : i32
      %broadcast_in_dim3A_505 = vector.broadcast %broadcast_in_dim3A_504 : i32 to vector<16xi32>
      %broadcast_in_dim3A_506 = vector.broadcast %add3A_303 : i32 to vector<16xi32>
      %gather3A_507 = tpu.vector_load_idx %arg5[%broadcast_in_dim3A_505, %broadcast_in_dim3A_506] : memref<16x128xi32, #tpu.memory_space<vmem>>[vector<16xi32>, vector<16xi32>], vector<16xi32>,
      %eq3A_508 = arith.cmpi eq, %gather3A_305, %gather3A_507 : vector<16xi32>
      %gt3A_509 = arith.constant 13 : i32
      %gt3A_510 = vector.broadcast %gt3A_509 : i32 to vector<16xi32>
      %gt3A_511 = arith.cmpi sgt, %iota3A, %gt3A_510 : vector<16xi32>
      %and3A_512 = arith.andi %eq3A_508, %gt3A_511 : vector<16xi1>
      %jit3A_513 = arith.constant 1 : i32
      %jit3A_514 = arith.constant 0 : i32
      %broadcast_in_dim3A_515 = vector.broadcast %jit3A_513 : i32 to vector<16xi32>
      %broadcast_in_dim3A_516 = vector.broadcast %jit3A_514 : i32 to vector<16xi32>
      %select_n3A_517 = arith.select %and3A_512, %broadcast_in_dim3A_515, %broadcast_in_dim3A_516 : vector<16xi1>, vector<16xi32>
      %add3A_518 = arith.addi %add3A_503, %select_n3A_517 : vector<16xi32>
      %broadcast_in_dim3A_519 = arith.constant 14 : i32
      %broadcast_in_dim3A_520 = vector.broadcast %broadcast_in_dim3A_519 : i32 to vector<16xi32>
      %broadcast_in_dim3A_521 = vector.broadcast %add3A_303 : i32 to vector<16xi32>
      %gather3A_522 = tpu.vector_load_idx %arg5[%broadcast_in_dim3A_520, %broadcast_in_dim3A_521] : memref<16x128xi32, #tpu.memory_space<vmem>>[vector<16xi32>, vector<16xi32>], vector<16xi32>,
      %eq3A_523 = arith.cmpi eq, %gather3A_305, %gather3A_522 : vector<16xi32>
      %gt3A_524 = arith.constant 14 : i32
      %gt3A_525 = vector.broadcast %gt3A_524 : i32 to vector<16xi32>
      %gt3A_526 = arith.cmpi sgt, %iota3A, %gt3A_525 : vector<16xi32>
      %and3A_527 = arith.andi %eq3A_523, %gt3A_526 : vector<16xi1>
      %jit3A_528 = arith.constant 1 : i32
      %jit3A_529 = arith.constant 0 : i32
      %broadcast_in_dim3A_530 = vector.broadcast %jit3A_528 : i32 to vector<16xi32>
      %broadcast_in_dim3A_531 = vector.broadcast %jit3A_529 : i32 to vector<16xi32>
      %select_n3A_532 = arith.select %and3A_527, %broadcast_in_dim3A_530, %broadcast_in_dim3A_531 : vector<16xi1>, vector<16xi32>
      %add3A_533 = arith.addi %add3A_518, %select_n3A_532 : vector<16xi32>
      %broadcast_in_dim3A_534 = arith.constant 15 : i32
      %broadcast_in_dim3A_535 = vector.broadcast %broadcast_in_dim3A_534 : i32 to vector<16xi32>
      %broadcast_in_dim3A_536 = vector.broadcast %add3A_303 : i32 to vector<16xi32>
      %gather3A_537 = tpu.vector_load_idx %arg5[%broadcast_in_dim3A_535, %broadcast_in_dim3A_536] : memref<16x128xi32, #tpu.memory_space<vmem>>[vector<16xi32>, vector<16xi32>], vector<16xi32>,
      %eq3A_538 = arith.cmpi eq, %gather3A_305, %gather3A_537 : vector<16xi32>
      %gt3A_539 = arith.constant 15 : i32
      %gt3A_540 = vector.broadcast %gt3A_539 : i32 to vector<16xi32>
      %gt3A_541 = arith.cmpi sgt, %iota3A, %gt3A_540 : vector<16xi32>
      %and3A_542 = arith.andi %eq3A_538, %gt3A_541 : vector<16xi1>
      %jit3A_543 = arith.constant 1 : i32
      %jit3A_544 = arith.constant 0 : i32
      %broadcast_in_dim3A_545 = vector.broadcast %jit3A_543 : i32 to vector<16xi32>
      %broadcast_in_dim3A_546 = vector.broadcast %jit3A_544 : i32 to vector<16xi32>
      %select_n3A_547 = arith.select %and3A_542, %broadcast_in_dim3A_545, %broadcast_in_dim3A_546 : vector<16xi1>, vector<16xi32>
      %add3A_548 = arith.addi %add3A_533, %select_n3A_547 : vector<16xi32>
      %bitcast3A_549 = vector.bitcast %gather3A_308 : vector<16xf32> to vector<16xi32>
      %add3A_550 = arith.constant 32767 : i32
      %add3A_551 = vector.broadcast %add3A_550 : i32 to vector<16xi32>
      %add3A_552 = arith.addi %bitcast3A_549, %add3A_551 : vector<16xi32>
      %shift_right_logical3A_553 = arith.constant 16 : i32
      %shift_right_logical3A_554 = vector.broadcast %shift_right_logical3A_553 : i32 to vector<16xi32>
      %shift_right_logical3A_555 = arith.shrui %bitcast3A_549, %shift_right_logical3A_554 : vector<16xi32>
      %and3A_556 = arith.constant 1 : i32
      %and3A_557 = vector.broadcast %and3A_556 : i32 to vector<16xi32>
      %and3A_558 = arith.andi %shift_right_logical3A_555, %and3A_557 : vector<16xi32>
      %add3A_559 = arith.addi %add3A_552, %and3A_558 : vector<16xi32>
      %shift_right_logical3A_560 = arith.constant 16 : i32
      %shift_right_logical3A_561 = vector.broadcast %shift_right_logical3A_560 : i32 to vector<16xi32>
      %shift_right_logical3A_562 = arith.shrui %add3A_559, %shift_right_logical3A_561 : vector<16xi32>
      %shift_left3A = arith.constant 16 : i32
      %shift_left3A_563 = vector.broadcast %shift_left3A : i32 to vector<16xi32>
      %shift_left3A_564 = arith.shli %shift_right_logical3A_562, %shift_left3A_563 : vector<16xi32>
      %gt3A_565 = arith.constant 0 : i32
      %gt3A_566 = vector.broadcast %gt3A_565 : i32 to vector<16xi32>
      %gt3A_567 = arith.cmpi sgt, %add3A_548, %gt3A_566 : vector<16xi32>
      %broadcast_in_dim3A_568 = arith.constant 0 : i32
      %broadcast_in_dim3A_569 = vector.broadcast %broadcast_in_dim3A_568 : i32 to vector<16xi32>
      %select_n3A_570 = arith.select %gt3A_567, %broadcast_in_dim3A_569, %shift_left3A_564 : vector<16xi1>, vector<16xi32>
      %bitcast3A_571 = vector.bitcast %select_n3A_570 : vector<16xi32> to vector<16xi32>
      tpu.vector_store_idx %arg8[%gather3A_305], %bitcast3A_571 {add = true} : memref<4096xi32, #tpu.memory_space<vmem>>[vector<16xi32>], vector<16xi32>,
      %mul3A_572 = arith.constant 64 : i32
      %mul3A_573 = arith.muli %add3A, %mul3A_572 : i32
      %add3A_574 = arith.addi %mul3A_573, %add3A_34 : i32
      %dma_start3A = arith.constant 0 : i32
      %dma_start3A_575 = tpu.memref_slice %arg4[%add3A_574, %dma_start3A] : memref<2048x4096xi32, #tpu.memory_space<hbm>> -> memref<1x4096xi32, #tpu.memory_space<hbm>>
      %dma_start3A_576 = tpu.memref_squeeze %dma_start3A_575 : memref<1x4096xi32, #tpu.memory_space<hbm>> -> memref<4096xi32, #tpu.memory_space<hbm>>
      %dma_start3A_577 = arith.constant 0 : i32
      %dma_start3A_578 = tpu.memref_slice %arg4[%add3A_574, %dma_start3A_577] : memref<2048x4096xi32, #tpu.memory_space<hbm>> -> memref<1x4096xi32, #tpu.memory_space<hbm>>
      %dma_start3A_579 = tpu.memref_squeeze %dma_start3A_578 : memref<1x4096xi32, #tpu.memory_space<hbm>> -> memref<4096xi32, #tpu.memory_space<hbm>>
      tpu.enqueue_dma source(%arg8 : memref<4096xi32, #tpu.memory_space<vmem>>) target(%dma_start3A_579 : memref<4096xi32, #tpu.memory_space<hbm>>) target_semaphore(%arg10 : memref<!tpu.dma_semaphore, #tpu.memory_space<semaphore_mem>>)
      %mul3A_580 = arith.constant 2 : i32
      %mul3A_581 = arith.muli %mul3A_580, %scan3A_30 : i32
      %add3A_582 = arith.constant 1 : i32
      %add3A_583 = arith.addi %mul3A_581, %add3A_582 : i32
      %gt3A_584 = arith.constant 0 : i32
      %gt3A_585 = arith.cmpi sgt, %scan3A_30, %gt3A_584 : i32
      %convert_element_type3A_586 = arith.extui %gt3A_585 : i1 to i32
      %cond3A_587 = arith.constant 0 : i32
      %cond3A_588 = arith.cmpi ne, %convert_element_type3A_586, %cond3A_587 : i32
      scf.if %cond3A_588 {
        %dma_wait3A_1141 = arith.constant 0 : i32
        %dma_wait3A_1142 = arith.constant 0 : i32
        %dma_wait3A_1143 = tpu.memref_slice %arg4[%dma_wait3A_1141, %dma_wait3A_1142] : memref<2048x4096xi32, #tpu.memory_space<hbm>> -> memref<1x4096xi32, #tpu.memory_space<hbm>>
        %dma_wait3A_1144 = tpu.memref_squeeze %dma_wait3A_1143 : memref<1x4096xi32, #tpu.memory_space<hbm>> -> memref<4096xi32, #tpu.memory_space<hbm>>
        %dma_wait3A_1145 = arith.constant 0 : i32
        %dma_wait3A_1146 = tpu.memref_slice %arg4[%dma_wait3A_1141, %dma_wait3A_1145] : memref<2048x4096xi32, #tpu.memory_space<hbm>> -> memref<1x4096xi32, #tpu.memory_space<hbm>>
        %dma_wait3A_1147 = tpu.memref_squeeze %dma_wait3A_1146 : memref<1x4096xi32, #tpu.memory_space<hbm>> -> memref<4096xi32, #tpu.memory_space<hbm>>
        tpu.wait_dma2 semaphore(%arg11 : memref<!tpu.dma_semaphore, #tpu.memory_space<semaphore_mem>>) src(%arg9 : memref<4096xi32, #tpu.memory_space<vmem>>) dst(%dma_wait3A_1147 : memref<4096xi32, #tpu.memory_space<hbm>>)
        %sub3A = arith.constant 2 : i32
        %sub3A_1148 = arith.subi %add3A_583, %sub3A : i32
        %mul3A_1149 = arith.constant 2 : i32
        %mul3A_1150 = arith.muli %mul3A_1149, %sub3A_1148 : i32
        %add3A_1151 = arith.constant 0 : i32
        %add3A_1152 = arith.addi %mul3A_1150, %add3A_1151 : i32
        %broadcast_in_dim3A_1153 = vector.broadcast %add3A_1152 : i32 to vector<16xi32>
        %gather3A_1154 = tpu.vector_load_idx %arg5[%iota3A, %broadcast_in_dim3A_1153] : memref<16x128xi32, #tpu.memory_space<vmem>>[vector<16xi32>, vector<16xi32>], vector<16xi32>,
        tpu.vector_store_idx %arg9[%gather3A_1154], %broadcast_in_dim3A_5 : memref<4096xi32, #tpu.memory_space<vmem>>[vector<16xi32>], vector<16xi32>,
        %sub3A_1155 = arith.constant 2 : i32
        %sub3A_1156 = arith.subi %add3A_583, %sub3A_1155 : i32
        %mul3A_1157 = arith.constant 2 : i32
        %mul3A_1158 = arith.muli %mul3A_1157, %sub3A_1156 : i32
        %add3A_1159 = arith.constant 1 : i32
        %add3A_1160 = arith.addi %mul3A_1158, %add3A_1159 : i32
        %broadcast_in_dim3A_1161 = vector.broadcast %add3A_1160 : i32 to vector<16xi32>
        %gather3A_1162 = tpu.vector_load_idx %arg5[%iota3A, %broadcast_in_dim3A_1161] : memref<16x128xi32, #tpu.memory_space<vmem>>[vector<16xi32>, vector<16xi32>], vector<16xi32>,
        tpu.vector_store_idx %arg9[%gather3A_1162], %broadcast_in_dim3A_5 : memref<4096xi32, #tpu.memory_space<vmem>>[vector<16xi32>], vector<16xi32>,
      } else {
      }
      %mul3A_589 = arith.constant 2 : i32
      %mul3A_590 = arith.muli %mul3A_589, %add3A_583 : i32
      %add3A_591 = arith.constant 0 : i32
      %add3A_592 = arith.addi %mul3A_590, %add3A_591 : i32
      %broadcast_in_dim3A_593 = vector.broadcast %add3A_592 : i32 to vector<16xi32>
      %gather3A_594 = tpu.vector_load_idx %arg5[%iota3A, %broadcast_in_dim3A_593] : memref<16x128xi32, #tpu.memory_space<vmem>>[vector<16xi32>, vector<16xi32>], vector<16xi32>,
      %broadcast_in_dim3A_595 = vector.broadcast %add3A_592 : i32 to vector<16xi32>
      %gather3A_596 = tpu.vector_load_idx %arg6[%iota3A, %broadcast_in_dim3A_595] : memref<16x128xf32, #tpu.memory_space<vmem>>[vector<16xi32>, vector<16xi32>], vector<16xf32>,
      tpu.vector_store_idx %arg7[%gather3A_594], %gather3A_596 {add = true} : memref<4096xf32, #tpu.memory_space<vmem>>[vector<16xi32>], vector<16xf32>,
      %gather3A_597 = tpu.vector_load_idx %arg7[%gather3A_594] : memref<4096xf32, #tpu.memory_space<vmem>>[vector<16xi32>], vector<16xf32>,
      tpu.vector_store_idx %arg7[%gather3A_594], %broadcast_in_dim3A_3 : memref<4096xf32, #tpu.memory_space<vmem>>[vector<16xi32>], vector<16xf32>,
      %broadcast_in_dim3A_598 = arith.constant 0 : i32
      %broadcast_in_dim3A_599 = vector.broadcast %broadcast_in_dim3A_598 : i32 to vector<16xi32>
      %broadcast_in_dim3A_600 = vector.broadcast %add3A_592 : i32 to vector<16xi32>
      %gather3A_601 = tpu.vector_load_idx %arg5[%broadcast_in_dim3A_599, %broadcast_in_dim3A_600] : memref<16x128xi32, #tpu.memory_space<vmem>>[vector<16xi32>, vector<16xi32>], vector<16xi32>,
      %eq3A_602 = arith.cmpi eq, %gather3A_594, %gather3A_601 : vector<16xi32>
      %gt3A_603 = arith.constant 0 : i32
      %gt3A_604 = vector.broadcast %gt3A_603 : i32 to vector<16xi32>
      %gt3A_605 = arith.cmpi sgt, %iota3A, %gt3A_604 : vector<16xi32>
      %and3A_606 = arith.andi %eq3A_602, %gt3A_605 : vector<16xi1>
      %jit3A_607 = arith.constant 1 : i32
      %jit3A_608 = arith.constant 0 : i32
      %broadcast_in_dim3A_609 = vector.broadcast %jit3A_607 : i32 to vector<16xi32>
      %broadcast_in_dim3A_610 = vector.broadcast %jit3A_608 : i32 to vector<16xi32>
      %select_n3A_611 = arith.select %and3A_606, %broadcast_in_dim3A_609, %broadcast_in_dim3A_610 : vector<16xi1>, vector<16xi32>
      %add3A_612 = arith.addi %broadcast_in_dim3A_5, %select_n3A_611 : vector<16xi32>
      %broadcast_in_dim3A_613 = arith.constant 1 : i32
      %broadcast_in_dim3A_614 = vector.broadcast %broadcast_in_dim3A_613 : i32 to vector<16xi32>
      %broadcast_in_dim3A_615 = vector.broadcast %add3A_592 : i32 to vector<16xi32>
      %gather3A_616 = tpu.vector_load_idx %arg5[%broadcast_in_dim3A_614, %broadcast_in_dim3A_615] : memref<16x128xi32, #tpu.memory_space<vmem>>[vector<16xi32>, vector<16xi32>], vector<16xi32>,
      %eq3A_617 = arith.cmpi eq, %gather3A_594, %gather3A_616 : vector<16xi32>
      %gt3A_618 = arith.constant 1 : i32
      %gt3A_619 = vector.broadcast %gt3A_618 : i32 to vector<16xi32>
      %gt3A_620 = arith.cmpi sgt, %iota3A, %gt3A_619 : vector<16xi32>
      %and3A_621 = arith.andi %eq3A_617, %gt3A_620 : vector<16xi1>
      %jit3A_622 = arith.constant 1 : i32
      %jit3A_623 = arith.constant 0 : i32
      %broadcast_in_dim3A_624 = vector.broadcast %jit3A_622 : i32 to vector<16xi32>
      %broadcast_in_dim3A_625 = vector.broadcast %jit3A_623 : i32 to vector<16xi32>
      %select_n3A_626 = arith.select %and3A_621, %broadcast_in_dim3A_624, %broadcast_in_dim3A_625 : vector<16xi1>, vector<16xi32>
      %add3A_627 = arith.addi %add3A_612, %select_n3A_626 : vector<16xi32>
      %broadcast_in_dim3A_628 = arith.constant 2 : i32
      %broadcast_in_dim3A_629 = vector.broadcast %broadcast_in_dim3A_628 : i32 to vector<16xi32>
      %broadcast_in_dim3A_630 = vector.broadcast %add3A_592 : i32 to vector<16xi32>
      %gather3A_631 = tpu.vector_load_idx %arg5[%broadcast_in_dim3A_629, %broadcast_in_dim3A_630] : memref<16x128xi32, #tpu.memory_space<vmem>>[vector<16xi32>, vector<16xi32>], vector<16xi32>,
      %eq3A_632 = arith.cmpi eq, %gather3A_594, %gather3A_631 : vector<16xi32>
      %gt3A_633 = arith.constant 2 : i32
      %gt3A_634 = vector.broadcast %gt3A_633 : i32 to vector<16xi32>
      %gt3A_635 = arith.cmpi sgt, %iota3A, %gt3A_634 : vector<16xi32>
      %and3A_636 = arith.andi %eq3A_632, %gt3A_635 : vector<16xi1>
      %jit3A_637 = arith.constant 1 : i32
      %jit3A_638 = arith.constant 0 : i32
      %broadcast_in_dim3A_639 = vector.broadcast %jit3A_637 : i32 to vector<16xi32>
      %broadcast_in_dim3A_640 = vector.broadcast %jit3A_638 : i32 to vector<16xi32>
      %select_n3A_641 = arith.select %and3A_636, %broadcast_in_dim3A_639, %broadcast_in_dim3A_640 : vector<16xi1>, vector<16xi32>
      %add3A_642 = arith.addi %add3A_627, %select_n3A_641 : vector<16xi32>
      %broadcast_in_dim3A_643 = arith.constant 3 : i32
      %broadcast_in_dim3A_644 = vector.broadcast %broadcast_in_dim3A_643 : i32 to vector<16xi32>
      %broadcast_in_dim3A_645 = vector.broadcast %add3A_592 : i32 to vector<16xi32>
      %gather3A_646 = tpu.vector_load_idx %arg5[%broadcast_in_dim3A_644, %broadcast_in_dim3A_645] : memref<16x128xi32, #tpu.memory_space<vmem>>[vector<16xi32>, vector<16xi32>], vector<16xi32>,
      %eq3A_647 = arith.cmpi eq, %gather3A_594, %gather3A_646 : vector<16xi32>
      %gt3A_648 = arith.constant 3 : i32
      %gt3A_649 = vector.broadcast %gt3A_648 : i32 to vector<16xi32>
      %gt3A_650 = arith.cmpi sgt, %iota3A, %gt3A_649 : vector<16xi32>
      %and3A_651 = arith.andi %eq3A_647, %gt3A_650 : vector<16xi1>
      %jit3A_652 = arith.constant 1 : i32
      %jit3A_653 = arith.constant 0 : i32
      %broadcast_in_dim3A_654 = vector.broadcast %jit3A_652 : i32 to vector<16xi32>
      %broadcast_in_dim3A_655 = vector.broadcast %jit3A_653 : i32 to vector<16xi32>
      %select_n3A_656 = arith.select %and3A_651, %broadcast_in_dim3A_654, %broadcast_in_dim3A_655 : vector<16xi1>, vector<16xi32>
      %add3A_657 = arith.addi %add3A_642, %select_n3A_656 : vector<16xi32>
      %broadcast_in_dim3A_658 = arith.constant 4 : i32
      %broadcast_in_dim3A_659 = vector.broadcast %broadcast_in_dim3A_658 : i32 to vector<16xi32>
      %broadcast_in_dim3A_660 = vector.broadcast %add3A_592 : i32 to vector<16xi32>
      %gather3A_661 = tpu.vector_load_idx %arg5[%broadcast_in_dim3A_659, %broadcast_in_dim3A_660] : memref<16x128xi32, #tpu.memory_space<vmem>>[vector<16xi32>, vector<16xi32>], vector<16xi32>,
      %eq3A_662 = arith.cmpi eq, %gather3A_594, %gather3A_661 : vector<16xi32>
      %gt3A_663 = arith.constant 4 : i32
      %gt3A_664 = vector.broadcast %gt3A_663 : i32 to vector<16xi32>
      %gt3A_665 = arith.cmpi sgt, %iota3A, %gt3A_664 : vector<16xi32>
      %and3A_666 = arith.andi %eq3A_662, %gt3A_665 : vector<16xi1>
      %jit3A_667 = arith.constant 1 : i32
      %jit3A_668 = arith.constant 0 : i32
      %broadcast_in_dim3A_669 = vector.broadcast %jit3A_667 : i32 to vector<16xi32>
      %broadcast_in_dim3A_670 = vector.broadcast %jit3A_668 : i32 to vector<16xi32>
      %select_n3A_671 = arith.select %and3A_666, %broadcast_in_dim3A_669, %broadcast_in_dim3A_670 : vector<16xi1>, vector<16xi32>
      %add3A_672 = arith.addi %add3A_657, %select_n3A_671 : vector<16xi32>
      %broadcast_in_dim3A_673 = arith.constant 5 : i32
      %broadcast_in_dim3A_674 = vector.broadcast %broadcast_in_dim3A_673 : i32 to vector<16xi32>
      %broadcast_in_dim3A_675 = vector.broadcast %add3A_592 : i32 to vector<16xi32>
      %gather3A_676 = tpu.vector_load_idx %arg5[%broadcast_in_dim3A_674, %broadcast_in_dim3A_675] : memref<16x128xi32, #tpu.memory_space<vmem>>[vector<16xi32>, vector<16xi32>], vector<16xi32>,
      %eq3A_677 = arith.cmpi eq, %gather3A_594, %gather3A_676 : vector<16xi32>
      %gt3A_678 = arith.constant 5 : i32
      %gt3A_679 = vector.broadcast %gt3A_678 : i32 to vector<16xi32>
      %gt3A_680 = arith.cmpi sgt, %iota3A, %gt3A_679 : vector<16xi32>
      %and3A_681 = arith.andi %eq3A_677, %gt3A_680 : vector<16xi1>
      %jit3A_682 = arith.constant 1 : i32
      %jit3A_683 = arith.constant 0 : i32
      %broadcast_in_dim3A_684 = vector.broadcast %jit3A_682 : i32 to vector<16xi32>
      %broadcast_in_dim3A_685 = vector.broadcast %jit3A_683 : i32 to vector<16xi32>
      %select_n3A_686 = arith.select %and3A_681, %broadcast_in_dim3A_684, %broadcast_in_dim3A_685 : vector<16xi1>, vector<16xi32>
      %add3A_687 = arith.addi %add3A_672, %select_n3A_686 : vector<16xi32>
      %broadcast_in_dim3A_688 = arith.constant 6 : i32
      %broadcast_in_dim3A_689 = vector.broadcast %broadcast_in_dim3A_688 : i32 to vector<16xi32>
      %broadcast_in_dim3A_690 = vector.broadcast %add3A_592 : i32 to vector<16xi32>
      %gather3A_691 = tpu.vector_load_idx %arg5[%broadcast_in_dim3A_689, %broadcast_in_dim3A_690] : memref<16x128xi32, #tpu.memory_space<vmem>>[vector<16xi32>, vector<16xi32>], vector<16xi32>,
      %eq3A_692 = arith.cmpi eq, %gather3A_594, %gather3A_691 : vector<16xi32>
      %gt3A_693 = arith.constant 6 : i32
      %gt3A_694 = vector.broadcast %gt3A_693 : i32 to vector<16xi32>
      %gt3A_695 = arith.cmpi sgt, %iota3A, %gt3A_694 : vector<16xi32>
      %and3A_696 = arith.andi %eq3A_692, %gt3A_695 : vector<16xi1>
      %jit3A_697 = arith.constant 1 : i32
      %jit3A_698 = arith.constant 0 : i32
      %broadcast_in_dim3A_699 = vector.broadcast %jit3A_697 : i32 to vector<16xi32>
      %broadcast_in_dim3A_700 = vector.broadcast %jit3A_698 : i32 to vector<16xi32>
      %select_n3A_701 = arith.select %and3A_696, %broadcast_in_dim3A_699, %broadcast_in_dim3A_700 : vector<16xi1>, vector<16xi32>
      %add3A_702 = arith.addi %add3A_687, %select_n3A_701 : vector<16xi32>
      %broadcast_in_dim3A_703 = arith.constant 7 : i32
      %broadcast_in_dim3A_704 = vector.broadcast %broadcast_in_dim3A_703 : i32 to vector<16xi32>
      %broadcast_in_dim3A_705 = vector.broadcast %add3A_592 : i32 to vector<16xi32>
      %gather3A_706 = tpu.vector_load_idx %arg5[%broadcast_in_dim3A_704, %broadcast_in_dim3A_705] : memref<16x128xi32, #tpu.memory_space<vmem>>[vector<16xi32>, vector<16xi32>], vector<16xi32>,
      %eq3A_707 = arith.cmpi eq, %gather3A_594, %gather3A_706 : vector<16xi32>
      %gt3A_708 = arith.constant 7 : i32
      %gt3A_709 = vector.broadcast %gt3A_708 : i32 to vector<16xi32>
      %gt3A_710 = arith.cmpi sgt, %iota3A, %gt3A_709 : vector<16xi32>
      %and3A_711 = arith.andi %eq3A_707, %gt3A_710 : vector<16xi1>
      %jit3A_712 = arith.constant 1 : i32
      %jit3A_713 = arith.constant 0 : i32
      %broadcast_in_dim3A_714 = vector.broadcast %jit3A_712 : i32 to vector<16xi32>
      %broadcast_in_dim3A_715 = vector.broadcast %jit3A_713 : i32 to vector<16xi32>
      %select_n3A_716 = arith.select %and3A_711, %broadcast_in_dim3A_714, %broadcast_in_dim3A_715 : vector<16xi1>, vector<16xi32>
      %add3A_717 = arith.addi %add3A_702, %select_n3A_716 : vector<16xi32>
      %broadcast_in_dim3A_718 = arith.constant 8 : i32
      %broadcast_in_dim3A_719 = vector.broadcast %broadcast_in_dim3A_718 : i32 to vector<16xi32>
      %broadcast_in_dim3A_720 = vector.broadcast %add3A_592 : i32 to vector<16xi32>
      %gather3A_721 = tpu.vector_load_idx %arg5[%broadcast_in_dim3A_719, %broadcast_in_dim3A_720] : memref<16x128xi32, #tpu.memory_space<vmem>>[vector<16xi32>, vector<16xi32>], vector<16xi32>,
      %eq3A_722 = arith.cmpi eq, %gather3A_594, %gather3A_721 : vector<16xi32>
      %gt3A_723 = arith.constant 8 : i32
      %gt3A_724 = vector.broadcast %gt3A_723 : i32 to vector<16xi32>
      %gt3A_725 = arith.cmpi sgt, %iota3A, %gt3A_724 : vector<16xi32>
      %and3A_726 = arith.andi %eq3A_722, %gt3A_725 : vector<16xi1>
      %jit3A_727 = arith.constant 1 : i32
      %jit3A_728 = arith.constant 0 : i32
      %broadcast_in_dim3A_729 = vector.broadcast %jit3A_727 : i32 to vector<16xi32>
      %broadcast_in_dim3A_730 = vector.broadcast %jit3A_728 : i32 to vector<16xi32>
      %select_n3A_731 = arith.select %and3A_726, %broadcast_in_dim3A_729, %broadcast_in_dim3A_730 : vector<16xi1>, vector<16xi32>
      %add3A_732 = arith.addi %add3A_717, %select_n3A_731 : vector<16xi32>
      %broadcast_in_dim3A_733 = arith.constant 9 : i32
      %broadcast_in_dim3A_734 = vector.broadcast %broadcast_in_dim3A_733 : i32 to vector<16xi32>
      %broadcast_in_dim3A_735 = vector.broadcast %add3A_592 : i32 to vector<16xi32>
      %gather3A_736 = tpu.vector_load_idx %arg5[%broadcast_in_dim3A_734, %broadcast_in_dim3A_735] : memref<16x128xi32, #tpu.memory_space<vmem>>[vector<16xi32>, vector<16xi32>], vector<16xi32>,
      %eq3A_737 = arith.cmpi eq, %gather3A_594, %gather3A_736 : vector<16xi32>
      %gt3A_738 = arith.constant 9 : i32
      %gt3A_739 = vector.broadcast %gt3A_738 : i32 to vector<16xi32>
      %gt3A_740 = arith.cmpi sgt, %iota3A, %gt3A_739 : vector<16xi32>
      %and3A_741 = arith.andi %eq3A_737, %gt3A_740 : vector<16xi1>
      %jit3A_742 = arith.constant 1 : i32
      %jit3A_743 = arith.constant 0 : i32
      %broadcast_in_dim3A_744 = vector.broadcast %jit3A_742 : i32 to vector<16xi32>
      %broadcast_in_dim3A_745 = vector.broadcast %jit3A_743 : i32 to vector<16xi32>
      %select_n3A_746 = arith.select %and3A_741, %broadcast_in_dim3A_744, %broadcast_in_dim3A_745 : vector<16xi1>, vector<16xi32>
      %add3A_747 = arith.addi %add3A_732, %select_n3A_746 : vector<16xi32>
      %broadcast_in_dim3A_748 = arith.constant 10 : i32
      %broadcast_in_dim3A_749 = vector.broadcast %broadcast_in_dim3A_748 : i32 to vector<16xi32>
      %broadcast_in_dim3A_750 = vector.broadcast %add3A_592 : i32 to vector<16xi32>
      %gather3A_751 = tpu.vector_load_idx %arg5[%broadcast_in_dim3A_749, %broadcast_in_dim3A_750] : memref<16x128xi32, #tpu.memory_space<vmem>>[vector<16xi32>, vector<16xi32>], vector<16xi32>,
      %eq3A_752 = arith.cmpi eq, %gather3A_594, %gather3A_751 : vector<16xi32>
      %gt3A_753 = arith.constant 10 : i32
      %gt3A_754 = vector.broadcast %gt3A_753 : i32 to vector<16xi32>
      %gt3A_755 = arith.cmpi sgt, %iota3A, %gt3A_754 : vector<16xi32>
      %and3A_756 = arith.andi %eq3A_752, %gt3A_755 : vector<16xi1>
      %jit3A_757 = arith.constant 1 : i32
      %jit3A_758 = arith.constant 0 : i32
      %broadcast_in_dim3A_759 = vector.broadcast %jit3A_757 : i32 to vector<16xi32>
      %broadcast_in_dim3A_760 = vector.broadcast %jit3A_758 : i32 to vector<16xi32>
      %select_n3A_761 = arith.select %and3A_756, %broadcast_in_dim3A_759, %broadcast_in_dim3A_760 : vector<16xi1>, vector<16xi32>
      %add3A_762 = arith.addi %add3A_747, %select_n3A_761 : vector<16xi32>
      %broadcast_in_dim3A_763 = arith.constant 11 : i32
      %broadcast_in_dim3A_764 = vector.broadcast %broadcast_in_dim3A_763 : i32 to vector<16xi32>
      %broadcast_in_dim3A_765 = vector.broadcast %add3A_592 : i32 to vector<16xi32>
      %gather3A_766 = tpu.vector_load_idx %arg5[%broadcast_in_dim3A_764, %broadcast_in_dim3A_765] : memref<16x128xi32, #tpu.memory_space<vmem>>[vector<16xi32>, vector<16xi32>], vector<16xi32>,
      %eq3A_767 = arith.cmpi eq, %gather3A_594, %gather3A_766 : vector<16xi32>
      %gt3A_768 = arith.constant 11 : i32
      %gt3A_769 = vector.broadcast %gt3A_768 : i32 to vector<16xi32>
      %gt3A_770 = arith.cmpi sgt, %iota3A, %gt3A_769 : vector<16xi32>
      %and3A_771 = arith.andi %eq3A_767, %gt3A_770 : vector<16xi1>
      %jit3A_772 = arith.constant 1 : i32
      %jit3A_773 = arith.constant 0 : i32
      %broadcast_in_dim3A_774 = vector.broadcast %jit3A_772 : i32 to vector<16xi32>
      %broadcast_in_dim3A_775 = vector.broadcast %jit3A_773 : i32 to vector<16xi32>
      %select_n3A_776 = arith.select %and3A_771, %broadcast_in_dim3A_774, %broadcast_in_dim3A_775 : vector<16xi1>, vector<16xi32>
      %add3A_777 = arith.addi %add3A_762, %select_n3A_776 : vector<16xi32>
      %broadcast_in_dim3A_778 = arith.constant 12 : i32
      %broadcast_in_dim3A_779 = vector.broadcast %broadcast_in_dim3A_778 : i32 to vector<16xi32>
      %broadcast_in_dim3A_780 = vector.broadcast %add3A_592 : i32 to vector<16xi32>
      %gather3A_781 = tpu.vector_load_idx %arg5[%broadcast_in_dim3A_779, %broadcast_in_dim3A_780] : memref<16x128xi32, #tpu.memory_space<vmem>>[vector<16xi32>, vector<16xi32>], vector<16xi32>,
      %eq3A_782 = arith.cmpi eq, %gather3A_594, %gather3A_781 : vector<16xi32>
      %gt3A_783 = arith.constant 12 : i32
      %gt3A_784 = vector.broadcast %gt3A_783 : i32 to vector<16xi32>
      %gt3A_785 = arith.cmpi sgt, %iota3A, %gt3A_784 : vector<16xi32>
      %and3A_786 = arith.andi %eq3A_782, %gt3A_785 : vector<16xi1>
      %jit3A_787 = arith.constant 1 : i32
      %jit3A_788 = arith.constant 0 : i32
      %broadcast_in_dim3A_789 = vector.broadcast %jit3A_787 : i32 to vector<16xi32>
      %broadcast_in_dim3A_790 = vector.broadcast %jit3A_788 : i32 to vector<16xi32>
      %select_n3A_791 = arith.select %and3A_786, %broadcast_in_dim3A_789, %broadcast_in_dim3A_790 : vector<16xi1>, vector<16xi32>
      %add3A_792 = arith.addi %add3A_777, %select_n3A_791 : vector<16xi32>
      %broadcast_in_dim3A_793 = arith.constant 13 : i32
      %broadcast_in_dim3A_794 = vector.broadcast %broadcast_in_dim3A_793 : i32 to vector<16xi32>
      %broadcast_in_dim3A_795 = vector.broadcast %add3A_592 : i32 to vector<16xi32>
      %gather3A_796 = tpu.vector_load_idx %arg5[%broadcast_in_dim3A_794, %broadcast_in_dim3A_795] : memref<16x128xi32, #tpu.memory_space<vmem>>[vector<16xi32>, vector<16xi32>], vector<16xi32>,
      %eq3A_797 = arith.cmpi eq, %gather3A_594, %gather3A_796 : vector<16xi32>
      %gt3A_798 = arith.constant 13 : i32
      %gt3A_799 = vector.broadcast %gt3A_798 : i32 to vector<16xi32>
      %gt3A_800 = arith.cmpi sgt, %iota3A, %gt3A_799 : vector<16xi32>
      %and3A_801 = arith.andi %eq3A_797, %gt3A_800 : vector<16xi1>
      %jit3A_802 = arith.constant 1 : i32
      %jit3A_803 = arith.constant 0 : i32
      %broadcast_in_dim3A_804 = vector.broadcast %jit3A_802 : i32 to vector<16xi32>
      %broadcast_in_dim3A_805 = vector.broadcast %jit3A_803 : i32 to vector<16xi32>
      %select_n3A_806 = arith.select %and3A_801, %broadcast_in_dim3A_804, %broadcast_in_dim3A_805 : vector<16xi1>, vector<16xi32>
      %add3A_807 = arith.addi %add3A_792, %select_n3A_806 : vector<16xi32>
      %broadcast_in_dim3A_808 = arith.constant 14 : i32
      %broadcast_in_dim3A_809 = vector.broadcast %broadcast_in_dim3A_808 : i32 to vector<16xi32>
      %broadcast_in_dim3A_810 = vector.broadcast %add3A_592 : i32 to vector<16xi32>
      %gather3A_811 = tpu.vector_load_idx %arg5[%broadcast_in_dim3A_809, %broadcast_in_dim3A_810] : memref<16x128xi32, #tpu.memory_space<vmem>>[vector<16xi32>, vector<16xi32>], vector<16xi32>,
      %eq3A_812 = arith.cmpi eq, %gather3A_594, %gather3A_811 : vector<16xi32>
      %gt3A_813 = arith.constant 14 : i32
      %gt3A_814 = vector.broadcast %gt3A_813 : i32 to vector<16xi32>
      %gt3A_815 = arith.cmpi sgt, %iota3A, %gt3A_814 : vector<16xi32>
      %and3A_816 = arith.andi %eq3A_812, %gt3A_815 : vector<16xi1>
      %jit3A_817 = arith.constant 1 : i32
      %jit3A_818 = arith.constant 0 : i32
      %broadcast_in_dim3A_819 = vector.broadcast %jit3A_817 : i32 to vector<16xi32>
      %broadcast_in_dim3A_820 = vector.broadcast %jit3A_818 : i32 to vector<16xi32>
      %select_n3A_821 = arith.select %and3A_816, %broadcast_in_dim3A_819, %broadcast_in_dim3A_820 : vector<16xi1>, vector<16xi32>
      %add3A_822 = arith.addi %add3A_807, %select_n3A_821 : vector<16xi32>
      %broadcast_in_dim3A_823 = arith.constant 15 : i32
      %broadcast_in_dim3A_824 = vector.broadcast %broadcast_in_dim3A_823 : i32 to vector<16xi32>
      %broadcast_in_dim3A_825 = vector.broadcast %add3A_592 : i32 to vector<16xi32>
      %gather3A_826 = tpu.vector_load_idx %arg5[%broadcast_in_dim3A_824, %broadcast_in_dim3A_825] : memref<16x128xi32, #tpu.memory_space<vmem>>[vector<16xi32>, vector<16xi32>], vector<16xi32>,
      %eq3A_827 = arith.cmpi eq, %gather3A_594, %gather3A_826 : vector<16xi32>
      %gt3A_828 = arith.constant 15 : i32
      %gt3A_829 = vector.broadcast %gt3A_828 : i32 to vector<16xi32>
      %gt3A_830 = arith.cmpi sgt, %iota3A, %gt3A_829 : vector<16xi32>
      %and3A_831 = arith.andi %eq3A_827, %gt3A_830 : vector<16xi1>
      %jit3A_832 = arith.constant 1 : i32
      %jit3A_833 = arith.constant 0 : i32
      %broadcast_in_dim3A_834 = vector.broadcast %jit3A_832 : i32 to vector<16xi32>
      %broadcast_in_dim3A_835 = vector.broadcast %jit3A_833 : i32 to vector<16xi32>
      %select_n3A_836 = arith.select %and3A_831, %broadcast_in_dim3A_834, %broadcast_in_dim3A_835 : vector<16xi1>, vector<16xi32>
      %add3A_837 = arith.addi %add3A_822, %select_n3A_836 : vector<16xi32>
      %bitcast3A_838 = vector.bitcast %gather3A_597 : vector<16xf32> to vector<16xi32>
      %add3A_839 = arith.constant 32767 : i32
      %add3A_840 = vector.broadcast %add3A_839 : i32 to vector<16xi32>
      %add3A_841 = arith.addi %bitcast3A_838, %add3A_840 : vector<16xi32>
      %shift_right_logical3A_842 = arith.constant 16 : i32
      %shift_right_logical3A_843 = vector.broadcast %shift_right_logical3A_842 : i32 to vector<16xi32>
      %shift_right_logical3A_844 = arith.shrui %bitcast3A_838, %shift_right_logical3A_843 : vector<16xi32>
      %and3A_845 = arith.constant 1 : i32
      %and3A_846 = vector.broadcast %and3A_845 : i32 to vector<16xi32>
      %and3A_847 = arith.andi %shift_right_logical3A_844, %and3A_846 : vector<16xi32>
      %add3A_848 = arith.addi %add3A_841, %and3A_847 : vector<16xi32>
      %shift_right_logical3A_849 = arith.constant 16 : i32
      %shift_right_logical3A_850 = vector.broadcast %shift_right_logical3A_849 : i32 to vector<16xi32>
      %shift_right_logical3A_851 = arith.shrui %add3A_848, %shift_right_logical3A_850 : vector<16xi32>
      %gt3A_852 = arith.constant 0 : i32
      %gt3A_853 = vector.broadcast %gt3A_852 : i32 to vector<16xi32>
      %gt3A_854 = arith.cmpi sgt, %add3A_837, %gt3A_853 : vector<16xi32>
      %broadcast_in_dim3A_855 = arith.constant 0 : i32
      %broadcast_in_dim3A_856 = vector.broadcast %broadcast_in_dim3A_855 : i32 to vector<16xi32>
      %select_n3A_857 = arith.select %gt3A_854, %broadcast_in_dim3A_856, %shift_right_logical3A_851 : vector<16xi1>, vector<16xi32>
      %bitcast3A_858 = vector.bitcast %select_n3A_857 : vector<16xi32> to vector<16xi32>
      tpu.vector_store_idx %arg9[%gather3A_594], %bitcast3A_858 {add = true} : memref<4096xi32, #tpu.memory_space<vmem>>[vector<16xi32>], vector<16xi32>,
      %mul3A_859 = arith.constant 2 : i32
      %mul3A_860 = arith.muli %mul3A_859, %add3A_583 : i32
      %add3A_861 = arith.constant 1 : i32
      %add3A_862 = arith.addi %mul3A_860, %add3A_861 : i32
      %broadcast_in_dim3A_863 = vector.broadcast %add3A_862 : i32 to vector<16xi32>
      %gather3A_864 = tpu.vector_load_idx %arg5[%iota3A, %broadcast_in_dim3A_863] : memref<16x128xi32, #tpu.memory_space<vmem>>[vector<16xi32>, vector<16xi32>], vector<16xi32>,
      %broadcast_in_dim3A_865 = vector.broadcast %add3A_862 : i32 to vector<16xi32>
      %gather3A_866 = tpu.vector_load_idx %arg6[%iota3A, %broadcast_in_dim3A_865] : memref<16x128xf32, #tpu.memory_space<vmem>>[vector<16xi32>, vector<16xi32>], vector<16xf32>,
      tpu.vector_store_idx %arg7[%gather3A_864], %gather3A_866 {add = true} : memref<4096xf32, #tpu.memory_space<vmem>>[vector<16xi32>], vector<16xf32>,
      %gather3A_867 = tpu.vector_load_idx %arg7[%gather3A_864] : memref<4096xf32, #tpu.memory_space<vmem>>[vector<16xi32>], vector<16xf32>,
      tpu.vector_store_idx %arg7[%gather3A_864], %broadcast_in_dim3A_3 : memref<4096xf32, #tpu.memory_space<vmem>>[vector<16xi32>], vector<16xf32>,
      %broadcast_in_dim3A_868 = arith.constant 0 : i32
      %broadcast_in_dim3A_869 = vector.broadcast %broadcast_in_dim3A_868 : i32 to vector<16xi32>
      %broadcast_in_dim3A_870 = vector.broadcast %add3A_862 : i32 to vector<16xi32>
      %gather3A_871 = tpu.vector_load_idx %arg5[%broadcast_in_dim3A_869, %broadcast_in_dim3A_870] : memref<16x128xi32, #tpu.memory_space<vmem>>[vector<16xi32>, vector<16xi32>], vector<16xi32>,
      %eq3A_872 = arith.cmpi eq, %gather3A_864, %gather3A_871 : vector<16xi32>
      %gt3A_873 = arith.constant 0 : i32
      %gt3A_874 = vector.broadcast %gt3A_873 : i32 to vector<16xi32>
      %gt3A_875 = arith.cmpi sgt, %iota3A, %gt3A_874 : vector<16xi32>
      %and3A_876 = arith.andi %eq3A_872, %gt3A_875 : vector<16xi1>
      %jit3A_877 = arith.constant 1 : i32
      %jit3A_878 = arith.constant 0 : i32
      %broadcast_in_dim3A_879 = vector.broadcast %jit3A_877 : i32 to vector<16xi32>
      %broadcast_in_dim3A_880 = vector.broadcast %jit3A_878 : i32 to vector<16xi32>
      %select_n3A_881 = arith.select %and3A_876, %broadcast_in_dim3A_879, %broadcast_in_dim3A_880 : vector<16xi1>, vector<16xi32>
      %add3A_882 = arith.addi %broadcast_in_dim3A_5, %select_n3A_881 : vector<16xi32>
      %broadcast_in_dim3A_883 = arith.constant 1 : i32
      %broadcast_in_dim3A_884 = vector.broadcast %broadcast_in_dim3A_883 : i32 to vector<16xi32>
      %broadcast_in_dim3A_885 = vector.broadcast %add3A_862 : i32 to vector<16xi32>
      %gather3A_886 = tpu.vector_load_idx %arg5[%broadcast_in_dim3A_884, %broadcast_in_dim3A_885] : memref<16x128xi32, #tpu.memory_space<vmem>>[vector<16xi32>, vector<16xi32>], vector<16xi32>,
      %eq3A_887 = arith.cmpi eq, %gather3A_864, %gather3A_886 : vector<16xi32>
      %gt3A_888 = arith.constant 1 : i32
      %gt3A_889 = vector.broadcast %gt3A_888 : i32 to vector<16xi32>
      %gt3A_890 = arith.cmpi sgt, %iota3A, %gt3A_889 : vector<16xi32>
      %and3A_891 = arith.andi %eq3A_887, %gt3A_890 : vector<16xi1>
      %jit3A_892 = arith.constant 1 : i32
      %jit3A_893 = arith.constant 0 : i32
      %broadcast_in_dim3A_894 = vector.broadcast %jit3A_892 : i32 to vector<16xi32>
      %broadcast_in_dim3A_895 = vector.broadcast %jit3A_893 : i32 to vector<16xi32>
      %select_n3A_896 = arith.select %and3A_891, %broadcast_in_dim3A_894, %broadcast_in_dim3A_895 : vector<16xi1>, vector<16xi32>
      %add3A_897 = arith.addi %add3A_882, %select_n3A_896 : vector<16xi32>
      %broadcast_in_dim3A_898 = arith.constant 2 : i32
      %broadcast_in_dim3A_899 = vector.broadcast %broadcast_in_dim3A_898 : i32 to vector<16xi32>
      %broadcast_in_dim3A_900 = vector.broadcast %add3A_862 : i32 to vector<16xi32>
      %gather3A_901 = tpu.vector_load_idx %arg5[%broadcast_in_dim3A_899, %broadcast_in_dim3A_900] : memref<16x128xi32, #tpu.memory_space<vmem>>[vector<16xi32>, vector<16xi32>], vector<16xi32>,
      %eq3A_902 = arith.cmpi eq, %gather3A_864, %gather3A_901 : vector<16xi32>
      %gt3A_903 = arith.constant 2 : i32
      %gt3A_904 = vector.broadcast %gt3A_903 : i32 to vector<16xi32>
      %gt3A_905 = arith.cmpi sgt, %iota3A, %gt3A_904 : vector<16xi32>
      %and3A_906 = arith.andi %eq3A_902, %gt3A_905 : vector<16xi1>
      %jit3A_907 = arith.constant 1 : i32
      %jit3A_908 = arith.constant 0 : i32
      %broadcast_in_dim3A_909 = vector.broadcast %jit3A_907 : i32 to vector<16xi32>
      %broadcast_in_dim3A_910 = vector.broadcast %jit3A_908 : i32 to vector<16xi32>
      %select_n3A_911 = arith.select %and3A_906, %broadcast_in_dim3A_909, %broadcast_in_dim3A_910 : vector<16xi1>, vector<16xi32>
      %add3A_912 = arith.addi %add3A_897, %select_n3A_911 : vector<16xi32>
      %broadcast_in_dim3A_913 = arith.constant 3 : i32
      %broadcast_in_dim3A_914 = vector.broadcast %broadcast_in_dim3A_913 : i32 to vector<16xi32>
      %broadcast_in_dim3A_915 = vector.broadcast %add3A_862 : i32 to vector<16xi32>
      %gather3A_916 = tpu.vector_load_idx %arg5[%broadcast_in_dim3A_914, %broadcast_in_dim3A_915] : memref<16x128xi32, #tpu.memory_space<vmem>>[vector<16xi32>, vector<16xi32>], vector<16xi32>,
      %eq3A_917 = arith.cmpi eq, %gather3A_864, %gather3A_916 : vector<16xi32>
      %gt3A_918 = arith.constant 3 : i32
      %gt3A_919 = vector.broadcast %gt3A_918 : i32 to vector<16xi32>
      %gt3A_920 = arith.cmpi sgt, %iota3A, %gt3A_919 : vector<16xi32>
      %and3A_921 = arith.andi %eq3A_917, %gt3A_920 : vector<16xi1>
      %jit3A_922 = arith.constant 1 : i32
      %jit3A_923 = arith.constant 0 : i32
      %broadcast_in_dim3A_924 = vector.broadcast %jit3A_922 : i32 to vector<16xi32>
      %broadcast_in_dim3A_925 = vector.broadcast %jit3A_923 : i32 to vector<16xi32>
      %select_n3A_926 = arith.select %and3A_921, %broadcast_in_dim3A_924, %broadcast_in_dim3A_925 : vector<16xi1>, vector<16xi32>
      %add3A_927 = arith.addi %add3A_912, %select_n3A_926 : vector<16xi32>
      %broadcast_in_dim3A_928 = arith.constant 4 : i32
      %broadcast_in_dim3A_929 = vector.broadcast %broadcast_in_dim3A_928 : i32 to vector<16xi32>
      %broadcast_in_dim3A_930 = vector.broadcast %add3A_862 : i32 to vector<16xi32>
      %gather3A_931 = tpu.vector_load_idx %arg5[%broadcast_in_dim3A_929, %broadcast_in_dim3A_930] : memref<16x128xi32, #tpu.memory_space<vmem>>[vector<16xi32>, vector<16xi32>], vector<16xi32>,
      %eq3A_932 = arith.cmpi eq, %gather3A_864, %gather3A_931 : vector<16xi32>
      %gt3A_933 = arith.constant 4 : i32
      %gt3A_934 = vector.broadcast %gt3A_933 : i32 to vector<16xi32>
      %gt3A_935 = arith.cmpi sgt, %iota3A, %gt3A_934 : vector<16xi32>
      %and3A_936 = arith.andi %eq3A_932, %gt3A_935 : vector<16xi1>
      %jit3A_937 = arith.constant 1 : i32
      %jit3A_938 = arith.constant 0 : i32
      %broadcast_in_dim3A_939 = vector.broadcast %jit3A_937 : i32 to vector<16xi32>
      %broadcast_in_dim3A_940 = vector.broadcast %jit3A_938 : i32 to vector<16xi32>
      %select_n3A_941 = arith.select %and3A_936, %broadcast_in_dim3A_939, %broadcast_in_dim3A_940 : vector<16xi1>, vector<16xi32>
      %add3A_942 = arith.addi %add3A_927, %select_n3A_941 : vector<16xi32>
      %broadcast_in_dim3A_943 = arith.constant 5 : i32
      %broadcast_in_dim3A_944 = vector.broadcast %broadcast_in_dim3A_943 : i32 to vector<16xi32>
      %broadcast_in_dim3A_945 = vector.broadcast %add3A_862 : i32 to vector<16xi32>
      %gather3A_946 = tpu.vector_load_idx %arg5[%broadcast_in_dim3A_944, %broadcast_in_dim3A_945] : memref<16x128xi32, #tpu.memory_space<vmem>>[vector<16xi32>, vector<16xi32>], vector<16xi32>,
      %eq3A_947 = arith.cmpi eq, %gather3A_864, %gather3A_946 : vector<16xi32>
      %gt3A_948 = arith.constant 5 : i32
      %gt3A_949 = vector.broadcast %gt3A_948 : i32 to vector<16xi32>
      %gt3A_950 = arith.cmpi sgt, %iota3A, %gt3A_949 : vector<16xi32>
      %and3A_951 = arith.andi %eq3A_947, %gt3A_950 : vector<16xi1>
      %jit3A_952 = arith.constant 1 : i32
      %jit3A_953 = arith.constant 0 : i32
      %broadcast_in_dim3A_954 = vector.broadcast %jit3A_952 : i32 to vector<16xi32>
      %broadcast_in_dim3A_955 = vector.broadcast %jit3A_953 : i32 to vector<16xi32>
      %select_n3A_956 = arith.select %and3A_951, %broadcast_in_dim3A_954, %broadcast_in_dim3A_955 : vector<16xi1>, vector<16xi32>
      %add3A_957 = arith.addi %add3A_942, %select_n3A_956 : vector<16xi32>
      %broadcast_in_dim3A_958 = arith.constant 6 : i32
      %broadcast_in_dim3A_959 = vector.broadcast %broadcast_in_dim3A_958 : i32 to vector<16xi32>
      %broadcast_in_dim3A_960 = vector.broadcast %add3A_862 : i32 to vector<16xi32>
      %gather3A_961 = tpu.vector_load_idx %arg5[%broadcast_in_dim3A_959, %broadcast_in_dim3A_960] : memref<16x128xi32, #tpu.memory_space<vmem>>[vector<16xi32>, vector<16xi32>], vector<16xi32>,
      %eq3A_962 = arith.cmpi eq, %gather3A_864, %gather3A_961 : vector<16xi32>
      %gt3A_963 = arith.constant 6 : i32
      %gt3A_964 = vector.broadcast %gt3A_963 : i32 to vector<16xi32>
      %gt3A_965 = arith.cmpi sgt, %iota3A, %gt3A_964 : vector<16xi32>
      %and3A_966 = arith.andi %eq3A_962, %gt3A_965 : vector<16xi1>
      %jit3A_967 = arith.constant 1 : i32
      %jit3A_968 = arith.constant 0 : i32
      %broadcast_in_dim3A_969 = vector.broadcast %jit3A_967 : i32 to vector<16xi32>
      %broadcast_in_dim3A_970 = vector.broadcast %jit3A_968 : i32 to vector<16xi32>
      %select_n3A_971 = arith.select %and3A_966, %broadcast_in_dim3A_969, %broadcast_in_dim3A_970 : vector<16xi1>, vector<16xi32>
      %add3A_972 = arith.addi %add3A_957, %select_n3A_971 : vector<16xi32>
      %broadcast_in_dim3A_973 = arith.constant 7 : i32
      %broadcast_in_dim3A_974 = vector.broadcast %broadcast_in_dim3A_973 : i32 to vector<16xi32>
      %broadcast_in_dim3A_975 = vector.broadcast %add3A_862 : i32 to vector<16xi32>
      %gather3A_976 = tpu.vector_load_idx %arg5[%broadcast_in_dim3A_974, %broadcast_in_dim3A_975] : memref<16x128xi32, #tpu.memory_space<vmem>>[vector<16xi32>, vector<16xi32>], vector<16xi32>,
      %eq3A_977 = arith.cmpi eq, %gather3A_864, %gather3A_976 : vector<16xi32>
      %gt3A_978 = arith.constant 7 : i32
      %gt3A_979 = vector.broadcast %gt3A_978 : i32 to vector<16xi32>
      %gt3A_980 = arith.cmpi sgt, %iota3A, %gt3A_979 : vector<16xi32>
      %and3A_981 = arith.andi %eq3A_977, %gt3A_980 : vector<16xi1>
      %jit3A_982 = arith.constant 1 : i32
      %jit3A_983 = arith.constant 0 : i32
      %broadcast_in_dim3A_984 = vector.broadcast %jit3A_982 : i32 to vector<16xi32>
      %broadcast_in_dim3A_985 = vector.broadcast %jit3A_983 : i32 to vector<16xi32>
      %select_n3A_986 = arith.select %and3A_981, %broadcast_in_dim3A_984, %broadcast_in_dim3A_985 : vector<16xi1>, vector<16xi32>
      %add3A_987 = arith.addi %add3A_972, %select_n3A_986 : vector<16xi32>
      %broadcast_in_dim3A_988 = arith.constant 8 : i32
      %broadcast_in_dim3A_989 = vector.broadcast %broadcast_in_dim3A_988 : i32 to vector<16xi32>
      %broadcast_in_dim3A_990 = vector.broadcast %add3A_862 : i32 to vector<16xi32>
      %gather3A_991 = tpu.vector_load_idx %arg5[%broadcast_in_dim3A_989, %broadcast_in_dim3A_990] : memref<16x128xi32, #tpu.memory_space<vmem>>[vector<16xi32>, vector<16xi32>], vector<16xi32>,
      %eq3A_992 = arith.cmpi eq, %gather3A_864, %gather3A_991 : vector<16xi32>
      %gt3A_993 = arith.constant 8 : i32
      %gt3A_994 = vector.broadcast %gt3A_993 : i32 to vector<16xi32>
      %gt3A_995 = arith.cmpi sgt, %iota3A, %gt3A_994 : vector<16xi32>
      %and3A_996 = arith.andi %eq3A_992, %gt3A_995 : vector<16xi1>
      %jit3A_997 = arith.constant 1 : i32
      %jit3A_998 = arith.constant 0 : i32
      %broadcast_in_dim3A_999 = vector.broadcast %jit3A_997 : i32 to vector<16xi32>
      %broadcast_in_dim3A_1000 = vector.broadcast %jit3A_998 : i32 to vector<16xi32>
      %select_n3A_1001 = arith.select %and3A_996, %broadcast_in_dim3A_999, %broadcast_in_dim3A_1000 : vector<16xi1>, vector<16xi32>
      %add3A_1002 = arith.addi %add3A_987, %select_n3A_1001 : vector<16xi32>
      %broadcast_in_dim3A_1003 = arith.constant 9 : i32
      %broadcast_in_dim3A_1004 = vector.broadcast %broadcast_in_dim3A_1003 : i32 to vector<16xi32>
      %broadcast_in_dim3A_1005 = vector.broadcast %add3A_862 : i32 to vector<16xi32>
      %gather3A_1006 = tpu.vector_load_idx %arg5[%broadcast_in_dim3A_1004, %broadcast_in_dim3A_1005] : memref<16x128xi32, #tpu.memory_space<vmem>>[vector<16xi32>, vector<16xi32>], vector<16xi32>,
      %eq3A_1007 = arith.cmpi eq, %gather3A_864, %gather3A_1006 : vector<16xi32>
      %gt3A_1008 = arith.constant 9 : i32
      %gt3A_1009 = vector.broadcast %gt3A_1008 : i32 to vector<16xi32>
      %gt3A_1010 = arith.cmpi sgt, %iota3A, %gt3A_1009 : vector<16xi32>
      %and3A_1011 = arith.andi %eq3A_1007, %gt3A_1010 : vector<16xi1>
      %jit3A_1012 = arith.constant 1 : i32
      %jit3A_1013 = arith.constant 0 : i32
      %broadcast_in_dim3A_1014 = vector.broadcast %jit3A_1012 : i32 to vector<16xi32>
      %broadcast_in_dim3A_1015 = vector.broadcast %jit3A_1013 : i32 to vector<16xi32>
      %select_n3A_1016 = arith.select %and3A_1011, %broadcast_in_dim3A_1014, %broadcast_in_dim3A_1015 : vector<16xi1>, vector<16xi32>
      %add3A_1017 = arith.addi %add3A_1002, %select_n3A_1016 : vector<16xi32>
      %broadcast_in_dim3A_1018 = arith.constant 10 : i32
      %broadcast_in_dim3A_1019 = vector.broadcast %broadcast_in_dim3A_1018 : i32 to vector<16xi32>
      %broadcast_in_dim3A_1020 = vector.broadcast %add3A_862 : i32 to vector<16xi32>
      %gather3A_1021 = tpu.vector_load_idx %arg5[%broadcast_in_dim3A_1019, %broadcast_in_dim3A_1020] : memref<16x128xi32, #tpu.memory_space<vmem>>[vector<16xi32>, vector<16xi32>], vector<16xi32>,
      %eq3A_1022 = arith.cmpi eq, %gather3A_864, %gather3A_1021 : vector<16xi32>
      %gt3A_1023 = arith.constant 10 : i32
      %gt3A_1024 = vector.broadcast %gt3A_1023 : i32 to vector<16xi32>
      %gt3A_1025 = arith.cmpi sgt, %iota3A, %gt3A_1024 : vector<16xi32>
      %and3A_1026 = arith.andi %eq3A_1022, %gt3A_1025 : vector<16xi1>
      %jit3A_1027 = arith.constant 1 : i32
      %jit3A_1028 = arith.constant 0 : i32
      %broadcast_in_dim3A_1029 = vector.broadcast %jit3A_1027 : i32 to vector<16xi32>
      %broadcast_in_dim3A_1030 = vector.broadcast %jit3A_1028 : i32 to vector<16xi32>
      %select_n3A_1031 = arith.select %and3A_1026, %broadcast_in_dim3A_1029, %broadcast_in_dim3A_1030 : vector<16xi1>, vector<16xi32>
      %add3A_1032 = arith.addi %add3A_1017, %select_n3A_1031 : vector<16xi32>
      %broadcast_in_dim3A_1033 = arith.constant 11 : i32
      %broadcast_in_dim3A_1034 = vector.broadcast %broadcast_in_dim3A_1033 : i32 to vector<16xi32>
      %broadcast_in_dim3A_1035 = vector.broadcast %add3A_862 : i32 to vector<16xi32>
      %gather3A_1036 = tpu.vector_load_idx %arg5[%broadcast_in_dim3A_1034, %broadcast_in_dim3A_1035] : memref<16x128xi32, #tpu.memory_space<vmem>>[vector<16xi32>, vector<16xi32>], vector<16xi32>,
      %eq3A_1037 = arith.cmpi eq, %gather3A_864, %gather3A_1036 : vector<16xi32>
      %gt3A_1038 = arith.constant 11 : i32
      %gt3A_1039 = vector.broadcast %gt3A_1038 : i32 to vector<16xi32>
      %gt3A_1040 = arith.cmpi sgt, %iota3A, %gt3A_1039 : vector<16xi32>
      %and3A_1041 = arith.andi %eq3A_1037, %gt3A_1040 : vector<16xi1>
      %jit3A_1042 = arith.constant 1 : i32
      %jit3A_1043 = arith.constant 0 : i32
      %broadcast_in_dim3A_1044 = vector.broadcast %jit3A_1042 : i32 to vector<16xi32>
      %broadcast_in_dim3A_1045 = vector.broadcast %jit3A_1043 : i32 to vector<16xi32>
      %select_n3A_1046 = arith.select %and3A_1041, %broadcast_in_dim3A_1044, %broadcast_in_dim3A_1045 : vector<16xi1>, vector<16xi32>
      %add3A_1047 = arith.addi %add3A_1032, %select_n3A_1046 : vector<16xi32>
      %broadcast_in_dim3A_1048 = arith.constant 12 : i32
      %broadcast_in_dim3A_1049 = vector.broadcast %broadcast_in_dim3A_1048 : i32 to vector<16xi32>
      %broadcast_in_dim3A_1050 = vector.broadcast %add3A_862 : i32 to vector<16xi32>
      %gather3A_1051 = tpu.vector_load_idx %arg5[%broadcast_in_dim3A_1049, %broadcast_in_dim3A_1050] : memref<16x128xi32, #tpu.memory_space<vmem>>[vector<16xi32>, vector<16xi32>], vector<16xi32>,
      %eq3A_1052 = arith.cmpi eq, %gather3A_864, %gather3A_1051 : vector<16xi32>
      %gt3A_1053 = arith.constant 12 : i32
      %gt3A_1054 = vector.broadcast %gt3A_1053 : i32 to vector<16xi32>
      %gt3A_1055 = arith.cmpi sgt, %iota3A, %gt3A_1054 : vector<16xi32>
      %and3A_1056 = arith.andi %eq3A_1052, %gt3A_1055 : vector<16xi1>
      %jit3A_1057 = arith.constant 1 : i32
      %jit3A_1058 = arith.constant 0 : i32
      %broadcast_in_dim3A_1059 = vector.broadcast %jit3A_1057 : i32 to vector<16xi32>
      %broadcast_in_dim3A_1060 = vector.broadcast %jit3A_1058 : i32 to vector<16xi32>
      %select_n3A_1061 = arith.select %and3A_1056, %broadcast_in_dim3A_1059, %broadcast_in_dim3A_1060 : vector<16xi1>, vector<16xi32>
      %add3A_1062 = arith.addi %add3A_1047, %select_n3A_1061 : vector<16xi32>
      %broadcast_in_dim3A_1063 = arith.constant 13 : i32
      %broadcast_in_dim3A_1064 = vector.broadcast %broadcast_in_dim3A_1063 : i32 to vector<16xi32>
      %broadcast_in_dim3A_1065 = vector.broadcast %add3A_862 : i32 to vector<16xi32>
      %gather3A_1066 = tpu.vector_load_idx %arg5[%broadcast_in_dim3A_1064, %broadcast_in_dim3A_1065] : memref<16x128xi32, #tpu.memory_space<vmem>>[vector<16xi32>, vector<16xi32>], vector<16xi32>,
      %eq3A_1067 = arith.cmpi eq, %gather3A_864, %gather3A_1066 : vector<16xi32>
      %gt3A_1068 = arith.constant 13 : i32
      %gt3A_1069 = vector.broadcast %gt3A_1068 : i32 to vector<16xi32>
      %gt3A_1070 = arith.cmpi sgt, %iota3A, %gt3A_1069 : vector<16xi32>
      %and3A_1071 = arith.andi %eq3A_1067, %gt3A_1070 : vector<16xi1>
      %jit3A_1072 = arith.constant 1 : i32
      %jit3A_1073 = arith.constant 0 : i32
      %broadcast_in_dim3A_1074 = vector.broadcast %jit3A_1072 : i32 to vector<16xi32>
      %broadcast_in_dim3A_1075 = vector.broadcast %jit3A_1073 : i32 to vector<16xi32>
      %select_n3A_1076 = arith.select %and3A_1071, %broadcast_in_dim3A_1074, %broadcast_in_dim3A_1075 : vector<16xi1>, vector<16xi32>
      %add3A_1077 = arith.addi %add3A_1062, %select_n3A_1076 : vector<16xi32>
      %broadcast_in_dim3A_1078 = arith.constant 14 : i32
      %broadcast_in_dim3A_1079 = vector.broadcast %broadcast_in_dim3A_1078 : i32 to vector<16xi32>
      %broadcast_in_dim3A_1080 = vector.broadcast %add3A_862 : i32 to vector<16xi32>
      %gather3A_1081 = tpu.vector_load_idx %arg5[%broadcast_in_dim3A_1079, %broadcast_in_dim3A_1080] : memref<16x128xi32, #tpu.memory_space<vmem>>[vector<16xi32>, vector<16xi32>], vector<16xi32>,
      %eq3A_1082 = arith.cmpi eq, %gather3A_864, %gather3A_1081 : vector<16xi32>
      %gt3A_1083 = arith.constant 14 : i32
      %gt3A_1084 = vector.broadcast %gt3A_1083 : i32 to vector<16xi32>
      %gt3A_1085 = arith.cmpi sgt, %iota3A, %gt3A_1084 : vector<16xi32>
      %and3A_1086 = arith.andi %eq3A_1082, %gt3A_1085 : vector<16xi1>
      %jit3A_1087 = arith.constant 1 : i32
      %jit3A_1088 = arith.constant 0 : i32
      %broadcast_in_dim3A_1089 = vector.broadcast %jit3A_1087 : i32 to vector<16xi32>
      %broadcast_in_dim3A_1090 = vector.broadcast %jit3A_1088 : i32 to vector<16xi32>
      %select_n3A_1091 = arith.select %and3A_1086, %broadcast_in_dim3A_1089, %broadcast_in_dim3A_1090 : vector<16xi1>, vector<16xi32>
      %add3A_1092 = arith.addi %add3A_1077, %select_n3A_1091 : vector<16xi32>
      %broadcast_in_dim3A_1093 = arith.constant 15 : i32
      %broadcast_in_dim3A_1094 = vector.broadcast %broadcast_in_dim3A_1093 : i32 to vector<16xi32>
      %broadcast_in_dim3A_1095 = vector.broadcast %add3A_862 : i32 to vector<16xi32>
      %gather3A_1096 = tpu.vector_load_idx %arg5[%broadcast_in_dim3A_1094, %broadcast_in_dim3A_1095] : memref<16x128xi32, #tpu.memory_space<vmem>>[vector<16xi32>, vector<16xi32>], vector<16xi32>,
      %eq3A_1097 = arith.cmpi eq, %gather3A_864, %gather3A_1096 : vector<16xi32>
      %gt3A_1098 = arith.constant 15 : i32
      %gt3A_1099 = vector.broadcast %gt3A_1098 : i32 to vector<16xi32>
      %gt3A_1100 = arith.cmpi sgt, %iota3A, %gt3A_1099 : vector<16xi32>
      %and3A_1101 = arith.andi %eq3A_1097, %gt3A_1100 : vector<16xi1>
      %jit3A_1102 = arith.constant 1 : i32
      %jit3A_1103 = arith.constant 0 : i32
      %broadcast_in_dim3A_1104 = vector.broadcast %jit3A_1102 : i32 to vector<16xi32>
      %broadcast_in_dim3A_1105 = vector.broadcast %jit3A_1103 : i32 to vector<16xi32>
      %select_n3A_1106 = arith.select %and3A_1101, %broadcast_in_dim3A_1104, %broadcast_in_dim3A_1105 : vector<16xi1>, vector<16xi32>
      %add3A_1107 = arith.addi %add3A_1092, %select_n3A_1106 : vector<16xi32>
      %bitcast3A_1108 = vector.bitcast %gather3A_867 : vector<16xf32> to vector<16xi32>
      %add3A_1109 = arith.constant 32767 : i32
      %add3A_1110 = vector.broadcast %add3A_1109 : i32 to vector<16xi32>
      %add3A_1111 = arith.addi %bitcast3A_1108, %add3A_1110 : vector<16xi32>
      %shift_right_logical3A_1112 = arith.constant 16 : i32
      %shift_right_logical3A_1113 = vector.broadcast %shift_right_logical3A_1112 : i32 to vector<16xi32>
      %shift_right_logical3A_1114 = arith.shrui %bitcast3A_1108, %shift_right_logical3A_1113 : vector<16xi32>
      %and3A_1115 = arith.constant 1 : i32
      %and3A_1116 = vector.broadcast %and3A_1115 : i32 to vector<16xi32>
      %and3A_1117 = arith.andi %shift_right_logical3A_1114, %and3A_1116 : vector<16xi32>
      %add3A_1118 = arith.addi %add3A_1111, %and3A_1117 : vector<16xi32>
      %shift_right_logical3A_1119 = arith.constant 16 : i32
      %shift_right_logical3A_1120 = vector.broadcast %shift_right_logical3A_1119 : i32 to vector<16xi32>
      %shift_right_logical3A_1121 = arith.shrui %add3A_1118, %shift_right_logical3A_1120 : vector<16xi32>
      %shift_left3A_1122 = arith.constant 16 : i32
      %shift_left3A_1123 = vector.broadcast %shift_left3A_1122 : i32 to vector<16xi32>
      %shift_left3A_1124 = arith.shli %shift_right_logical3A_1121, %shift_left3A_1123 : vector<16xi32>
      %gt3A_1125 = arith.constant 0 : i32
      %gt3A_1126 = vector.broadcast %gt3A_1125 : i32 to vector<16xi32>
      %gt3A_1127 = arith.cmpi sgt, %add3A_1107, %gt3A_1126 : vector<16xi32>
      %broadcast_in_dim3A_1128 = arith.constant 0 : i32
      %broadcast_in_dim3A_1129 = vector.broadcast %broadcast_in_dim3A_1128 : i32 to vector<16xi32>
      %select_n3A_1130 = arith.select %gt3A_1127, %broadcast_in_dim3A_1129, %shift_left3A_1124 : vector<16xi1>, vector<16xi32>
      %bitcast3A_1131 = vector.bitcast %select_n3A_1130 : vector<16xi32> to vector<16xi32>
      tpu.vector_store_idx %arg9[%gather3A_864], %bitcast3A_1131 {add = true} : memref<4096xi32, #tpu.memory_space<vmem>>[vector<16xi32>], vector<16xi32>,
      %mul3A_1132 = arith.constant 64 : i32
      %mul3A_1133 = arith.muli %add3A, %mul3A_1132 : i32
      %add3A_1134 = arith.addi %mul3A_1133, %add3A_583 : i32
      %dma_start3A_1135 = arith.constant 0 : i32
      %dma_start3A_1136 = tpu.memref_slice %arg4[%add3A_1134, %dma_start3A_1135] : memref<2048x4096xi32, #tpu.memory_space<hbm>> -> memref<1x4096xi32, #tpu.memory_space<hbm>>
      %dma_start3A_1137 = tpu.memref_squeeze %dma_start3A_1136 : memref<1x4096xi32, #tpu.memory_space<hbm>> -> memref<4096xi32, #tpu.memory_space<hbm>>
      %dma_start3A_1138 = arith.constant 0 : i32
      %dma_start3A_1139 = tpu.memref_slice %arg4[%add3A_1134, %dma_start3A_1138] : memref<2048x4096xi32, #tpu.memory_space<hbm>> -> memref<1x4096xi32, #tpu.memory_space<hbm>>
      %dma_start3A_1140 = tpu.memref_squeeze %dma_start3A_1139 : memref<1x4096xi32, #tpu.memory_space<hbm>> -> memref<4096xi32, #tpu.memory_space<hbm>>
      tpu.enqueue_dma source(%arg9 : memref<4096xi32, #tpu.memory_space<vmem>>) target(%dma_start3A_1140 : memref<4096xi32, #tpu.memory_space<hbm>>) target_semaphore(%arg11 : memref<!tpu.dma_semaphore, #tpu.memory_space<semaphore_mem>>)
    }
    %scan3A_16 = arith.constant 32 : i32
    %dma_wait3A = arith.constant 0 : i32
    %dma_wait3A_17 = arith.constant 0 : i32
    %dma_wait3A_18 = tpu.memref_slice %arg4[%dma_wait3A, %dma_wait3A_17] : memref<2048x4096xi32, #tpu.memory_space<hbm>> -> memref<1x4096xi32, #tpu.memory_space<hbm>>
    %dma_wait3A_19 = tpu.memref_squeeze %dma_wait3A_18 : memref<1x4096xi32, #tpu.memory_space<hbm>> -> memref<4096xi32, #tpu.memory_space<hbm>>
    %dma_wait3A_20 = arith.constant 0 : i32
    %dma_wait3A_21 = tpu.memref_slice %arg4[%dma_wait3A, %dma_wait3A_20] : memref<2048x4096xi32, #tpu.memory_space<hbm>> -> memref<1x4096xi32, #tpu.memory_space<hbm>>
    %dma_wait3A_22 = tpu.memref_squeeze %dma_wait3A_21 : memref<1x4096xi32, #tpu.memory_space<hbm>> -> memref<4096xi32, #tpu.memory_space<hbm>>
    tpu.wait_dma2 semaphore(%arg10 : memref<!tpu.dma_semaphore, #tpu.memory_space<semaphore_mem>>) src(%arg8 : memref<4096xi32, #tpu.memory_space<vmem>>) dst(%dma_wait3A_22 : memref<4096xi32, #tpu.memory_space<hbm>>)
    %dma_wait3A_23 = arith.constant 0 : i32
    %dma_wait3A_24 = arith.constant 0 : i32
    %dma_wait3A_25 = tpu.memref_slice %arg4[%dma_wait3A_23, %dma_wait3A_24] : memref<2048x4096xi32, #tpu.memory_space<hbm>> -> memref<1x4096xi32, #tpu.memory_space<hbm>>
    %dma_wait3A_26 = tpu.memref_squeeze %dma_wait3A_25 : memref<1x4096xi32, #tpu.memory_space<hbm>> -> memref<4096xi32, #tpu.memory_space<hbm>>
    %dma_wait3A_27 = arith.constant 0 : i32
    %dma_wait3A_28 = tpu.memref_slice %arg4[%dma_wait3A_23, %dma_wait3A_27] : memref<2048x4096xi32, #tpu.memory_space<hbm>> -> memref<1x4096xi32, #tpu.memory_space<hbm>>
    %dma_wait3A_29 = tpu.memref_squeeze %dma_wait3A_28 : memref<1x4096xi32, #tpu.memory_space<hbm>> -> memref<4096xi32, #tpu.memory_space<hbm>>
    tpu.wait_dma2 semaphore(%arg11 : memref<!tpu.dma_semaphore, #tpu.memory_space<semaphore_mem>>) src(%arg9 : memref<4096xi32, #tpu.memory_space<vmem>>) dst(%dma_wait3A_29 : memref<4096xi32, #tpu.memory_space<hbm>>)
    return
  }
}

module attributes {stable_mosaic.version = 14 : i64} {
  func.func @_cond_mm_body(%arg0: i32, %arg1: memref<256x4096xi32, #tpu.memory_space<vmem>>, %arg2: memref<4096x1024xbf16, #tpu.memory_space<vmem>>, %arg3: memref<1x512xf32, #tpu.memory_space<vmem>>, %arg4: memref<512x1024xbf16, #tpu.memory_space<vmem>>) attributes {dimension_semantics = [#tpu.dimension_semantics<arbitrary>], iteration_bounds = array<i64: 8>, scalar_prefetch = 0 : i64, scratch_operands = 0 : i64, tpu.core_type = #tpu.core_type<tc>, window_params = [{transform_indices = @transform_0, window_bounds = array<i64: 256, 4096>}, {pipeline_mode = #tpu.pipeline_mode<synchronous>, transform_indices = @transform_1, window_bounds = array<i64: 4096, 1024>}, {transform_indices = @transform_2, window_bounds = array<i64: 1, 512>}, {transform_indices = @transform_3, window_bounds = array<i64: 512, 1024>}]} {
    %get3A = arith.constant 0 : index
    %get3A_0 = arith.constant 0 : index
    %get3A_1 = vector.load %arg1[%get3A, %get3A_0] : memref<256x4096xi32, #tpu.memory_space<vmem>>, vector<256x4096xi32>
    %bitcast3A = tpu.bitcast %get3A_1 : vector<256x4096xi32> -> vector<512x4096xbf16>
    %get3A_2 = arith.constant 0 : index
    %get3A_3 = arith.constant 0 : index
    %get3A_4 = vector.load %arg2[%get3A_2, %get3A_3] : memref<4096x1024xbf16, #tpu.memory_space<vmem>>, vector<4096x1024xbf16>
    %dot_general3A = arith.constant dense<0.000000e+00> : vector<512x1024xf32>
    %dot_general3A_5 = tpu.matmul %bitcast3A, %get3A_4, %dot_general3A {dimension_numbers = #tpu.dot_dimension_numbers<[1], [0], [0], [1], [0, 0, 1, 1], [], []>, transpose_lhs_hint = false} : vector<512x4096xbf16>, vector<4096x1024xbf16>, vector<512x1024xf32> -> vector<512x1024xf32>
    %get3A_6 = arith.constant 0 : index
    %get3A_7 = arith.constant 0 : index
    %get3A_8 = vector.load %arg3[%get3A_6, %get3A_7] : memref<1x512xf32, #tpu.memory_space<vmem>>, vector<1x512xf32>
    %reshape3A = vector.shape_cast %get3A_8 : vector<1x512xf32> to vector<512x1xf32>
    %add3A = vector.broadcast %reshape3A : vector<512x1xf32> to vector<512x1024xf32>
    %add3A_9 = arith.addf %dot_general3A_5, %add3A : vector<512x1024xf32>
    %max3A = arith.constant 0.000000e+00 : f32
    %max3A_10 = vector.broadcast %max3A : f32 to vector<512x1024xf32>
    %max3A_11 = arith.maximumf %add3A_9, %max3A_10 : vector<512x1024xf32>
    %convert_element_type3A = arith.truncf %max3A_11 : vector<512x1024xf32> to vector<512x1024xbf16>
    %swap3A = arith.constant 0 : index
    %swap3A_12 = arith.constant 0 : index
    %swap3A_13 = vector.load %arg4[%swap3A, %swap3A_12] : memref<512x1024xbf16, #tpu.memory_space<vmem>>, vector<512x1024xbf16>
    tpu.vector_store %arg4[%swap3A, %swap3A_12], %convert_element_type3A {strides = array<i32>} : memref<512x1024xbf16, #tpu.memory_space<vmem>>, vector<512x1024xbf16>,
    return
  }
  func.func @transform_0(%arg0: i32) -> (i32, i32) {
    %c0_i32 = arith.constant 0 : i32
    %c0_i32_0 = arith.constant 0 : i32
    return %arg0, %c0_i32 : i32, i32
  }
  func.func @transform_1(%arg0: i32) -> (i32, i32) {
    %c0_i32 = arith.constant 0 : i32
    %c0_i32_0 = arith.constant 0 : i32
    %c0_i32_1 = arith.constant 0 : i32
    return %c0_i32, %c0_i32_0 : i32, i32
  }
  func.func @transform_2(%arg0: i32) -> (i32, i32) {
    %c0_i32 = arith.constant 0 : i32
    %c0_i32_0 = arith.constant 0 : i32
    return %c0_i32, %arg0 : i32, i32
  }
  func.func @transform_3(%arg0: i32) -> (i32, i32) {
    %c0_i32 = arith.constant 0 : i32
    %c0_i32_0 = arith.constant 0 : i32
    return %arg0, %c0_i32 : i32, i32
  }
}

module attributes {stable_mosaic.version = 14 : i64} {
  func.func @_mm_in_body(%arg0: i32, %arg1: memref<1024x1024xf32, #tpu.memory_space<vmem>>, %arg2: memref<512x1024xf32, #tpu.memory_space<vmem>>, %arg3: memref<1x512xf32, #tpu.memory_space<vmem>>, %arg4: memref<512x1024xbf16, #tpu.memory_space<vmem>>) attributes {dimension_semantics = [#tpu.dimension_semantics<arbitrary>], iteration_bounds = array<i64: 8>, scalar_prefetch = 0 : i64, scratch_operands = 0 : i64, tpu.core_type = #tpu.core_type<tc>, window_params = [{pipeline_mode = #tpu.pipeline_mode<synchronous>, transform_indices = @transform_0, window_bounds = array<i64: 1024, 1024>}, {transform_indices = @transform_1, window_bounds = array<i64: 512, 1024>}, {transform_indices = @transform_2, window_bounds = array<i64: 1, 512>}, {transform_indices = @transform_3, window_bounds = array<i64: 512, 1024>}]} {
    %get3A = arith.constant 0 : index
    %get3A_0 = arith.constant 0 : index
    %get3A_1 = vector.load %arg2[%get3A, %get3A_0] : memref<512x1024xf32, #tpu.memory_space<vmem>>, vector<512x1024xf32>
    %get3A_2 = arith.constant 0 : index
    %get3A_3 = arith.constant 0 : index
    %get3A_4 = vector.load %arg1[%get3A_2, %get3A_3] : memref<1024x1024xf32, #tpu.memory_space<vmem>>, vector<1024x1024xf32>
    %dot_general3A = arith.constant dense<0.000000e+00> : vector<512x1024xf32>
    %dot_general3A_5 = tpu.matmul %get3A_1, %get3A_4, %dot_general3A {dimension_numbers = #tpu.dot_dimension_numbers<[1], [1], [0], [0], [0, 0, 1, 0], [], []>, transpose_lhs_hint = false} : vector<512x1024xf32>, vector<1024x1024xf32>, vector<512x1024xf32> -> vector<512x1024xf32>
    %get3A_6 = arith.constant 0 : index
    %get3A_7 = arith.constant 0 : index
    %get3A_8 = vector.load %arg3[%get3A_6, %get3A_7] : memref<1x512xf32, #tpu.memory_space<vmem>>, vector<1x512xf32>
    %reshape3A = vector.shape_cast %get3A_8 : vector<1x512xf32> to vector<512x1xf32>
    %add3A = vector.broadcast %reshape3A : vector<512x1xf32> to vector<512x1024xf32>
    %add3A_9 = arith.addf %dot_general3A_5, %add3A : vector<512x1024xf32>
    %max3A = arith.constant 0.000000e+00 : f32
    %max3A_10 = vector.broadcast %max3A : f32 to vector<512x1024xf32>
    %max3A_11 = arith.maximumf %add3A_9, %max3A_10 : vector<512x1024xf32>
    %convert_element_type3A = arith.truncf %max3A_11 : vector<512x1024xf32> to vector<512x1024xbf16>
    %swap3A = arith.constant 0 : index
    %swap3A_12 = arith.constant 0 : index
    %swap3A_13 = vector.load %arg4[%swap3A, %swap3A_12] : memref<512x1024xbf16, #tpu.memory_space<vmem>>, vector<512x1024xbf16>
    tpu.vector_store %arg4[%swap3A, %swap3A_12], %convert_element_type3A {strides = array<i32>} : memref<512x1024xbf16, #tpu.memory_space<vmem>>, vector<512x1024xbf16>,
    return
  }
  func.func @transform_0(%arg0: i32) -> (i32, i32) {
    %c0_i32 = arith.constant 0 : i32
    %c0_i32_0 = arith.constant 0 : i32
    %c0_i32_1 = arith.constant 0 : i32
    return %c0_i32, %c0_i32_0 : i32, i32
  }
  func.func @transform_1(%arg0: i32) -> (i32, i32) {
    %c0_i32 = arith.constant 0 : i32
    %c0_i32_0 = arith.constant 0 : i32
    return %arg0, %c0_i32 : i32, i32
  }
  func.func @transform_2(%arg0: i32) -> (i32, i32) {
    %c0_i32 = arith.constant 0 : i32
    %c0_i32_0 = arith.constant 0 : i32
    return %c0_i32, %arg0 : i32, i32
  }
  func.func @transform_3(%arg0: i32) -> (i32, i32) {
    %c0_i32 = arith.constant 0 : i32
    %c0_i32_0 = arith.constant 0 : i32
    return %arg0, %c0_i32 : i32, i32
  }
}

module attributes {stable_mosaic.version = 14 : i64} {
  func.func @_mm_out_body(%arg0: i32, %arg1: memref<4096x1024xbf16, #tpu.memory_space<vmem>>, %arg2: memref<512x4096xf32, #tpu.memory_space<vmem>>, %arg3: memref<1x512xf32, #tpu.memory_space<vmem>>, %arg4: memref<1024x512xf32, #tpu.memory_space<vmem>>) attributes {dimension_semantics = [#tpu.dimension_semantics<arbitrary>], iteration_bounds = array<i64: 2>, scalar_prefetch = 0 : i64, scratch_operands = 0 : i64, tpu.core_type = #tpu.core_type<tc>, window_params = [{pipeline_mode = #tpu.pipeline_mode<synchronous>, transform_indices = @transform_0, window_bounds = array<i64: 4096, 1024>}, {transform_indices = @transform_1, window_bounds = array<i64: 512, 4096>}, {transform_indices = @transform_2, window_bounds = array<i64: 1, 512>}, {transform_indices = @transform_3, window_bounds = array<i64: 1024, 512>}]} {
    %get3A = arith.constant 0 : index
    %get3A_0 = arith.constant 0 : index
    %get3A_1 = vector.load %arg2[%get3A, %get3A_0] : memref<512x4096xf32, #tpu.memory_space<vmem>>, vector<512x4096xf32>
    %convert_element_type3A = arith.truncf %get3A_1 : vector<512x4096xf32> to vector<512x4096xbf16>
    %get3A_2 = arith.constant 0 : index
    %get3A_3 = arith.constant 0 : index
    %get3A_4 = vector.load %arg1[%get3A_2, %get3A_3] : memref<4096x1024xbf16, #tpu.memory_space<vmem>>, vector<4096x1024xbf16>
    %dot_general3A = arith.constant dense<0.000000e+00> : vector<1024x512xf32>
    %dot_general3A_5 = tpu.matmul %get3A_4, %convert_element_type3A, %dot_general3A {dimension_numbers = #tpu.dot_dimension_numbers<[0], [1], [1], [0], [0, 1, 1, 0], [], []>, transpose_lhs_hint = false} : vector<4096x1024xbf16>, vector<512x4096xbf16>, vector<1024x512xf32> -> vector<1024x512xf32>
    %get3A_6 = arith.constant 0 : index
    %get3A_7 = arith.constant 0 : index
    %get3A_8 = vector.load %arg3[%get3A_6, %get3A_7] : memref<1x512xf32, #tpu.memory_space<vmem>>, vector<1x512xf32>
    %add3A = vector.broadcast %get3A_8 : vector<1x512xf32> to vector<1024x512xf32>
    %add3A_9 = arith.addf %dot_general3A_5, %add3A : vector<1024x512xf32>
    %swap3A = arith.constant 0 : index
    %swap3A_10 = arith.constant 0 : index
    %swap3A_11 = vector.load %arg4[%swap3A, %swap3A_10] : memref<1024x512xf32, #tpu.memory_space<vmem>>, vector<1024x512xf32>
    tpu.vector_store %arg4[%swap3A, %swap3A_10], %add3A_9 {strides = array<i32>} : memref<1024x512xf32, #tpu.memory_space<vmem>>, vector<1024x512xf32>,
    return
  }
  func.func @transform_0(%arg0: i32) -> (i32, i32) {
    %c0_i32 = arith.constant 0 : i32
    %c0_i32_0 = arith.constant 0 : i32
    %c0_i32_1 = arith.constant 0 : i32
    return %c0_i32, %c0_i32_0 : i32, i32
  }
  func.func @transform_1(%arg0: i32) -> (i32, i32) {
    %c0_i32 = arith.constant 0 : i32
    %c0_i32_0 = arith.constant 0 : i32
    return %arg0, %c0_i32 : i32, i32
  }
  func.func @transform_2(%arg0: i32) -> (i32, i32) {
    %c0_i32 = arith.constant 0 : i32
    %c0_i32_0 = arith.constant 0 : i32
    return %c0_i32, %arg0 : i32, i32
  }
  func.func @transform_3(%arg0: i32) -> (i32, i32) {
    %c0_i32 = arith.constant 0 : i32
    %c0_i32_0 = arith.constant 0 : i32
    return %c0_i32, %arg0 : i32, i32
  }
}

</mosaic_0001>

<sc_bundles>
// kernel: kernel.11.cloned.1.call-start
scs
__scs_entry_jumppad:
0x0: {  	(pc) =	sbr.rel $0x88, $3  }
0x1: {  	(tag) =	ssettag $0x0;
	lr =	simm.s32 $0x1  }
0x2: {  	[smem:$0x3F97] =	sst lr;
	_ =	strace $0xD0000000  }
0x3: {  	_ = 	snop  }
0x4: {  	_ = 	snop  }
0x5: {  	_ = 	snop  }
0x6: {  	_ = 	snop  }
0x7: {  	_ = 	snop  }
__scs_overlays_trampoline_lowered:
0x8: {  	[smem:$0x3FA6] =	sst s0  }
0x9: {  	[smem:$0x3FA7] =	sst s1  }
0xa: {  	[smem:$0x3FA8] =	sst s2  }
0xb: {  	[smem:$0x3FA9] =	sst s3  }
0xc: {  	[smem:$0x3FAA] =	sst s4  }
0xd: {  	[smem:$0x3FAB] =	sst s5  }
0xe: {  	[smem:$0x3FAC] =	sst s6  }
0xf: {  	[smem:$0x3FAD] =	sst s7  }
0x10: {  	[smem:$0x3FAE] =	sst s8  }
0x11: {  	[smem:$0x3FAF] =	sst s9;
	s0 =	simm.s32 @!p0 $0x0  }
0x12: {  	s1 =	sld [smem:$0x3F95];
	s0 =	simm.s32 @p0 $0x1  }
0x13: {  	[smem:$0x3FB0] =	sst s0;
	s0 =	simm.s32 @!p1 $0x0  }
0x14: {  	s2 =	sld [smem:$0x3F94];
	s0 =	simm.s32 @p1 $0x1  }
0x15: {  	[smem:$0x3FB1] =	sst s0;
	s0 =	simm.s32 @!p2 $0x0  }
0x16: {  	s3 =	sld [smem:$0x3FDB];
	s0 =	simm.s32 @p2 $0x1  }
0x17: {  	s4 =	simm.s32 $0x1BF5;
	[smem:$0x3FB3] =	sst s0  }
0x18: {  	s0 =	sld [smem:$0x3F96];
	_ =	swait.ge [sflag:s4], $0x0  }
0x19: {  	s7 =	sld [smem:$0x3F97]  }
0x1a: {  	s8 =	sadd.s32 $0xFFFFE003, lr  }
0x1b: {  	s9 =	sadd.s32 $0xFFFFFEF7, lr;
	s5 =	simm.s32 $0xFFFFFFFF;
	p2 =	slt.u32 s8, $0xFFFFF086  }
0x1c: {  	p1 =	slt.u32 s9, $0xF7A;
	s5 =	simm.s32 @!p2 $0x0  }
0x1d: {  	s5 =	simm.s32 @p1 $0x1;
	p0 =	seq.s32 s7, s2  }
0x1e: {  	s7 =	smul.u32 @!p0 $0xF7A, s2;
	p2 =	seq.s32 @!p0 s5, $0x0  }
0x1f: {  	s9 =	smul.u32 $0xF7A, s1;
	s8 =	simm.s32 @!p0 $0x1BF5;
	p2 =	por !p2, p0  }
0x20: {  	[sflag:s8] =	ssyncset.s32 @!p0 $0xFFFFF086;
	s6 =	sadd.s32 @!p0 s3, s7;
	s7 =	simm.s32 @!p0 $0x108  }
0x21: {  	s3 =	sadd.s32 s3, s9;
	s6 =	sadd.s32 @!p0 $0x88, s6;
	s7 =	simm.s32 @p2 $0x1082  }
0x22: {  	[simem:s7], [sflag:s8] =	dma.local @!p0 [hbm:s6], $0xF7A  }
0x23: {  	s9 =	sor.u32 $0xD0000000, s2;
	s6 =	simm.s32 $0x108;
	_ =	swait.ge @!p0 [sflag:s8], $0x0  }
0x24: {  	s3 =	sadd.s32 $0x88, s3;
	s6 =	simm.s32 @!p1 $0x1082;
	[sflag:s4] =	ssyncset.s32 $0xFFFFF086  }
0x25: {  	[simem:s6], [sflag:s4] =	dma.local [hbm:s3], $0xF7A  }
0x26: {  	[smem:$0x3F97] =	sst s1;
	(tag) =	ssettag s2;
	_ =	strace s9  }
0x27: {  	s1 =	sld [smem:$0x3FA7]  }
0x28: {  	s2 =	sld [smem:$0x3FA8]  }
0x29: {  	s4 =	sld [smem:$0x3FAA]  }
0x2a: {  	p0 =	seq.s32 s5, $0x0;
	s5 =	sld [smem:$0x3FAB]  }
0x2b: {  	s6 =	sld [smem:$0x3FAC]  }
0x2c: {  	s7 =	sld [smem:$0x3FAD]  }
0x2d: {  	s3 =	simm.s32 $0x108;
	s8 =	sld [smem:$0x3FAE]  }
0x2e: {  	s3 =	simm.s32 @!p0 $0x1082;
	s9 =	sld [smem:$0x3FAF]  }
0x2f: {  	lr =	sadd.s32 s0, s3;
	s0 =	sld [smem:$0x3FA6]  }
0x30: {  	s3 =	sld [smem:$0x3FA9]  }
0x31: {  	[smem:$0x3FB2] =	sst s10  }
0x32: {  	s10 =	sld [smem:$0x3FB0];
	_ =	sdelay $0x3  }
0x33: {  	p0 =	seq.s32 s10, $0x1;
	s10 =	sld [smem:$0x3FB2];
	_ =	sdelay $0x3  }
0x34: {  	[smem:$0x3FB2] =	sst s10  }
0x35: {  	s10 =	sld [smem:$0x3FB1];
	_ =	sdelay $0x3  }
0x36: {  	p1 =	seq.s32 s10, $0x1;
	s10 =	sld [smem:$0x3FB2];
	_ =	sdelay $0x3  }
0x37: {  	[smem:$0x3FB2] =	sst s10  }
0x38: {  	s10 =	sld [smem:$0x3FB3]  }
0x39: {  	_ = 	snop;
	(pc) =	sbr.ind lr, $3  }
0x3a: {  	_ = 	snop  }
0x3b: {  	_ = 	snop  }
0x3c: {  	p2 =	seq.s32 s10, $0x1;
	s10 =	sld [smem:$0x3FB2]  }
0x3d: {  	_ =	shalt  }
0x3e: {  	_ =	shalt  }
0x3f: {  	_ =	shalt  }
0x40: {  	_ =	shalt  }
0x41: {  	_ =	shalt  }
0x42: {  	_ =	shalt  }
0x43: {  	_ =	shalt  }
0x44: {  	_ =	shalt  }
0x45: {  	_ =	shalt  }
0x46: {  	_ =	shalt  }
0x47: {  	_ =	shalt  }
0x48: {  	_ =	shalt  }
0x49: {  	_ =	shalt  }
0x4a: {  	_ =	shalt  }
0x4b: {  	_ =	shalt  }
0x4c: {  	_ =	shalt  }
0x4d: {  	_ =	shalt  }
0x4e: {  	_ =	shalt  }
0x4f: {  	_ =	shalt  }
0x50: {  	_ =	shalt  }
0x51: {  	_ =	shalt  }
0x52: {  	_ =	shalt  }
0x53: {  	_ =	shalt  }
0x54: {  	_ =	shalt  }
0x55: {  	_ =	shalt  }
0x56: {  	_ =	shalt  }
0x57: {  	_ =	shalt  }
0x58: {  	_ =	shalt  }
0x59: {  	_ =	shalt  }
0x5a: {  	_ =	shalt  }
0x5b: {  	_ =	shalt  }
0x5c: {  	_ =	shalt  }
0x5d: {  	_ =	shalt  }
0x5e: {  	_ =	shalt  }
0x5f: {  	_ =	shalt  }
0x60: {  	_ =	shalt  }
0x61: {  	_ =	shalt  }
0x62: {  	_ =	shalt  }
0x63: {  	_ =	shalt  }
0x64: {  	_ =	shalt  }
0x65: {  	_ =	shalt  }
0x66: {  	_ =	shalt  }
0x67: {  	_ =	shalt  }
0x68: {  	_ =	shalt  }
0x69: {  	_ =	shalt  }
0x6a: {  	_ =	shalt  }
0x6b: {  	_ =	shalt  }
0x6c: {  	_ =	shalt  }
0x6d: {  	_ =	shalt  }
0x6e: {  	_ =	shalt  }
0x6f: {  	_ =	shalt  }
0x70: {  	_ =	shalt  }
0x71: {  	_ =	shalt  }
0x72: {  	_ =	shalt  }
0x73: {  	_ =	shalt  }
0x74: {  	_ =	shalt  }
0x75: {  	_ =	shalt  }
0x76: {  	_ =	shalt  }
0x77: {  	_ =	shalt  }
0x78: {  	_ =	shalt  }
0x79: {  	_ =	shalt  }
0x7a: {  	_ =	shalt  }
0x7b: {  	_ =	shalt  }
0x7c: {  	_ =	shalt  }
0x7d: {  	_ =	shalt  }
0x7e: {  	_ =	shalt  }
0x7f: {  	_ =	shalt  }
0x80: {  	_ =	shalt  }
0x81: {  	_ =	shalt  }
0x82: {  	_ =	shalt  }
0x83: {  	_ =	shalt  }
0x84: {  	_ =	shalt  }
0x85: {  	_ =	shalt  }
0x86: {  	_ =	shalt  }
0x87: {  	_ =	shalt  }
.Lfunc_end0:
.L_simem_size_0:
called_computation.1_lowered:
.L_overlay_start_0:
0x88: {  	s2 =	sld [smem:$0x3FD9]  }
0x89: {  	s3 =	sld [smem:$0x3FFE];
	_ =	sdelay $0x1  }
0x8a: {  	s1 =	srdreg.scid  }
0x8b: {  	s0 =	sand.u32 $0x1, s1  }
0x8c: {  	s17 =	sshll.u32 s0, $0xA;
	s2 =	sadd.s32 s3, s2  }
0x8d: {  	s2 =	sadd.s32 s2, s17  }
0x8e: {  	[smem:$0x3FBE] =	sst s2  }
0x8f: {  	_ = 	snop  }
0x90: {  	s18 =	sld [smem:$0x3FC4]  }
0x91: {  	s4 =	sld [smem:$0x3FC0];
	(tm) =	ssettm $0x1  }
0x92: {  	s19 =	sld [smem:$0x3FFB];
	_ =	sdelay $0x3  }
0x93: {  	_ =	strace s19  }
0x94: {  	s2 =	sld [smem:$0x3FFC];
	_ =	sdelay $0x3  }
0x95: {  	_ =	strace s2  }
0x96: {  	s2 =	sld [smem:$0x3FFD];
	_ =	sdelay $0x3  }
0x97: {  	_ =	strace s2  }
0x98: {  	_ =	strace $0x8FFFFFFF  }
0x99: {  	s20 =	sld [smem:$0x3FDB];
	_ =	sdelay $0x1  }
0x9a: {  	s5 =	simm.s32 $_scs_section_size  }
0x9b: {  	s6 =	simm.s32 $_size__tile_overlayer_lowered;
	s7 =	simm.s32 $_tile_overlayer_lowered  }
0x9c: {  	s8 =	simm.s32 $0x1BFF;
	s21 =	sshll.u32 s7, $0x1;
	s5 =	sadd.s32 s5, s20  }
0x9d: {  	s22 =	simm.s32 $0x0;
	s6 =	sshll.u32 s6, $0x1;
	s7 =	sadd.s32 s21, s5  }
0x9e: {  	[timem:s22], [sflag:s8] =	dma.local [hbm:s7], s6  }
0x9f: {  	_ =	swait.ge [sflag:s8], s6  }
0xa0: {  	s6 =	ssub.s32 $0x0, s6;
	[sflag:s8] =	ssyncset.done $0x0  }
0xa1: {  	[sflag:s8] =	ssyncadd.s32 s6;
	_ =	sdelay $0x1  }
0xa2: {  	s23 =	simm.s32 $0x1B8B  }
0xa3: {  	_ =	swait.ge [sflag:s23], $0x1  }
0xa4: {  	[sflag:s23] =	ssyncset.done $0x0  }
0xa5: {  	[sflag:s23] =	ssyncadd.s32 $0xFFFFFFFF  }
0xa6: {  	s6 =	sld [smem:$0x0]  }
0xa7: {  	s7 =	sand.u32 $0xFFFFFFFE, s1  }
0xa8: {  	p0 =	sne.s32 s1, s7  }
0xa9: {  	s7 =	sshll.u32 @p0 s7, $0xE  }
0xaa: {  	s7 =	sadd.s32 @p0 $0x11B8D, s7;
	s8 =	sshll.u32 @p0 s6, $0x11  }
0xab: {  	s7 =	sor.u32 @p0 s8, s7  }
0xac: {  	[sflag:s7] =	ssyncadd.remote.s32 @p0 $0x1;
	_ =	sdelay $0x1  }
0xad: {  	s7 =	simm.s32 @p0 $0x1B8D  }
0xae: {  	_ =	swait.eq @p0 [sflag:s7], $0x1  }
0xaf: {  	[sflag:s7] =	ssyncadd.s32 @p0 $0xFFFFFFFF  }
0xb0: {  	s8 =	sshll.u32 @!p0 s1, $0xE  }
0xb1: {  	s8 =	sor.u32 @!p0 $0x4000, s8;
	s7 =	simm.s32 @!p0 $0x1B8D  }
0xb2: {  	s6 =	sshll.u32 @!p0 s6, $0x11;
	s8 =	sadd.s32 @!p0 $0x11B8D, s8;
	_ =	swait.eq @!p0 [sflag:s7], $0x1  }
0xb3: {  	s6 =	sor.u32 @!p0 s6, s8;
	[sflag:s7] =	ssyncadd.s32 @!p0 $0xFFFFFFFF  }
0xb4: {  	s25 =	simm.s32 $0x1B8E;
	s24 =	sld [smem:$0x3FFE];
	[sflag:s6] =	ssyncadd.remote.s32 @!p0 $0x1  }
0xb5: {  	s26 =	simm.s32 $execute0_lowered;
	[smem:$0x3FD2] =	sst s25  }
0xb6: {  	s7 =	sshll.u32 s26, $0x1;
	_ =	strace $0x80000049;
	[dreg:$0x1] =	wrdreg $0xFFFFFFFF  }
0xb7: {  	s28 =	simm.s32 $_size_execute0_lowered;
	s5 =	sadd.s32 s5, s7;
	[dreg:$0x0] =	wrdreg $0x0  }
0xb8: {  	s7 =	sshll.u32 s28, $0x1;
	[dreg:$0x2] =	wrdreg s5  }
0xb9: {  	[dreg:$0x3] =	wrdreg s7  }
0xba: {  	[dreg:$0x4] =	wrdreg $0xC0  }
0xbb: {  	_ =	task [dreg:s22], $0x5FFFF  }
0xbc: {  	[dreg:$0x1] =	wrdreg $0xFFFFFFFF  }
0xbd: {  	[dreg:$0x0] =	wrdreg $0x60  }
0xbe: {  	[dreg:$0x2] =	wrdreg s18  }
0xbf: {  	[dreg:$0x3] =	wrdreg s4  }
0xc0: {  	[dreg:$0x4] =	wrdreg s24  }
0xc1: {  	[dreg:$0x5] =	wrdreg $0xA  }
0xc2: {  	_ =	task.clear_ibuf [dreg:s22], $0x6FFFF;
	_ =	strace $0x90000049  }
0xc3: {  	s29 =	simm.s32 $0xA;
	_ =	strace $0x8000004B  }
0xc4: {  	_ =	swait.ge [sflag:s29], $0x1  }
0xc5: {  	[sflag:s29] =	ssyncadd.s32 $0xFFFFFFFF  }
0xc6: {  	_ =	strace $0x9000004B  }
0xc7: {  	_ =	sfence  }
0xc8: {  	s30 =	sld [smem:$0x0];
	_ =	sdelay $0x2  }
0xc9: {  	s31 =	sshll.u32 s1, $0xD;
	s1 =	sshrl.u32 s1, $0x2  }
0xca: {  	s4 =	sand.u32 $0x4000, s31;
	s1 =	sadd.s32 s1, s30  }
0xcb: {  	s0 =	sor.u32 s4, s0;
	s1 =	sshll.u32 s1, $0x11  }
0xcc: {  	s0 =	sor.u32 s1, s0  }
0xcd: {  	s0 =	sadd.s32 $0x8F2B, s0  }
0xce: {  	[sflag:s0] =	ssyncadd.remote.s32 $0x1  }
0xcf: {  	_ =	sfence.sel $0xFFFF  }
0xd0: {  	[dreg:$0x0] =	wrdreg $0xFFFFFFFF;
	(pc) =	sbr.abs _section_cstart, $3  }
0xd1: {  	[dreg:$0x1] =	wrdreg $0xFFFFFFFF  }
0xd2: {  	_ =	task.clear_ibuf [dreg:s22], $0x2FFFF;
	_ =	strace $0x9FFFFFFF  }
0xd3: {  	(tm) =	ssettm $0x7FFFFFFF  }
tec
execute0_lowered:
.L_overlay_start_1:
0x0: {  	(tag) =	ssettag $0x1  }
0x1: {  	s5 =	rddreg [dreg:$0x0]  }
0x2: {  	s4 =	rddreg [dreg:$0x1]  }
0x3: {  	s3 =	rddreg [dreg:$0x2]  }
0x4: {  	s0 =	rddreg [dreg:$0x3];
	s2 =	simm.s32 $0x0;
	s6 =	srdreg.scid  }
0x5: {  	s1 =	stileid.u32;
	s10 =	simm.s32 $0x800;
	s11 =	simm.s32 $0x1000  }
0x6: {  	s12 =	simm.s32 $0x2000;
	s13 =	simm.s32 $0x80;
	s14 =	simm.s32 $0x3000  }
0x7: {  	s15 =	simm.s32 $0x1;
	s16 =	simm.s32 $0x2;
	s17 =	simm.s32 $0x0  }
0x8: {  	[smem:$0x7FF] =	sst s2;
	s6 =	sand.u32 $0x1, s6;
	s8 =	sshll.u32 s1, $0x1  }
0x9: {  	v2 =	vlaneseq.u32;
	v0 =	vimm.f32 $0.0e+00;
	v1 =	vimm.s32 $0x0;
	s3 =	sadd.s32 $0x101200, s3;
	s7 =	ssub.s32 $0x2, s6;
	s6 =	sor.u32 s6, s8  }
0xa: {  	vm0 =	vcmask $0x3F04;
	vm14 =	vcmask $0x3F38;
	vm3 =	vcmask $0x3F0C;
	_ =	strace $0x8000004A;
	s9 =	sshrl.u32 s7, $0x1;
	s8 =	sshll.u32 s6, $0x7  }
0xb: {  	vm5 =	vcmask $0x3F10;
	vm8 =	vcmask $0x3F1C;
	vm9 =	vcmask $0x3F20;
	s6 =	sshll.u32 s6, $0xF;
	s7 =	ssub.s32 s7, s9;
	s4 =	sadd.s32 s4, s8  }
0xc: {  	vm10 =	vcmask $0x3F24;
	vm11 =	vcmask $0x3F28;
	vm12 =	vcmask $0x3F2C;
	s5 =	sadd.s32 s5, s8;
	[dreg:$0x4] =	wrdreg s6;
	s8 =	simm.s32 $0x8000  }
0xd: {  	vm13 =	vcmask $0x3F30;
	vm4 =	vcmask $0x3F34;
	v2 =	vmul.u32 $0x80, v2;
	s9 =	simm.s32 $0x3;
	s6 =	smax.u32 s7, $0x1;
	s7 =	simm.s32 $0x400  }
.LBB2_1:
0xe: {  	[tilespmem:s2], [sflag:$0x3] =	stream.strided.gather [hbm4b:s4+s7], $0x800, s8, s7, $0x38;
	[tilespmem:$0x4000] =	vst v63  }
0xf: {  	_ =	swait.ge [sflag:s9], $0x800  }
0x10: {  	[sflag:s9] =	ssyncset.done $0x0  }
0x11: {  	[sflag:s9] =	ssyncadd.s32 $0xFFFFF800  }
0x12: {  	[tilespmem:s10], [sflag:$0x3] =	stream.strided.gather [hbm4b:s5+s7], $0x800, s8, s7, $0x38;
	[tilespmem:$0x4000] =	vst v63  }
0x13: {  	_ =	swait.ge [sflag:s9], $0x800  }
0x14: {  	[sflag:s9] =	ssyncset.done $0x0  }
0x15: {  	s18 =	simm.s32 $0x0;
	[sflag:s9] =	ssyncadd.s32 $0xFFFFF800  }
.LBB2_2:
0x16: {  	p0 =	sne.s32 s18, $0x3FC0  }
.Ltmp0:
0x17: {  	_ = 	snop;
	(pc) =	sbr.rel @p0 .LBB2_2-.Ltmp0, $4  }
0x18: {  	s19 =	sshra.s32 s18, $0x2  }
0x19: {  	[tilespmem:s19+$0x1000] =	vst v0  }
0x1a: {  	[tilespmem:s19+$0x2000] =	vst v1  }
0x1b: {  	s18 =	sadd.s32 $0x40, s18;
	[tilespmem:s19+$0x3000] =	vst v1  }
0x1c: {  	s18 =	simm.s32 $0x0;
	s19 =	simm.s32 $0x0;
	s20 =	simm.s32 $0x0  }
.LBB2_4:
0x1d: {  	p0 =	seq.s32 s18, $0x0  }
0x1e: {  	s21 =	sadd.s32 @!p0 $0xFFFFFFFC, s18;
	v3 =	vlaneseq.u32 @!p0  }
0x1f: {  	v4 =	vmov @!p0 s21;
	v3 =	vmul.u32 @!p0 $0x80, v3  }
0x20: {  	v4 =	vand.u32 @!p0 $0xFFFFFFFC, v4  }
0x21: {  	v4 =	vadd.s32 @!p0 v3, v4  }
0x22: {  	s21 =	simm.s32 @!p0 $0x1  }
0x23: {  	_ =	swait.ge @!p0 [sflag:s21], $0x1000  }
0x24: {  	[sflag:s21] =	ssyncset.done @!p0 $0x0  }
0x25: {  	[sflag:s21] =	ssyncadd.s32 @!p0 $0xFFFFF000;
	s21 =	simm.s32 @!p0 $0x0  }
0x26: {  	v5 =	vld.idx.msk @!p0 [tilespmem:v4+s21+$0x0], $0xffff  }
0x27: {  	s22 =	sadd.s32 @!p0 $0xFFFFFFFD, s18  }
0x28: {  	v4 =	vmov @!p0 s22  }
0x29: {  	v4 =	vand.u32 @!p0 $0xFFFFFFFD, v4  }
0x2a: {  	v6 =	vadd.s32 @!p0 v3, v4;
	_ =	sdelay $0x2  }
0x2b: {  	s22 =	simm.s32 @!p0 $0x2000;
	v4 =	vimm.s32 @!p0 $0x0  }
0x2c: {  	[tilespmem:v5+s22+$0x0] =	vst.idx.msk @!p0 $0xffff, v4  }
0x2d: {  	v5 =	vld.idx.msk @!p0 [tilespmem:v6+s21+$0x0], $0xffff;
	_ =	sdelay $0x1  }
0x2e: {  	s23 =	smov.u32 s18  }
0x2f: {  	s23 =	simm.s32 @p0 $0x0  }
0x30: {  	v52 =	vor.u32 s23, v2;
	_ =	sdelay $0x3  }
0x31: {  	[tilespmem:v5+s22+$0x0] =	vst.idx.msk @!p0 $0xffff, v4  }
0x32: {  	v5 =	vld.idx.msk [tilespmem:v52+s2+$0x0], $0xffff;
	_ =	sdelay $0x2  }
0x33: {  	v6 =	vld.idx.msk [tilespmem:v52+s10+$0x0], $0xffff;
	_ =	sdelay $0x1  }
0x34: {  	v7 =	vmov s23  }
0x35: {  	v8 =	vor.u32 $0x80, v7;
	_ =	sdelay $0x1  }
0x36: {  	v9 =	vor.u32 $0x100, v7;
	[tilespmem:v5+s11+$0x0] =	vst.idx.add.f32.msk $0xffff, v6  }
0x37: {  	v6 =	vld.idx.msk [tilespmem:v5+s11+$0x0], $0xffff;
	[tilespmem:v5+s11+$0x0] =	vst.idx.msk $0xffff, v0  }
0x38: {  	v11 =	vor.u32 $0x180, v7;
	v10 =	vld.idx.msk [tilespmem:v7+s2+$0x0], $0xffff  }
0x39: {  	v8 =	vld.idx.msk [tilespmem:v8+s2+$0x0], $0xffff  }
0x3a: {  	v12 =	vor.u32 $0x200, v7  }
0x3b: {  	v9 =	vld.idx.msk [tilespmem:v9+s2+$0x0], $0xffff  }
0x3c: {  	v13 =	vor.u32 $0x280, v7  }
0x3d: {  	vm2 =	vcmask $0x3F08;
	v53 =	vld.idx.msk [tilespmem:v11+s2+$0x0], $0xffff;
	vm15 =	veq.s32 v5, v10  }
0x3e: {  	v54 =	vor.u32 $0x300, v7;
	vm15 =	vmand vm15, vm0;
	vm0 =	veq.s32 v5, v8  }
0x3f: {  	v12 =	vld.idx.msk [tilespmem:v12+s2+$0x0], $0xffff;
	vm0 =	vmand vm0, vm2  }
0x40: {  	v56 =	vor.u32 $0x380, v7;
	v14 =	vsel vm0, $0x1, v1;
	vm0 =	veq.s32 v5, v9  }
0x41: {  	vm6 =	vcmask $0x3F14;
	v57 =	vor.u32 $0x400, v7;
	v13 =	vld.idx.msk [tilespmem:v13+s2+$0x0], $0xffff;
	vm0 =	vmand vm0, vm3  }
0x42: {  	v58 =	vor.u32 $0x480, v7;
	v15 =	vsel vm0, $0x1, v1;
	vm0 =	veq.s32 v5, v53  }
0x43: {  	vm7 =	vcmask $0x3F18;
	vm1 =	vcmask $0x3F3C;
	v8 =	vld.idx.msk [tilespmem:v54+s2+$0x0], $0xffff;
	vm0 =	vmand vm0, vm5  }
0x44: {  	v60 =	vor.u32 $0x500, v7;
	v59 =	vsel vm0, $0x1, v1;
	vm0 =	veq.s32 v5, v12  }
0x45: {  	v61 =	vor.u32 $0x580, v7;
	v63 =	vor.u32 $0x600, v7;
	v9 =	vld.idx.msk [tilespmem:v56+s2+$0x0], $0xffff;
	vm0 =	vmand vm0, vm6  }
0x46: {  	s30 =	sor.u32 $0x1, s23;
	v21 =	vor.u32 $0x680, v7;
	v62 =	vld.idx.msk [tilespmem:v57+s2+$0x0], $0xffff;
	v16 =	vsel vm0, $0x1, v1;
	vm0 =	veq.s32 v5, v13  }
0x47: {  	v36 =	vor.u32 s30, v2;
	v10 =	vld.idx.msk [tilespmem:v58+s2+$0x0], $0xffff;
	v55 =	vsel vm15, $0x1, v1;
	vm0 =	vmand vm0, vm7  }
0x48: {  	v11 =	vadd.s32 v55, v14;
	v20 =	vsel vm0, $0x1, v1;
	vm0 =	veq.s32 v5, v8  }
0x49: {  	v7 =	vor.u32 $0x700, v7;
	v11 =	vadd.s32 v15, v11;
	v12 =	vld.idx.msk [tilespmem:v60+s2+$0x0], $0xffff;
	vm0 =	vmand vm0, vm8  }
0x4a: {  	v23 =	vld.idx.msk [tilespmem:v61+s2+$0x0], $0xffff;
	v11 =	vadd.s32 v59, v11;
	v22 =	vsel vm0, $0x1, v1;
	vm0 =	veq.s32 v5, v9  }
0x4b: {  	v24 =	vld.idx.msk [tilespmem:v63+s2+$0x0], $0xffff;
	vm15 =	veq.s32 v5, v62;
	v11 =	vadd.s32 v16, v11;
	vm0 =	vmand vm0, vm9  }
0x4c: {  	v25 =	vsel vm0, $0x1, v1;
	vm0 =	vmand vm15, vm10;
	vm15 =	veq.s32 v5, v10  }
0x4d: {  	v8 =	vld.idx.msk [tilespmem:v21+s2+$0x0], $0xffff;
	v11 =	vadd.s32 v20, v11;
	v27 =	vsel vm0, $0x1, v1;
	vm0 =	vmand vm15, vm11  }
0x4e: {  	v11 =	vadd.s32 v22, v11;
	v28 =	vsel vm0, $0x1, v1;
	vm0 =	veq.s32 v5, v12  }
0x4f: {  	v7 =	vld.idx.msk [tilespmem:v7+s2+$0x0], $0xffff;
	v26 =	vadd.s32 v25, v11;
	vm15 =	veq.s32 v5, v23;
	vm0 =	vmand vm0, vm12  }
0x50: {  	v29 =	vsel vm0, $0x1, v1;
	vm0 =	vmand vm15, vm13;
	vm15 =	veq.s32 v5, v24  }
0x51: {  	v10 =	vadd.s32 v27, v26;
	v30 =	vsel vm0, $0x1, v1;
	vm0 =	vmand vm15, vm4  }
0x52: {  	v10 =	vadd.s32 v28, v10;
	v31 =	vsel vm0, $0x1, v1;
	vm0 =	veq.s32 v5, v8  }
0x53: {  	v34 =	vshrl.u32 v6, $0x10;
	v9 =	vadd.s32 v29, v10;
	vm0 =	vmand vm0, vm14  }
0x54: {  	v9 =	vadd.s32 v30, v9;
	v33 =	vsel vm0, $0x1, v1;
	vm0 =	veq.s32 v5, v7  }
0x55: {  	v32 =	vadd.s32 v31, v9;
	v7 =	vand.u32 $0x1, v34;
	vm0 =	vmand vm0, vm1  }
0x56: {  	v8 =	vadd.s32 v33, v32;
	v6 =	vadd.s32 v7, v6;
	v35 =	vsel vm0, $0x1, v1  }
0x57: {  	v6 =	vadd.s32 $0x7FFF, v6;
	v8 =	vor.u32 v35, v8  }
0x58: {  	v6 =	vshrl.u32 v6, $0x10;
	vm0 =	veq.s32 v8, $0x0  }
0x59: {  	v6 =	vnsel vm0, $0x0, v6  }
0x5a: {  	[tilespmem:v5+s12+$0x0] =	vst.idx.add.s32.msk $0xffff, v6  }
0x5b: {  	v5 =	vld.idx.msk [tilespmem:v36+s2+$0x0], $0xffff;
	_ =	sdelay $0x2  }
0x5c: {  	v6 =	vld.idx.msk [tilespmem:v36+s10+$0x0], $0xffff;
	_ =	sdelay $0x1  }
0x5d: {  	v37 =	vmov s30;
	_ =	sdelay $0x1  }
0x5e: {  	v38 =	vor.u32 $0x80, v37  }
0x5f: {  	v40 =	vor.u32 $0x100, v37;
	[tilespmem:v5+s11+$0x0] =	vst.idx.add.f32.msk $0xffff, v6  }
0x60: {  	v39 =	vld.idx.msk [tilespmem:v5+s11+$0x0], $0xffff;
	[tilespmem:v5+s11+$0x0] =	vst.idx.msk $0xffff, v0  }
0x61: {  	v42 =	vor.u32 $0x180, v37;
	v41 =	vld.idx.msk [tilespmem:v37+s2+$0x0], $0xffff;
	_ =	sdelay $0x1  }
0x62: {  	v43 =	vor.u32 $0x200, v37;
	v6 =	vld.idx.msk [tilespmem:v38+s2+$0x0], $0xffff  }
0x63: {  	v9 =	vld.idx.msk [tilespmem:v40+s2+$0x0], $0xffff  }
0x64: {  	v44 =	vor.u32 $0x280, v37;
	v46 =	vor.u32 $0x300, v37;
	v49 =	vor.u32 $0x380, v37  }
0x65: {  	v51 =	vor.u32 $0x400, v37;
	vm1 =	vcmask $0x3F04;
	v45 =	vld.idx.msk [tilespmem:v42+s2+$0x0], $0xffff;
	vm0 =	veq.s32 v5, v41  }
0x66: {  	v19 =	vor.u32 $0x680, v37;
	v57 =	vor.u32 $0x500, v37;
	vm0 =	vmand vm0, vm1  }
0x67: {  	v62 =	vor.u32 $0x600, v37;
	v48 =	vld.idx.msk [tilespmem:v43+s2+$0x0], $0xffff;
	v47 =	vsel vm0, $0x1, v1;
	vm0 =	veq.s32 v5, v6  }
0x68: {  	v53 =	vor.u32 $0x480, v37;
	vm15 =	veq.s32 v5, v9;
	vm0 =	vmand vm0, vm2  }
0x69: {  	v60 =	vor.u32 $0x580, v37;
	v50 =	vld.idx.msk [tilespmem:v44+s2+$0x0], $0xffff;
	v52 =	vsel vm0, $0x1, v1;
	vm0 =	vmand vm15, vm3  }
0x6a: {  	v7 =	vor.u32 $0x700, v37;
	v55 =	vld.idx.msk [tilespmem:v46+s2+$0x0], $0xffff;
	v54 =	vsel vm0, $0x1, v1;
	vm0 =	veq.s32 v5, v45  }
0x6b: {  	v59 =	vld.idx.msk [tilespmem:v49+s2+$0x0], $0xffff;
	v29 =	vshrl.u32 v39, $0x10;
	vm1 =	vmmov vm2;
	vm0 =	vmand vm0, vm5  }
0x6c: {  	v61 =	vld.idx.msk [tilespmem:v51+s2+$0x0], $0xffff;
	v14 =	vadd.s32 v47, v52;
	v58 =	vsel vm0, $0x1, v1;
	vm0 =	veq.s32 v5, v48  }
0x6d: {  	v16 =	vld.idx.msk [tilespmem:v53+s2+$0x0], $0xffff;
	vm2 =	vcmask $0x3F18;
	v56 =	vadd.s32 v54, v14;
	vm0 =	vmand vm0, vm6  }
0x6e: {  	vm15 =	veq.s32 v5, v50;
	v11 =	vadd.s32 v58, v56;
	v63 =	vsel vm0, $0x1, v1  }
0x6f: {  	v18 =	vld.idx.msk [tilespmem:v57+s2+$0x0], $0xffff;
	vm0 =	vmand vm15, vm2;
	vm15 =	veq.s32 v5, v55;
	v11 =	vadd.s32 v63, v11  }
0x70: {  	v12 =	vld.idx.msk [tilespmem:v60+s2+$0x0], $0xffff;
	v17 =	vsel vm0, $0x1, v1;
	vm0 =	vmand vm15, vm8;
	vm15 =	veq.s32 v5, v59  }
0x71: {  	v21 =	vld.idx.msk [tilespmem:v62+s2+$0x0], $0xffff;
	v20 =	vsel vm0, $0x1, v1;
	vm0 =	vmand vm15, vm9;
	vm15 =	veq.s32 v5, v61  }
0x72: {  	v22 =	vsel vm0, $0x1, v1;
	vm0 =	vmand vm15, vm10;
	vm15 =	veq.s32 v5, v16  }
0x73: {  	v25 =	vld.idx.msk [tilespmem:v19+s2+$0x0], $0xffff;
	v10 =	vadd.s32 v17, v11;
	v23 =	vsel vm0, $0x1, v1;
	vm0 =	vmand vm15, vm11  }
0x74: {  	v7 =	vld.idx.msk [tilespmem:v7+s2+$0x0], $0xffff;
	v6 =	vadd.s32 v20, v10;
	v24 =	vsel vm0, $0x1, v1;
	vm0 =	veq.s32 v5, v18  }
0x75: {  	v6 =	vadd.s32 v22, v6;
	vm15 =	veq.s32 v5, v12;
	vm0 =	vmand vm0, vm12  }
0x76: {  	v26 =	vsel vm0, $0x1, v1;
	vm0 =	vmand vm15, vm13;
	vm15 =	veq.s32 v5, v21  }
0x77: {  	v6 =	vadd.s32 v23, v6;
	v27 =	vsel vm0, $0x1, v1;
	vm0 =	vmand vm15, vm4  }
0x78: {  	v6 =	vadd.s32 v24, v6;
	v28 =	vsel vm0, $0x1, v1;
	vm0 =	veq.s32 v5, v25  }
0x79: {  	v6 =	vadd.s32 v26, v6;
	vm15 =	veq.s32 v5, v7;
	vm0 =	vmand vm0, vm14  }
0x7a: {  	v6 =	vadd.s32 v27, v6;
	v30 =	vsel vm0, $0x1, v1;
	vm0 =	vcmask $0x3F3C  }
0x7b: {  	v7 =	vand.u32 $0x1, v29;
	v6 =	vadd.s32 v28, v6;
	vm0 =	vmand vm15, vm0  }
0x7c: {  	v7 =	vadd.s32 v7, v39;
	v6 =	vadd.s32 v30, v6;
	v31 =	vsel vm0, $0x1, v1  }
0x7d: {  	s24 =	sand.u32 $0x7000, s19;
	v7 =	vadd.s32 $0x7FFF, v7;
	v6 =	vor.u32 v31, v6  }
0x7e: {  	s25 =	sand.u32 $0x60, s20;
	s26 =	sadd.s32 @!p0 $0xFFFFFFFE, s23;
	s31 =	rddreg [dreg:$0x4];
	v7 =	vand.u32 $0xFFFF0000, v7;
	vm0 =	veq.s32 v6, $0x0  }
0x7f: {  	s28 =	sadd.s32 s3, s25;
	s22 =	sor.u32 s31, s24;
	v6 =	vmov @!p0 s26;
	v7 =	vnsel vm0, $0x0, v7  }
0x80: {  	s24 =	sadd.s32 s22, s28;
	[tilespmem:v5+s12+$0x0] =	vst.idx.add.s32.msk $0xffff, v7;
	v5 =	vand.u32 @!p0 $0xFFFFFFFE, v6  }
0x81: {  	[hbm4b:s24+s13] =	stream.strided.scatter [tilespmem:s12], [sflag:$0x1], $0x1000, s7, s13, $0x38;
	v5 =	vadd.s32 @!p0 v3, v5;
	[tilespmem:$0x4000] =	vst v63  }
0x82: {  	s24 =	simm.s32 @!p0 $0x2  }
0x83: {  	_ =	swait.ge @!p0 [sflag:s24], $0x1000  }
0x84: {  	[sflag:s24] =	ssyncset.done @!p0 $0x0  }
0x85: {  	[sflag:s24] =	ssyncadd.s32 @!p0 $0xFFFFF000  }
0x86: {  	v5 =	vld.idx.msk @!p0 [tilespmem:v5+s21+$0x0], $0xffff;
	_ =	sdelay $0x2  }
0x87: {  	s23 =	sadd.s32 @!p0 $0xFFFFFFFF, s23  }
0x88: {  	v3 =	vadd.s32 @!p0 s23, v3;
	_ =	sdelay $0x2  }
0x89: {  	s23 =	simm.s32 @!p0 $0x3000  }
0x8a: {  	[tilespmem:v5+s23+$0x0] =	vst.idx.msk @!p0 $0xffff, v4  }
0x8b: {  	v3 =	vld.idx.msk @!p0 [tilespmem:v3+s21+$0x0], $0xffff;
	_ =	sdelay $0x2  }
0x8c: {  	s29 =	sadd.s32 $0x2, s18  }
0x8d: {  	v32 =	vor.u32 s29, v2;
	_ =	sdelay $0x3  }
0x8e: {  	[tilespmem:v3+s23+$0x0] =	vst.idx.msk @!p0 $0xffff, v4  }
0x8f: {  	v3 =	vld.idx.msk [tilespmem:v32+s2+$0x0], $0xffff;
	_ =	sdelay $0x2  }
0x90: {  	v4 =	vld.idx.msk [tilespmem:v32+s10+$0x0], $0xffff;
	_ =	sdelay $0x1  }
0x91: {  	v33 =	vmov s29  }
0x92: {  	v34 =	vor.u32 $0x80, v33  }
0x93: {  	v35 =	vor.u32 $0x100, v33  }
0x94: {  	v37 =	vor.u32 $0x180, v33;
	[tilespmem:v3+s11+$0x0] =	vst.idx.add.f32.msk $0xffff, v4  }
0x95: {  	v4 =	vld.idx.msk [tilespmem:v3+s11+$0x0], $0xffff;
	[tilespmem:v3+s11+$0x0] =	vst.idx.msk $0xffff, v0  }
0x96: {  	v38 =	vor.u32 $0x200, v33;
	v36 =	vld.idx.msk [tilespmem:v33+s2+$0x0], $0xffff  }
0x97: {  	v6 =	vld.idx.msk [tilespmem:v34+s2+$0x0], $0xffff  }
0x98: {  	vm7 =	vmmov vm6;
	v39 =	vor.u32 $0x280, v33;
	v7 =	vld.idx.msk [tilespmem:v35+s2+$0x0], $0xffff  }
0x99: {  	v40 =	vor.u32 $0x300, v33;
	v42 =	vor.u32 $0x380, v33;
	v46 =	vor.u32 $0x400, v33;
	v9 =	vld.idx.msk [tilespmem:v37+s2+$0x0], $0xffff  }
0x9a: {  	v57 =	vor.u32 $0x600, v33;
	v50 =	vor.u32 $0x500, v33;
	v54 =	vor.u32 $0x580, v33  }
0x9b: {  	v48 =	vor.u32 $0x480, v33;
	vm6 =	vcmask $0x3F04;
	v41 =	vld.idx.msk [tilespmem:v38+s2+$0x0], $0xffff;
	vm0 =	veq.s32 v3, v36  }
0x9c: {  	v59 =	vor.u32 $0x680, v33;
	vm15 =	veq.s32 v3, v6;
	vm0 =	vmand vm0, vm6  }
0x9d: {  	v45 =	vld.idx.msk [tilespmem:v39+s2+$0x0], $0xffff;
	vm15 =	vmand vm15, vm1;
	v43 =	vsel vm0, $0x1, v1;
	vm0 =	veq.s32 v3, v7  }
0x9e: {  	s30 =	sadd.s32 $0x3, s18;
	v47 =	vld.idx.msk [tilespmem:v40+s2+$0x0], $0xffff;
	v44 =	vsel vm15, $0x1, v1;
	vm15 =	veq.s32 v3, v9;
	vm0 =	vmand vm0, vm3  }
0x9f: {  	v24 =	vmov s30;
	v49 =	vsel vm0, $0x1, v1;
	vm0 =	vmand vm15, vm5  }
0xa0: {  	v25 =	vand.u32 $0x7FFFFFFF, v24;
	v52 =	vld.idx.msk [tilespmem:v42+s2+$0x0], $0xffff;
	v51 =	vsel vm0, $0x1, v1;
	vm0 =	veq.s32 v3, v41  }
0xa1: {  	v27 =	vadd.s32 v2, v25;
	v5 =	vor.u32 $0x700, v33;
	vm0 =	vmand vm0, vm7  }
0xa2: {  	v56 =	vld.idx.msk [tilespmem:v46+s2+$0x0], $0xffff;
	v23 =	vshrl.u32 v4, $0x10;
	v55 =	vsel vm0, $0x1, v1;
	vm0 =	veq.s32 v3, v45  }
0xa3: {  	v58 =	vld.idx.msk [tilespmem:v48+s2+$0x0], $0xffff;
	v10 =	vadd.s32 v43, v44;
	vm15 =	veq.s32 v3, v47;
	vm0 =	vmand vm0, vm2  }
0xa4: {  	v14 =	vld.idx.msk [tilespmem:v50+s2+$0x0], $0xffff;
	v10 =	vadd.s32 v49, v10;
	v60 =	vsel vm0, $0x1, v1;
	vm0 =	vmand vm15, vm8  }
0xa5: {  	v53 =	vadd.s32 v51, v10;
	v61 =	vsel vm0, $0x1, v1;
	vm0 =	veq.s32 v3, v52  }
0xa6: {  	v63 =	vld.idx.msk [tilespmem:v54+s2+$0x0], $0xffff;
	vm6 =	vcmask $0x3F3C;
	v8 =	vadd.s32 v55, v53;
	vm0 =	vmand vm0, vm9  }
0xa7: {  	v15 =	vld.idx.msk [tilespmem:v57+s2+$0x0], $0xffff;
	v8 =	vadd.s32 v60, v8;
	v13 =	vsel vm0, $0x1, v1;
	vm0 =	veq.s32 v3, v56  }
0xa8: {  	v16 =	vld.idx.msk [tilespmem:v59+s2+$0x0], $0xffff;
	vm15 =	veq.s32 v3, v58;
	v62 =	vadd.s32 v61, v8;
	vm0 =	vmand vm0, vm10  }
0xa9: {  	v17 =	vsel vm0, $0x1, v1;
	vm0 =	vmand vm15, vm11;
	vm15 =	veq.s32 v3, v14  }
0xaa: {  	v5 =	vld.idx.msk [tilespmem:v5+s2+$0x0], $0xffff;
	v6 =	vadd.s32 v13, v62;
	v18 =	vsel vm0, $0x1, v1;
	vm0 =	vmand vm15, vm12  }
0xab: {  	v6 =	vadd.s32 v17, v6;
	v19 =	vsel vm0, $0x1, v1;
	vm0 =	veq.s32 v3, v63  }
0xac: {  	vm15 =	veq.s32 v3, v15;
	v6 =	vadd.s32 v18, v6;
	vm0 =	vmand vm0, vm13  }
0xad: {  	v20 =	vsel vm0, $0x1, v1;
	vm0 =	vmand vm15, vm4;
	vm15 =	veq.s32 v3, v16  }
0xae: {  	v6 =	vadd.s32 v19, v6;
	v21 =	vsel vm0, $0x1, v1;
	vm0 =	vmand vm15, vm14  }
0xaf: {  	v6 =	vadd.s32 v20, v6;
	v22 =	vsel vm0, $0x1, v1;
	vm0 =	veq.s32 v3, v5  }
0xb0: {  	v6 =	vadd.s32 v21, v6;
	v5 =	vand.u32 $0x1, v23;
	vm0 =	vmand vm0, vm6  }
0xb1: {  	v6 =	vadd.s32 v22, v6;
	v4 =	vadd.s32 v5, v4;
	v26 =	vsel vm0, $0x1, v1  }
0xb2: {  	v4 =	vadd.s32 $0x7FFF, v4;
	v6 =	vor.u32 v26, v6  }
0xb3: {  	v4 =	vshrl.u32 v4, $0x10;
	vm0 =	veq.s32 v6, $0x0  }
0xb4: {  	v4 =	vnsel vm0, $0x0, v4  }
0xb5: {  	[tilespmem:v3+s14+$0x0] =	vst.idx.add.s32.msk $0xffff, v4  }
0xb6: {  	v3 =	vld.idx.msk [tilespmem:v27+s2+$0x0], $0xffff;
	_ =	sdelay $0x2  }
0xb7: {  	v4 =	vld.idx.msk [tilespmem:v27+s10+$0x0], $0xffff;
	_ =	sdelay $0x2  }
0xb8: {  	v28 =	vadd.s32 $0x80, v25;
	_ =	sdelay $0x1  }
0xb9: {  	v29 =	vadd.s32 $0x100, v25;
	[tilespmem:v3+s11+$0x0] =	vst.idx.add.f32.msk $0xffff, v4  }
0xba: {  	v30 =	vadd.s32 $0x180, v25;
	v4 =	vld.idx.msk [tilespmem:v3+s11+$0x0], $0xffff;
	[tilespmem:v3+s11+$0x0] =	vst.idx.msk $0xffff, v0  }
0xbb: {  	v7 =	vld.idx.msk [tilespmem:v24+s2+$0x0], $0xffff  }
0xbc: {  	v31 =	vadd.s32 $0x200, v25;
	v5 =	vld.idx.msk [tilespmem:v28+s2+$0x0], $0xffff  }
0xbd: {  	v32 =	vadd.s32 $0x280, v25  }
0xbe: {  	v33 =	vadd.s32 $0x300, v25;
	v34 =	vadd.s32 $0x380, v25;
	v38 =	vadd.s32 $0x400, v25;
	v6 =	vld.idx.msk [tilespmem:v29+s2+$0x0], $0xffff  }
0xbf: {  	v39 =	vadd.s32 $0x480, v25;
	v50 =	vadd.s32 $0x700, v25;
	v43 =	vadd.s32 $0x580, v25;
	v9 =	vld.idx.msk [tilespmem:v30+s2+$0x0], $0xffff  }
0xc0: {  	v47 =	vadd.s32 $0x680, v25;
	v41 =	vadd.s32 $0x500, v25;
	v45 =	vadd.s32 $0x600, v25  }
0xc1: {  	vm6 =	vcmask $0x3F04;
	v10 =	vld.idx.msk [tilespmem:v31+s2+$0x0], $0xffff;
	vm0 =	veq.s32 v3, v7;
	vm15 =	veq.s32 v3, v5  }
0xc2: {  	v37 =	vld.idx.msk [tilespmem:v32+s2+$0x0], $0xffff;
	v61 =	vshrl.u32 v4, $0x10;
	vm0 =	vmand vm0, vm6;
	vm15 =	vmand vm15, vm1  }
0xc3: {  	v5 =	vld.idx.msk [tilespmem:v33+s2+$0x0], $0xffff;
	vm1 =	vcmask $0x3F3C;
	v35 =	vsel vm0, $0x1, v1;
	vm0 =	veq.s32 v3, v6  }
0xc4: {  	v36 =	vsel vm15, $0x1, v1;
	vm15 =	veq.s32 v3, v9;
	vm0 =	vmand vm0, vm3  }
0xc5: {  	v7 =	vld.idx.msk [tilespmem:v34+s2+$0x0], $0xffff;
	v12 =	vadd.s32 v35, v36;
	v40 =	vsel vm0, $0x1, v1;
	vm0 =	vmand vm15, vm5  }
0xc6: {  	v44 =	vld.idx.msk [tilespmem:v38+s2+$0x0], $0xffff;
	v12 =	vadd.s32 v40, v12;
	v42 =	vsel vm0, $0x1, v1;
	vm0 =	veq.s32 v3, v10  }
0xc7: {  	v9 =	vld.idx.msk [tilespmem:v39+s2+$0x0], $0xffff;
	vm15 =	veq.s32 v3, v37;
	v12 =	vadd.s32 v42, v12;
	vm0 =	vmand vm0, vm7  }
0xc8: {  	v46 =	vsel vm0, $0x1, v1;
	vm0 =	vmand vm15, vm2;
	vm15 =	veq.s32 v3, v5  }
0xc9: {  	v49 =	vld.idx.msk [tilespmem:v41+s2+$0x0], $0xffff;
	v12 =	vadd.s32 v46, v12;
	v48 =	vsel vm0, $0x1, v1;
	vm15 =	vmand vm15, vm8  }
0xca: {  	v10 =	vld.idx.msk [tilespmem:v43+s2+$0x0], $0xffff;
	vm0 =	veq.s32 v3, v7;
	v5 =	vadd.s32 v48, v12;
	v51 =	vsel vm15, $0x1, v1  }
0xcb: {  	v53 =	vld.idx.msk [tilespmem:v45+s2+$0x0], $0xffff;
	vm0 =	vmand vm0, vm9;
	vm15 =	veq.s32 v3, v44;
	v5 =	vadd.s32 v51, v5  }
0xcc: {  	v54 =	vld.idx.msk [tilespmem:v47+s2+$0x0], $0xffff;
	v52 =	vsel vm0, $0x1, v1;
	vm0 =	vmand vm15, vm10;
	vm15 =	veq.s32 v3, v9  }
0xcd: {  	v5 =	vadd.s32 v52, v5;
	v55 =	vsel vm0, $0x1, v1;
	vm15 =	vmand vm15, vm11  }
0xce: {  	v7 =	vld.idx.msk [tilespmem:v50+s2+$0x0], $0xffff;
	vm0 =	veq.s32 v3, v49;
	v5 =	vadd.s32 v55, v5;
	v56 =	vsel vm15, $0x1, v1  }
0xcf: {  	vm0 =	vmand vm0, vm12;
	vm15 =	veq.s32 v3, v10;
	v5 =	vadd.s32 v56, v5  }
0xd0: {  	v57 =	vsel vm0, $0x1, v1;
	vm0 =	vmand vm15, vm13;
	vm15 =	veq.s32 v3, v53  }
0xd1: {  	v58 =	vsel vm0, $0x1, v1;
	vm0 =	vmand vm15, vm4;
	vm15 =	veq.s32 v3, v54  }
0xd2: {  	v5 =	vadd.s32 v57, v5;
	v59 =	vsel vm0, $0x1, v1;
	vm0 =	vmand vm15, vm14  }
0xd3: {  	v5 =	vadd.s32 v58, v5;
	v60 =	vsel vm0, $0x1, v1;
	vm0 =	veq.s32 v3, v7  }
0xd4: {  	s18 =	sadd.s32 $0x4, s18;
	v62 =	vand.u32 $0x1, v61;
	v5 =	vadd.s32 v59, v5;
	vm0 =	vmand vm0, vm1  }
0xd5: {  	p0 =	sne.s32 s18, $0x80;
	v4 =	vadd.s32 v62, v4;
	v5 =	vadd.s32 v60, v5;
	v63 =	vsel vm0, $0x1, v1  }
.Ltmp1:
0xd6: {  	v4 =	vadd.s32 $0x7FFF, v4;
	v5 =	vor.u32 v63, v5;
	(pc) =	sbr.rel @p0 .LBB2_4-.Ltmp1, $4  }
0xd7: {  	s31 =	sadd.s32 $0x10, s20;
	v4 =	vand.u32 $0xFFFF0000, v4;
	vm0 =	veq.s32 v5, $0x0  }
0xd8: {  	s22 =	sadd.s32 s3, s22;
	s21 =	sand.u32 $0x70, s31;
	v4 =	vnsel vm0, $0x0, v4  }
0xd9: {  	s19 =	sadd.s32 $0x400, s19;
	s20 =	sadd.s32 $0x20, s20;
	s21 =	sadd.s32 s21, s22;
	[tilespmem:v3+s14+$0x0] =	vst.idx.add.s32.msk $0xffff, v4  }
0xda: {  	vm0 =	vcmask $0x3F04;
	[hbm4b:s21+s13] =	stream.strided.scatter [tilespmem:s14], [sflag:$0x2], $0x1000, s7, s13, $0x38;
	[tilespmem:$0x4000] =	vst v63  }
0xdb: {  	s17 =	sadd.s32 $0x1, s17  }
0xdc: {  	_ =	swait.ge [sflag:s15], $0x1000;
	p0 =	sne.s32 s17, s6  }
.Ltmp2:
0xdd: {  	[sflag:s15] =	ssyncset.done $0x0;
	(pc) =	sbr.rel @p0 .LBB2_1-.Ltmp2, $4  }
0xde: {  	[sflag:s15] =	ssyncadd.s32 $0xFFFFF000  }
0xdf: {  	_ =	swait.ge [sflag:s16], $0x1000  }
0xe0: {  	[sflag:s16] =	ssyncset.done $0x0  }
0xe1: {  	[sflag:s16] =	ssyncadd.s32 $0xFFFFF000  }
0xe2: {  	_ =	sfence.sel $0x180000  }
0xe3: {  	[bflag:$0x0] =	sbarrier.arrive $0xFFFF  }
0xe4: {  	p0 =	sne.s32 s1, $0x0;
	_ =	strace $0x9000004A  }
0xe5: {  	s0 =	sadd.s32 @!p0 $0x100000, s0;
	[bflag:$0x2] =	sbarrier.arrive $0xFFFF  }
0xe6: {  	[sflag:s0] =	ssyncadd.tile.s32 @!p0 $0x1;
	_ =	shalt  }
.Lfunc_end2:
_tile_overlayer_lowered:
.L_overlay_start_2:
0xe7: {  	(tag) =	ssettag $0x2  }
0xe8: {  	s0 =	rddreg [dreg:$0x0];
	s2 =	stileid.u32  }
0xe9: {  	s1 =	rddreg [dreg:$0x1];
	p0 =	sne.s32 s2, $0x0  }
0xea: {  	s3 =	rddreg [dreg:$0x2];
	[bflag:$0x3] =	sbarrier.arrive $0xFFFF;
	s2 =	simm.s32 @!p0 $0x1C03  }
0xeb: {  	[timem:s3], [sflag:s2] =	dma.local @!p0 [hbm:s0], s1  }
0xec: {  	s0 =	simm.s32 @!p0 $0x3  }
0xed: {  	_ =	swait.ge @!p0 [sflag:s0], s1  }
0xee: {  	s1 =	ssub.s32 @!p0 $0x0, s1;
	[sflag:s0] =	ssyncset.done @!p0 $0x0  }
0xef: {  	[sflag:s0] =	ssyncadd.s32 @!p0 s1  }
0xf0: {  	[bflag:$0x3] =	sbarrier.arrive $0xFFFF  }
0xf1: {  	_ =	shalt  }

// kernel: kernel.8.cloned.1.call-start
scs
__scs_entry_jumppad:
0x0: {  	(pc) =	sbr.rel $0x88, $3  }
0x1: {  	(tag) =	ssettag $0x0;
	lr =	simm.s32 $0x1  }
0x2: {  	[smem:$0x3F97] =	sst lr;
	_ =	strace $0xD0000000  }
0x3: {  	_ = 	snop  }
0x4: {  	_ = 	snop  }
0x5: {  	_ = 	snop  }
0x6: {  	_ = 	snop  }
0x7: {  	_ = 	snop  }
__scs_overlays_trampoline_lowered:
0x8: {  	[smem:$0x3FA6] =	sst s0  }
0x9: {  	[smem:$0x3FA7] =	sst s1  }
0xa: {  	[smem:$0x3FA8] =	sst s2  }
0xb: {  	[smem:$0x3FA9] =	sst s3  }
0xc: {  	[smem:$0x3FAA] =	sst s4  }
0xd: {  	[smem:$0x3FAB] =	sst s5  }
0xe: {  	[smem:$0x3FAC] =	sst s6  }
0xf: {  	[smem:$0x3FAD] =	sst s7  }
0x10: {  	[smem:$0x3FAE] =	sst s8  }
0x11: {  	[smem:$0x3FAF] =	sst s9;
	s0 =	simm.s32 @!p0 $0x0  }
0x12: {  	s1 =	sld [smem:$0x3F95];
	s0 =	simm.s32 @p0 $0x1  }
0x13: {  	[smem:$0x3FB0] =	sst s0;
	s0 =	simm.s32 @!p1 $0x0  }
0x14: {  	s2 =	sld [smem:$0x3F94];
	s0 =	simm.s32 @p1 $0x1  }
0x15: {  	[smem:$0x3FB1] =	sst s0;
	s0 =	simm.s32 @!p2 $0x0  }
0x16: {  	s3 =	sld [smem:$0x3FDB];
	s0 =	simm.s32 @p2 $0x1  }
0x17: {  	s4 =	simm.s32 $0x1BF5;
	[smem:$0x3FB3] =	sst s0  }
0x18: {  	s0 =	sld [smem:$0x3F96];
	_ =	swait.ge [sflag:s4], $0x0  }
0x19: {  	s7 =	sld [smem:$0x3F97]  }
0x1a: {  	s8 =	sadd.s32 $0xFFFFE003, lr  }
0x1b: {  	s9 =	sadd.s32 $0xFFFFFEF7, lr;
	s5 =	simm.s32 $0xFFFFFFFF;
	p2 =	slt.u32 s8, $0xFFFFF086  }
0x1c: {  	p1 =	slt.u32 s9, $0xF7A;
	s5 =	simm.s32 @!p2 $0x0  }
0x1d: {  	s5 =	simm.s32 @p1 $0x1;
	p0 =	seq.s32 s7, s2  }
0x1e: {  	s7 =	smul.u32 @!p0 $0xF7A, s2;
	p2 =	seq.s32 @!p0 s5, $0x0  }
0x1f: {  	s9 =	smul.u32 $0xF7A, s1;
	s8 =	simm.s32 @!p0 $0x1BF5;
	p2 =	por !p2, p0  }
0x20: {  	[sflag:s8] =	ssyncset.s32 @!p0 $0xFFFFF086;
	s6 =	sadd.s32 @!p0 s3, s7;
	s7 =	simm.s32 @!p0 $0x108  }
0x21: {  	s3 =	sadd.s32 s3, s9;
	s6 =	sadd.s32 @!p0 $0x88, s6;
	s7 =	simm.s32 @p2 $0x1082  }
0x22: {  	[simem:s7], [sflag:s8] =	dma.local @!p0 [hbm:s6], $0xF7A  }
0x23: {  	s9 =	sor.u32 $0xD0000000, s2;
	s6 =	simm.s32 $0x108;
	_ =	swait.ge @!p0 [sflag:s8], $0x0  }
0x24: {  	s3 =	sadd.s32 $0x88, s3;
	s6 =	simm.s32 @!p1 $0x1082;
	[sflag:s4] =	ssyncset.s32 $0xFFFFF086  }
0x25: {  	[simem:s6], [sflag:s4] =	dma.local [hbm:s3], $0xF7A  }
0x26: {  	[smem:$0x3F97] =	sst s1;
	(tag) =	ssettag s2;
	_ =	strace s9  }
0x27: {  	s1 =	sld [smem:$0x3FA7]  }
0x28: {  	s2 =	sld [smem:$0x3FA8]  }
0x29: {  	s4 =	sld [smem:$0x3FAA]  }
0x2a: {  	p0 =	seq.s32 s5, $0x0;
	s5 =	sld [smem:$0x3FAB]  }
0x2b: {  	s6 =	sld [smem:$0x3FAC]  }
0x2c: {  	s7 =	sld [smem:$0x3FAD]  }
0x2d: {  	s3 =	simm.s32 $0x108;
	s8 =	sld [smem:$0x3FAE]  }
0x2e: {  	s3 =	simm.s32 @!p0 $0x1082;
	s9 =	sld [smem:$0x3FAF]  }
0x2f: {  	lr =	sadd.s32 s0, s3;
	s0 =	sld [smem:$0x3FA6]  }
0x30: {  	s3 =	sld [smem:$0x3FA9]  }
0x31: {  	[smem:$0x3FB2] =	sst s10  }
0x32: {  	s10 =	sld [smem:$0x3FB0];
	_ =	sdelay $0x3  }
0x33: {  	p0 =	seq.s32 s10, $0x1;
	s10 =	sld [smem:$0x3FB2];
	_ =	sdelay $0x3  }
0x34: {  	[smem:$0x3FB2] =	sst s10  }
0x35: {  	s10 =	sld [smem:$0x3FB1];
	_ =	sdelay $0x3  }
0x36: {  	p1 =	seq.s32 s10, $0x1;
	s10 =	sld [smem:$0x3FB2];
	_ =	sdelay $0x3  }
0x37: {  	[smem:$0x3FB2] =	sst s10  }
0x38: {  	s10 =	sld [smem:$0x3FB3]  }
0x39: {  	_ = 	snop;
	(pc) =	sbr.ind lr, $3  }
0x3a: {  	_ = 	snop  }
0x3b: {  	_ = 	snop  }
0x3c: {  	p2 =	seq.s32 s10, $0x1;
	s10 =	sld [smem:$0x3FB2]  }
0x3d: {  	_ =	shalt  }
0x3e: {  	_ =	shalt  }
0x3f: {  	_ =	shalt  }
0x40: {  	_ =	shalt  }
0x41: {  	_ =	shalt  }
0x42: {  	_ =	shalt  }
0x43: {  	_ =	shalt  }
0x44: {  	_ =	shalt  }
0x45: {  	_ =	shalt  }
0x46: {  	_ =	shalt  }
0x47: {  	_ =	shalt  }
0x48: {  	_ =	shalt  }
0x49: {  	_ =	shalt  }
0x4a: {  	_ =	shalt  }
0x4b: {  	_ =	shalt  }
0x4c: {  	_ =	shalt  }
0x4d: {  	_ =	shalt  }
0x4e: {  	_ =	shalt  }
0x4f: {  	_ =	shalt  }
0x50: {  	_ =	shalt  }
0x51: {  	_ =	shalt  }
0x52: {  	_ =	shalt  }
0x53: {  	_ =	shalt  }
0x54: {  	_ =	shalt  }
0x55: {  	_ =	shalt  }
0x56: {  	_ =	shalt  }
0x57: {  	_ =	shalt  }
0x58: {  	_ =	shalt  }
0x59: {  	_ =	shalt  }
0x5a: {  	_ =	shalt  }
0x5b: {  	_ =	shalt  }
0x5c: {  	_ =	shalt  }
0x5d: {  	_ =	shalt  }
0x5e: {  	_ =	shalt  }
0x5f: {  	_ =	shalt  }
0x60: {  	_ =	shalt  }
0x61: {  	_ =	shalt  }
0x62: {  	_ =	shalt  }
0x63: {  	_ =	shalt  }
0x64: {  	_ =	shalt  }
0x65: {  	_ =	shalt  }
0x66: {  	_ =	shalt  }
0x67: {  	_ =	shalt  }
0x68: {  	_ =	shalt  }
0x69: {  	_ =	shalt  }
0x6a: {  	_ =	shalt  }
0x6b: {  	_ =	shalt  }
0x6c: {  	_ =	shalt  }
0x6d: {  	_ =	shalt  }
0x6e: {  	_ =	shalt  }
0x6f: {  	_ =	shalt  }
0x70: {  	_ =	shalt  }
0x71: {  	_ =	shalt  }
0x72: {  	_ =	shalt  }
0x73: {  	_ =	shalt  }
0x74: {  	_ =	shalt  }
0x75: {  	_ =	shalt  }
0x76: {  	_ =	shalt  }
0x77: {  	_ =	shalt  }
0x78: {  	_ =	shalt  }
0x79: {  	_ =	shalt  }
0x7a: {  	_ =	shalt  }
0x7b: {  	_ =	shalt  }
0x7c: {  	_ =	shalt  }
0x7d: {  	_ =	shalt  }
0x7e: {  	_ =	shalt  }
0x7f: {  	_ =	shalt  }
0x80: {  	_ =	shalt  }
0x81: {  	_ =	shalt  }
0x82: {  	_ =	shalt  }
0x83: {  	_ =	shalt  }
0x84: {  	_ =	shalt  }
0x85: {  	_ =	shalt  }
0x86: {  	_ =	shalt  }
0x87: {  	_ =	shalt  }
.Lfunc_end0:
.L_simem_size_0:
called_computation_lowered:
.L_overlay_start_0:
0x88: {  	s2 =	sld [smem:$0x3FD9]  }
0x89: {  	s3 =	sld [smem:$0x3FFE];
	_ =	sdelay $0x1  }
0x8a: {  	s1 =	srdreg.scid  }
0x8b: {  	s0 =	sand.u32 $0x1, s1  }
0x8c: {  	s17 =	sshll.u32 s0, $0xA;
	s2 =	sadd.s32 s3, s2  }
0x8d: {  	s2 =	sadd.s32 s2, s17  }
0x8e: {  	[smem:$0x3FBE] =	sst s2  }
0x8f: {  	_ = 	snop  }
0x90: {  	s2 =	sld [smem:$0x3FC6]  }
0x91: {  	s18 =	sld [smem:$0x3FC0];
	(tm) =	ssettm $0x1  }
0x92: {  	s4 =	sld [smem:$0x3FFB];
	_ =	sdelay $0x3  }
0x93: {  	_ =	strace s4  }
0x94: {  	s4 =	sld [smem:$0x3FFC];
	_ =	sdelay $0x3  }
0x95: {  	_ =	strace s4  }
0x96: {  	s4 =	sld [smem:$0x3FFD];
	_ =	sdelay $0x3  }
0x97: {  	_ =	strace s4  }
0x98: {  	_ =	strace $0x8FFFFFFF  }
0x99: {  	s19 =	sld [smem:$0x3FDB];
	_ =	sdelay $0x1  }
0x9a: {  	s5 =	simm.s32 $_scs_section_size  }
0x9b: {  	s6 =	simm.s32 $_size__tile_overlayer_lowered;
	s7 =	simm.s32 $_tile_overlayer_lowered  }
0x9c: {  	s22 =	simm.s32 $0x1BFF;
	s21 =	sshll.u32 s7, $0x1;
	s4 =	sadd.s32 s5, s19  }
0x9d: {  	s8 =	simm.s32 $0x0;
	s20 =	sshll.u32 s6, $0x1;
	s6 =	sadd.s32 s21, s4  }
0x9e: {  	[timem:s8], [sflag:s22] =	dma.local [hbm:s6], s20  }
0x9f: {  	_ =	swait.ge [sflag:s22], s20  }
0xa0: {  	s5 =	ssub.s32 $0x0, s20;
	[sflag:s22] =	ssyncset.done $0x0  }
0xa1: {  	[sflag:s22] =	ssyncadd.s32 s5;
	_ =	sdelay $0x1  }
0xa2: {  	s23 =	simm.s32 $0x1B8B  }
0xa3: {  	_ =	swait.ge [sflag:s23], $0x1  }
0xa4: {  	[sflag:s23] =	ssyncset.done $0x0  }
0xa5: {  	s25 =	simm.s32 $0x1B8E;
	s24 =	sld [smem:$0x3FFE];
	[sflag:s23] =	ssyncadd.s32 $0xFFFFFFFF  }
0xa6: {  	s26 =	simm.s32 $execute0_lowered;
	[smem:$0x3FD2] =	sst s25  }
0xa7: {  	s6 =	sshll.u32 s26, $0x1;
	_ =	strace $0x80000046;
	[dreg:$0x1] =	wrdreg $0xFFFFFFFF  }
0xa8: {  	s28 =	simm.s32 $_size_execute0_lowered;
	s4 =	sadd.s32 s4, s6;
	[dreg:$0x0] =	wrdreg $0x0  }
0xa9: {  	s6 =	sshll.u32 s28, $0x1;
	[dreg:$0x2] =	wrdreg s4  }
0xaa: {  	[dreg:$0x3] =	wrdreg s6  }
0xab: {  	[dreg:$0x4] =	wrdreg $0xC0  }
0xac: {  	_ =	task [dreg:s8], $0x5FFFF  }
0xad: {  	[dreg:$0x1] =	wrdreg $0xFFFFFFFF  }
0xae: {  	[dreg:$0x0] =	wrdreg $0x60  }
0xaf: {  	[dreg:$0x2] =	wrdreg s2  }
0xb0: {  	[dreg:$0x3] =	wrdreg s18  }
0xb1: {  	[dreg:$0x4] =	wrdreg s24  }
0xb2: {  	[dreg:$0x5] =	wrdreg $0x9  }
0xb3: {  	_ =	task.clear_ibuf [dreg:s8], $0x6FFFF;
	_ =	strace $0x90000046  }
0xb4: {  	s29 =	simm.s32 $0x9;
	_ =	strace $0x80000048  }
0xb5: {  	_ =	swait.ge [sflag:s29], $0x1  }
0xb6: {  	[sflag:s29] =	ssyncadd.s32 $0xFFFFFFFF  }
0xb7: {  	_ =	strace $0x90000048  }
0xb8: {  	_ =	sfence  }
0xb9: {  	s30 =	sld [smem:$0x0];
	_ =	sdelay $0x2  }
0xba: {  	s31 =	sshll.u32 s1, $0xD;
	s1 =	sshrl.u32 s1, $0x2  }
0xbb: {  	s3 =	sand.u32 $0x4000, s31;
	s1 =	sadd.s32 s1, s30  }
0xbc: {  	s0 =	sor.u32 s3, s0;
	s1 =	sshll.u32 s1, $0x11  }
0xbd: {  	s0 =	sor.u32 s1, s0  }
0xbe: {  	s0 =	sadd.s32 $0x8F2B, s0  }
0xbf: {  	[sflag:s0] =	ssyncadd.remote.s32 $0x1  }
0xc0: {  	_ =	sfence.sel $0xFFFF  }
0xc1: {  	[dreg:$0x0] =	wrdreg $0xFFFFFFFF;
	(pc) =	sbr.abs _section_cstart, $3  }
0xc2: {  	[dreg:$0x1] =	wrdreg $0xFFFFFFFF  }
0xc3: {  	_ =	task.clear_ibuf [dreg:s8], $0x2FFFF;
	_ =	strace $0x9FFFFFFF  }
0xc4: {  	(tm) =	ssettm $0x7FFFFFFF  }
0xc5: {  	_ =	shalt  }
tec
execute0_lowered:
.L_overlay_start_1:
0x0: {  	(tag) =	ssettag $0x1  }
0x1: {  	s5 =	rddreg [dreg:$0x0]  }
0x2: {  	s4 =	rddreg [dreg:$0x1]  }
0x3: {  	s3 =	rddreg [dreg:$0x2]  }
0x4: {  	s0 =	rddreg [dreg:$0x3];
	s2 =	simm.s32 $0x0;
	s6 =	srdreg.scid  }
0x5: {  	s1 =	stileid.u32;
	s10 =	simm.s32 $0x800;
	s11 =	simm.s32 $0x1000  }
0x6: {  	s12 =	simm.s32 $0x2000;
	s13 =	simm.s32 $0x80;
	s14 =	simm.s32 $0x3000  }
0x7: {  	s15 =	simm.s32 $0x1;
	s16 =	simm.s32 $0x2;
	s17 =	simm.s32 $0x0  }
0x8: {  	[smem:$0x7FF] =	sst s2;
	s6 =	sand.u32 $0x1, s6;
	s8 =	sshll.u32 s1, $0x1  }
0x9: {  	v2 =	vlaneseq.u32;
	v0 =	vimm.f32 $0.0e+00;
	v1 =	vimm.s32 $0x0;
	s3 =	sadd.s32 $0x1200, s3;
	s7 =	ssub.s32 $0x2, s6;
	s6 =	sor.u32 s6, s8  }
0xa: {  	vm0 =	vcmask $0x3F04;
	vm14 =	vcmask $0x3F38;
	vm3 =	vcmask $0x3F0C;
	_ =	strace $0x80000047;
	s9 =	sshrl.u32 s7, $0x1;
	s8 =	sshll.u32 s6, $0x7  }
0xb: {  	vm5 =	vcmask $0x3F10;
	vm8 =	vcmask $0x3F1C;
	vm9 =	vcmask $0x3F20;
	s6 =	sshll.u32 s6, $0xF;
	s7 =	ssub.s32 s7, s9;
	s4 =	sadd.s32 s4, s8  }
0xc: {  	vm10 =	vcmask $0x3F24;
	vm11 =	vcmask $0x3F28;
	vm12 =	vcmask $0x3F2C;
	s5 =	sadd.s32 s5, s8;
	[dreg:$0x4] =	wrdreg s6;
	s8 =	simm.s32 $0x8000  }
0xd: {  	vm13 =	vcmask $0x3F30;
	vm4 =	vcmask $0x3F34;
	v2 =	vmul.u32 $0x80, v2;
	s9 =	simm.s32 $0x3;
	s6 =	smax.u32 s7, $0x1;
	s7 =	simm.s32 $0x400  }
.LBB2_1:
0xe: {  	[tilespmem:s2], [sflag:$0x3] =	stream.strided.gather [hbm4b:s4+s7], $0x800, s8, s7, $0x38;
	[tilespmem:$0x4000] =	vst v63  }
0xf: {  	_ =	swait.ge [sflag:s9], $0x800  }
0x10: {  	[sflag:s9] =	ssyncset.done $0x0  }
0x11: {  	[sflag:s9] =	ssyncadd.s32 $0xFFFFF800  }
0x12: {  	[tilespmem:s10], [sflag:$0x3] =	stream.strided.gather [hbm4b:s5+s7], $0x800, s8, s7, $0x38;
	[tilespmem:$0x4000] =	vst v63  }
0x13: {  	_ =	swait.ge [sflag:s9], $0x800  }
0x14: {  	[sflag:s9] =	ssyncset.done $0x0  }
0x15: {  	s18 =	simm.s32 $0x0;
	[sflag:s9] =	ssyncadd.s32 $0xFFFFF800  }
.LBB2_2:
0x16: {  	p0 =	sne.s32 s18, $0x3FC0  }
.Ltmp0:
0x17: {  	_ = 	snop;
	(pc) =	sbr.rel @p0 .LBB2_2-.Ltmp0, $4  }
0x18: {  	s19 =	sshra.s32 s18, $0x2  }
0x19: {  	[tilespmem:s19+$0x1000] =	vst v0  }
0x1a: {  	[tilespmem:s19+$0x2000] =	vst v1  }
0x1b: {  	s18 =	sadd.s32 $0x40, s18;
	[tilespmem:s19+$0x3000] =	vst v1  }
0x1c: {  	s18 =	simm.s32 $0x0;
	s19 =	simm.s32 $0x0;
	s20 =	simm.s32 $0x0  }
.LBB2_4:
0x1d: {  	p0 =	seq.s32 s18, $0x0  }
0x1e: {  	s21 =	sadd.s32 @!p0 $0xFFFFFFFC, s18;
	v3 =	vlaneseq.u32 @!p0  }
0x1f: {  	v4 =	vmov @!p0 s21;
	v3 =	vmul.u32 @!p0 $0x80, v3  }
0x20: {  	v4 =	vand.u32 @!p0 $0xFFFFFFFC, v4  }
0x21: {  	v4 =	vadd.s32 @!p0 v3, v4  }
0x22: {  	s21 =	simm.s32 @!p0 $0x1  }
0x23: {  	_ =	swait.ge @!p0 [sflag:s21], $0x1000  }
0x24: {  	[sflag:s21] =	ssyncset.done @!p0 $0x0  }
0x25: {  	[sflag:s21] =	ssyncadd.s32 @!p0 $0xFFFFF000;
	s21 =	simm.s32 @!p0 $0x0  }
0x26: {  	v5 =	vld.idx.msk @!p0 [tilespmem:v4+s21+$0x0], $0xffff  }
0x27: {  	s22 =	sadd.s32 @!p0 $0xFFFFFFFD, s18  }
0x28: {  	v4 =	vmov @!p0 s22  }
0x29: {  	v4 =	vand.u32 @!p0 $0xFFFFFFFD, v4  }
0x2a: {  	v6 =	vadd.s32 @!p0 v3, v4;
	_ =	sdelay $0x2  }
0x2b: {  	s22 =	simm.s32 @!p0 $0x2000;
	v4 =	vimm.s32 @!p0 $0x0  }
0x2c: {  	[tilespmem:v5+s22+$0x0] =	vst.idx.msk @!p0 $0xffff, v4  }
0x2d: {  	v5 =	vld.idx.msk @!p0 [tilespmem:v6+s21+$0x0], $0xffff;
	_ =	sdelay $0x1  }
0x2e: {  	s23 =	smov.u32 s18  }
0x2f: {  	s23 =	simm.s32 @p0 $0x0  }
0x30: {  	v52 =	vor.u32 s23, v2;
	_ =	sdelay $0x3  }
0x31: {  	[tilespmem:v5+s22+$0x0] =	vst.idx.msk @!p0 $0xffff, v4  }
0x32: {  	v5 =	vld.idx.msk [tilespmem:v52+s2+$0x0], $0xffff;
	_ =	sdelay $0x2  }
0x33: {  	v6 =	vld.idx.msk [tilespmem:v52+s10+$0x0], $0xffff;
	_ =	sdelay $0x1  }
0x34: {  	v7 =	vmov s23  }
0x35: {  	v8 =	vor.u32 $0x80, v7;
	_ =	sdelay $0x1  }
0x36: {  	v9 =	vor.u32 $0x100, v7;
	[tilespmem:v5+s11+$0x0] =	vst.idx.add.f32.msk $0xffff, v6  }
0x37: {  	v6 =	vld.idx.msk [tilespmem:v5+s11+$0x0], $0xffff;
	[tilespmem:v5+s11+$0x0] =	vst.idx.msk $0xffff, v0  }
0x38: {  	v11 =	vor.u32 $0x180, v7;
	v10 =	vld.idx.msk [tilespmem:v7+s2+$0x0], $0xffff  }
0x39: {  	v8 =	vld.idx.msk [tilespmem:v8+s2+$0x0], $0xffff  }
0x3a: {  	v12 =	vor.u32 $0x200, v7  }
0x3b: {  	v9 =	vld.idx.msk [tilespmem:v9+s2+$0x0], $0xffff  }
0x3c: {  	v13 =	vor.u32 $0x280, v7  }
0x3d: {  	vm2 =	vcmask $0x3F08;
	v53 =	vld.idx.msk [tilespmem:v11+s2+$0x0], $0xffff;
	vm15 =	veq.s32 v5, v10  }
0x3e: {  	v54 =	vor.u32 $0x300, v7;
	vm15 =	vmand vm15, vm0;
	vm0 =	veq.s32 v5, v8  }
0x3f: {  	v12 =	vld.idx.msk [tilespmem:v12+s2+$0x0], $0xffff;
	vm0 =	vmand vm0, vm2  }
0x40: {  	v56 =	vor.u32 $0x380, v7;
	v14 =	vsel vm0, $0x1, v1;
	vm0 =	veq.s32 v5, v9  }
0x41: {  	vm6 =	vcmask $0x3F14;
	v57 =	vor.u32 $0x400, v7;
	v13 =	vld.idx.msk [tilespmem:v13+s2+$0x0], $0xffff;
	vm0 =	vmand vm0, vm3  }
0x42: {  	v58 =	vor.u32 $0x480, v7;
	v15 =	vsel vm0, $0x1, v1;
	vm0 =	veq.s32 v5, v53  }
0x43: {  	vm7 =	vcmask $0x3F18;
	vm1 =	vcmask $0x3F3C;
	v8 =	vld.idx.msk [tilespmem:v54+s2+$0x0], $0xffff;
	vm0 =	vmand vm0, vm5  }
0x44: {  	v60 =	vor.u32 $0x500, v7;
	v59 =	vsel vm0, $0x1, v1;
	vm0 =	veq.s32 v5, v12  }
0x45: {  	v61 =	vor.u32 $0x580, v7;
	v63 =	vor.u32 $0x600, v7;
	v9 =	vld.idx.msk [tilespmem:v56+s2+$0x0], $0xffff;
	vm0 =	vmand vm0, vm6  }
0x46: {  	s30 =	sor.u32 $0x1, s23;
	v21 =	vor.u32 $0x680, v7;
	v62 =	vld.idx.msk [tilespmem:v57+s2+$0x0], $0xffff;
	v16 =	vsel vm0, $0x1, v1;
	vm0 =	veq.s32 v5, v13  }
0x47: {  	v36 =	vor.u32 s30, v2;
	v10 =	vld.idx.msk [tilespmem:v58+s2+$0x0], $0xffff;
	v55 =	vsel vm15, $0x1, v1;
	vm0 =	vmand vm0, vm7  }
0x48: {  	v11 =	vadd.s32 v55, v14;
	v20 =	vsel vm0, $0x1, v1;
	vm0 =	veq.s32 v5, v8  }
0x49: {  	v7 =	vor.u32 $0x700, v7;
	v11 =	vadd.s32 v15, v11;
	v12 =	vld.idx.msk [tilespmem:v60+s2+$0x0], $0xffff;
	vm0 =	vmand vm0, vm8  }
0x4a: {  	v23 =	vld.idx.msk [tilespmem:v61+s2+$0x0], $0xffff;
	v11 =	vadd.s32 v59, v11;
	v22 =	vsel vm0, $0x1, v1;
	vm0 =	veq.s32 v5, v9  }
0x4b: {  	v24 =	vld.idx.msk [tilespmem:v63+s2+$0x0], $0xffff;
	vm15 =	veq.s32 v5, v62;
	v11 =	vadd.s32 v16, v11;
	vm0 =	vmand vm0, vm9  }
0x4c: {  	v25 =	vsel vm0, $0x1, v1;
	vm0 =	vmand vm15, vm10;
	vm15 =	veq.s32 v5, v10  }
0x4d: {  	v8 =	vld.idx.msk [tilespmem:v21+s2+$0x0], $0xffff;
	v11 =	vadd.s32 v20, v11;
	v27 =	vsel vm0, $0x1, v1;
	vm0 =	vmand vm15, vm11  }
0x4e: {  	v11 =	vadd.s32 v22, v11;
	v28 =	vsel vm0, $0x1, v1;
	vm0 =	veq.s32 v5, v12  }
0x4f: {  	v7 =	vld.idx.msk [tilespmem:v7+s2+$0x0], $0xffff;
	v26 =	vadd.s32 v25, v11;
	vm15 =	veq.s32 v5, v23;
	vm0 =	vmand vm0, vm12  }
0x50: {  	v29 =	vsel vm0, $0x1, v1;
	vm0 =	vmand vm15, vm13;
	vm15 =	veq.s32 v5, v24  }
0x51: {  	v10 =	vadd.s32 v27, v26;
	v30 =	vsel vm0, $0x1, v1;
	vm0 =	vmand vm15, vm4  }
0x52: {  	v10 =	vadd.s32 v28, v10;
	v31 =	vsel vm0, $0x1, v1;
	vm0 =	veq.s32 v5, v8  }
0x53: {  	v34 =	vshrl.u32 v6, $0x10;
	v9 =	vadd.s32 v29, v10;
	vm0 =	vmand vm0, vm14  }
0x54: {  	v9 =	vadd.s32 v30, v9;
	v33 =	vsel vm0, $0x1, v1;
	vm0 =	veq.s32 v5, v7  }
0x55: {  	v32 =	vadd.s32 v31, v9;
	v7 =	vand.u32 $0x1, v34;
	vm0 =	vmand vm0, vm1  }
0x56: {  	v8 =	vadd.s32 v33, v32;
	v6 =	vadd.s32 v7, v6;
	v35 =	vsel vm0, $0x1, v1  }
0x57: {  	v6 =	vadd.s32 $0x7FFF, v6;
	v8 =	vor.u32 v35, v8  }
0x58: {  	v6 =	vshrl.u32 v6, $0x10;
	vm0 =	veq.s32 v8, $0x0  }
0x59: {  	v6 =	vnsel vm0, $0x0, v6  }
0x5a: {  	[tilespmem:v5+s12+$0x0] =	vst.idx.add.s32.msk $0xffff, v6  }
0x5b: {  	v5 =	vld.idx.msk [tilespmem:v36+s2+$0x0], $0xffff;
	_ =	sdelay $0x2  }
0x5c: {  	v6 =	vld.idx.msk [tilespmem:v36+s10+$0x0], $0xffff;
	_ =	sdelay $0x1  }
0x5d: {  	v37 =	vmov s30;
	_ =	sdelay $0x1  }
0x5e: {  	v38 =	vor.u32 $0x80, v37  }
0x5f: {  	v40 =	vor.u32 $0x100, v37;
	[tilespmem:v5+s11+$0x0] =	vst.idx.add.f32.msk $0xffff, v6  }
0x60: {  	v39 =	vld.idx.msk [tilespmem:v5+s11+$0x0], $0xffff;
	[tilespmem:v5+s11+$0x0] =	vst.idx.msk $0xffff, v0  }
0x61: {  	v42 =	vor.u32 $0x180, v37;
	v41 =	vld.idx.msk [tilespmem:v37+s2+$0x0], $0xffff;
	_ =	sdelay $0x1  }
0x62: {  	v43 =	vor.u32 $0x200, v37;
	v6 =	vld.idx.msk [tilespmem:v38+s2+$0x0], $0xffff  }
0x63: {  	v9 =	vld.idx.msk [tilespmem:v40+s2+$0x0], $0xffff  }
0x64: {  	v44 =	vor.u32 $0x280, v37;
	v46 =	vor.u32 $0x300, v37;
	v49 =	vor.u32 $0x380, v37  }
0x65: {  	v51 =	vor.u32 $0x400, v37;
	vm1 =	vcmask $0x3F04;
	v45 =	vld.idx.msk [tilespmem:v42+s2+$0x0], $0xffff;
	vm0 =	veq.s32 v5, v41  }
0x66: {  	v19 =	vor.u32 $0x680, v37;
	v57 =	vor.u32 $0x500, v37;
	vm0 =	vmand vm0, vm1  }
0x67: {  	v62 =	vor.u32 $0x600, v37;
	v48 =	vld.idx.msk [tilespmem:v43+s2+$0x0], $0xffff;
	v47 =	vsel vm0, $0x1, v1;
	vm0 =	veq.s32 v5, v6  }
0x68: {  	v53 =	vor.u32 $0x480, v37;
	vm15 =	veq.s32 v5, v9;
	vm0 =	vmand vm0, vm2  }
0x69: {  	v60 =	vor.u32 $0x580, v37;
	v50 =	vld.idx.msk [tilespmem:v44+s2+$0x0], $0xffff;
	v52 =	vsel vm0, $0x1, v1;
	vm0 =	vmand vm15, vm3  }
0x6a: {  	v7 =	vor.u32 $0x700, v37;
	v55 =	vld.idx.msk [tilespmem:v46+s2+$0x0], $0xffff;
	v54 =	vsel vm0, $0x1, v1;
	vm0 =	veq.s32 v5, v45  }
0x6b: {  	v59 =	vld.idx.msk [tilespmem:v49+s2+$0x0], $0xffff;
	v29 =	vshrl.u32 v39, $0x10;
	vm1 =	vmmov vm2;
	vm0 =	vmand vm0, vm5  }
0x6c: {  	v61 =	vld.idx.msk [tilespmem:v51+s2+$0x0], $0xffff;
	v14 =	vadd.s32 v47, v52;
	v58 =	vsel vm0, $0x1, v1;
	vm0 =	veq.s32 v5, v48  }
0x6d: {  	v16 =	vld.idx.msk [tilespmem:v53+s2+$0x0], $0xffff;
	vm2 =	vcmask $0x3F18;
	v56 =	vadd.s32 v54, v14;
	vm0 =	vmand vm0, vm6  }
0x6e: {  	vm15 =	veq.s32 v5, v50;
	v11 =	vadd.s32 v58, v56;
	v63 =	vsel vm0, $0x1, v1  }
0x6f: {  	v18 =	vld.idx.msk [tilespmem:v57+s2+$0x0], $0xffff;
	vm0 =	vmand vm15, vm2;
	vm15 =	veq.s32 v5, v55;
	v11 =	vadd.s32 v63, v11  }
0x70: {  	v12 =	vld.idx.msk [tilespmem:v60+s2+$0x0], $0xffff;
	v17 =	vsel vm0, $0x1, v1;
	vm0 =	vmand vm15, vm8;
	vm15 =	veq.s32 v5, v59  }
0x71: {  	v21 =	vld.idx.msk [tilespmem:v62+s2+$0x0], $0xffff;
	v20 =	vsel vm0, $0x1, v1;
	vm0 =	vmand vm15, vm9;
	vm15 =	veq.s32 v5, v61  }
0x72: {  	v22 =	vsel vm0, $0x1, v1;
	vm0 =	vmand vm15, vm10;
	vm15 =	veq.s32 v5, v16  }
0x73: {  	v25 =	vld.idx.msk [tilespmem:v19+s2+$0x0], $0xffff;
	v10 =	vadd.s32 v17, v11;
	v23 =	vsel vm0, $0x1, v1;
	vm0 =	vmand vm15, vm11  }
0x74: {  	v7 =	vld.idx.msk [tilespmem:v7+s2+$0x0], $0xffff;
	v6 =	vadd.s32 v20, v10;
	v24 =	vsel vm0, $0x1, v1;
	vm0 =	veq.s32 v5, v18  }
0x75: {  	v6 =	vadd.s32 v22, v6;
	vm15 =	veq.s32 v5, v12;
	vm0 =	vmand vm0, vm12  }
0x76: {  	v26 =	vsel vm0, $0x1, v1;
	vm0 =	vmand vm15, vm13;
	vm15 =	veq.s32 v5, v21  }
0x77: {  	v6 =	vadd.s32 v23, v6;
	v27 =	vsel vm0, $0x1, v1;
	vm0 =	vmand vm15, vm4  }
0x78: {  	v6 =	vadd.s32 v24, v6;
	v28 =	vsel vm0, $0x1, v1;
	vm0 =	veq.s32 v5, v25  }
0x79: {  	v6 =	vadd.s32 v26, v6;
	vm15 =	veq.s32 v5, v7;
	vm0 =	vmand vm0, vm14  }
0x7a: {  	v6 =	vadd.s32 v27, v6;
	v30 =	vsel vm0, $0x1, v1;
	vm0 =	vcmask $0x3F3C  }
0x7b: {  	v7 =	vand.u32 $0x1, v29;
	v6 =	vadd.s32 v28, v6;
	vm0 =	vmand vm15, vm0  }
0x7c: {  	v7 =	vadd.s32 v7, v39;
	v6 =	vadd.s32 v30, v6;
	v31 =	vsel vm0, $0x1, v1  }
0x7d: {  	s24 =	sand.u32 $0x7000, s19;
	v7 =	vadd.s32 $0x7FFF, v7;
	v6 =	vor.u32 v31, v6  }
0x7e: {  	s25 =	sand.u32 $0x60, s20;
	s26 =	sadd.s32 @!p0 $0xFFFFFFFE, s23;
	s31 =	rddreg [dreg:$0x4];
	v7 =	vand.u32 $0xFFFF0000, v7;
	vm0 =	veq.s32 v6, $0x0  }
0x7f: {  	s28 =	sadd.s32 s3, s25;
	s22 =	sor.u32 s31, s24;
	v6 =	vmov @!p0 s26;
	v7 =	vnsel vm0, $0x0, v7  }
0x80: {  	s24 =	sadd.s32 s22, s28;
	[tilespmem:v5+s12+$0x0] =	vst.idx.add.s32.msk $0xffff, v7;
	v5 =	vand.u32 @!p0 $0xFFFFFFFE, v6  }
0x81: {  	[hbm4b:s24+s13] =	stream.strided.scatter [tilespmem:s12], [sflag:$0x1], $0x1000, s7, s13, $0x38;
	v5 =	vadd.s32 @!p0 v3, v5;
	[tilespmem:$0x4000] =	vst v63  }
0x82: {  	s24 =	simm.s32 @!p0 $0x2  }
0x83: {  	_ =	swait.ge @!p0 [sflag:s24], $0x1000  }
0x84: {  	[sflag:s24] =	ssyncset.done @!p0 $0x0  }
0x85: {  	[sflag:s24] =	ssyncadd.s32 @!p0 $0xFFFFF000  }
0x86: {  	v5 =	vld.idx.msk @!p0 [tilespmem:v5+s21+$0x0], $0xffff;
	_ =	sdelay $0x2  }
0x87: {  	s23 =	sadd.s32 @!p0 $0xFFFFFFFF, s23  }
0x88: {  	v3 =	vadd.s32 @!p0 s23, v3;
	_ =	sdelay $0x2  }
0x89: {  	s23 =	simm.s32 @!p0 $0x3000  }
0x8a: {  	[tilespmem:v5+s23+$0x0] =	vst.idx.msk @!p0 $0xffff, v4  }
0x8b: {  	v3 =	vld.idx.msk @!p0 [tilespmem:v3+s21+$0x0], $0xffff;
	_ =	sdelay $0x2  }
0x8c: {  	s29 =	sadd.s32 $0x2, s18  }
0x8d: {  	v32 =	vor.u32 s29, v2;
	_ =	sdelay $0x3  }
0x8e: {  	[tilespmem:v3+s23+$0x0] =	vst.idx.msk @!p0 $0xffff, v4  }
0x8f: {  	v3 =	vld.idx.msk [tilespmem:v32+s2+$0x0], $0xffff;
	_ =	sdelay $0x2  }
0x90: {  	v4 =	vld.idx.msk [tilespmem:v32+s10+$0x0], $0xffff;
	_ =	sdelay $0x1  }
0x91: {  	v33 =	vmov s29  }
0x92: {  	v34 =	vor.u32 $0x80, v33  }
0x93: {  	v35 =	vor.u32 $0x100, v33  }
0x94: {  	v37 =	vor.u32 $0x180, v33;
	[tilespmem:v3+s11+$0x0] =	vst.idx.add.f32.msk $0xffff, v4  }
0x95: {  	v4 =	vld.idx.msk [tilespmem:v3+s11+$0x0], $0xffff;
	[tilespmem:v3+s11+$0x0] =	vst.idx.msk $0xffff, v0  }
0x96: {  	v38 =	vor.u32 $0x200, v33;
	v36 =	vld.idx.msk [tilespmem:v33+s2+$0x0], $0xffff  }
0x97: {  	v6 =	vld.idx.msk [tilespmem:v34+s2+$0x0], $0xffff  }
0x98: {  	vm7 =	vmmov vm6;
	v39 =	vor.u32 $0x280, v33;
	v7 =	vld.idx.msk [tilespmem:v35+s2+$0x0], $0xffff  }
0x99: {  	v40 =	vor.u32 $0x300, v33;
	v42 =	vor.u32 $0x380, v33;
	v46 =	vor.u32 $0x400, v33;
	v9 =	vld.idx.msk [tilespmem:v37+s2+$0x0], $0xffff  }
0x9a: {  	v57 =	vor.u32 $0x600, v33;
	v50 =	vor.u32 $0x500, v33;
	v54 =	vor.u32 $0x580, v33  }
0x9b: {  	v48 =	vor.u32 $0x480, v33;
	vm6 =	vcmask $0x3F04;
	v41 =	vld.idx.msk [tilespmem:v38+s2+$0x0], $0xffff;
	vm0 =	veq.s32 v3, v36  }
0x9c: {  	v59 =	vor.u32 $0x680, v33;
	vm15 =	veq.s32 v3, v6;
	vm0 =	vmand vm0, vm6  }
0x9d: {  	v45 =	vld.idx.msk [tilespmem:v39+s2+$0x0], $0xffff;
	vm15 =	vmand vm15, vm1;
	v43 =	vsel vm0, $0x1, v1;
	vm0 =	veq.s32 v3, v7  }
0x9e: {  	s30 =	sadd.s32 $0x3, s18;
	v47 =	vld.idx.msk [tilespmem:v40+s2+$0x0], $0xffff;
	v44 =	vsel vm15, $0x1, v1;
	vm15 =	veq.s32 v3, v9;
	vm0 =	vmand vm0, vm3  }
0x9f: {  	v24 =	vmov s30;
	v49 =	vsel vm0, $0x1, v1;
	vm0 =	vmand vm15, vm5  }
0xa0: {  	v25 =	vand.u32 $0x7FFFFFFF, v24;
	v52 =	vld.idx.msk [tilespmem:v42+s2+$0x0], $0xffff;
	v51 =	vsel vm0, $0x1, v1;
	vm0 =	veq.s32 v3, v41  }
0xa1: {  	v27 =	vadd.s32 v2, v25;
	v5 =	vor.u32 $0x700, v33;
	vm0 =	vmand vm0, vm7  }
0xa2: {  	v56 =	vld.idx.msk [tilespmem:v46+s2+$0x0], $0xffff;
	v23 =	vshrl.u32 v4, $0x10;
	v55 =	vsel vm0, $0x1, v1;
	vm0 =	veq.s32 v3, v45  }
0xa3: {  	v58 =	vld.idx.msk [tilespmem:v48+s2+$0x0], $0xffff;
	v10 =	vadd.s32 v43, v44;
	vm15 =	veq.s32 v3, v47;
	vm0 =	vmand vm0, vm2  }
0xa4: {  	v14 =	vld.idx.msk [tilespmem:v50+s2+$0x0], $0xffff;
	v10 =	vadd.s32 v49, v10;
	v60 =	vsel vm0, $0x1, v1;
	vm0 =	vmand vm15, vm8  }
0xa5: {  	v53 =	vadd.s32 v51, v10;
	v61 =	vsel vm0, $0x1, v1;
	vm0 =	veq.s32 v3, v52  }
0xa6: {  	v63 =	vld.idx.msk [tilespmem:v54+s2+$0x0], $0xffff;
	vm6 =	vcmask $0x3F3C;
	v8 =	vadd.s32 v55, v53;
	vm0 =	vmand vm0, vm9  }
0xa7: {  	v15 =	vld.idx.msk [tilespmem:v57+s2+$0x0], $0xffff;
	v8 =	vadd.s32 v60, v8;
	v13 =	vsel vm0, $0x1, v1;
	vm0 =	veq.s32 v3, v56  }
0xa8: {  	v16 =	vld.idx.msk [tilespmem:v59+s2+$0x0], $0xffff;
	vm15 =	veq.s32 v3, v58;
	v62 =	vadd.s32 v61, v8;
	vm0 =	vmand vm0, vm10  }
0xa9: {  	v17 =	vsel vm0, $0x1, v1;
	vm0 =	vmand vm15, vm11;
	vm15 =	veq.s32 v3, v14  }
0xaa: {  	v5 =	vld.idx.msk [tilespmem:v5+s2+$0x0], $0xffff;
	v6 =	vadd.s32 v13, v62;
	v18 =	vsel vm0, $0x1, v1;
	vm0 =	vmand vm15, vm12  }
0xab: {  	v6 =	vadd.s32 v17, v6;
	v19 =	vsel vm0, $0x1, v1;
	vm0 =	veq.s32 v3, v63  }
0xac: {  	vm15 =	veq.s32 v3, v15;
	v6 =	vadd.s32 v18, v6;
	vm0 =	vmand vm0, vm13  }
0xad: {  	v20 =	vsel vm0, $0x1, v1;
	vm0 =	vmand vm15, vm4;
	vm15 =	veq.s32 v3, v16  }
0xae: {  	v6 =	vadd.s32 v19, v6;
	v21 =	vsel vm0, $0x1, v1;
	vm0 =	vmand vm15, vm14  }
0xaf: {  	v6 =	vadd.s32 v20, v6;
	v22 =	vsel vm0, $0x1, v1;
	vm0 =	veq.s32 v3, v5  }
0xb0: {  	v6 =	vadd.s32 v21, v6;
	v5 =	vand.u32 $0x1, v23;
	vm0 =	vmand vm0, vm6  }
0xb1: {  	v6 =	vadd.s32 v22, v6;
	v4 =	vadd.s32 v5, v4;
	v26 =	vsel vm0, $0x1, v1  }
0xb2: {  	v4 =	vadd.s32 $0x7FFF, v4;
	v6 =	vor.u32 v26, v6  }
0xb3: {  	v4 =	vshrl.u32 v4, $0x10;
	vm0 =	veq.s32 v6, $0x0  }
0xb4: {  	v4 =	vnsel vm0, $0x0, v4  }
0xb5: {  	[tilespmem:v3+s14+$0x0] =	vst.idx.add.s32.msk $0xffff, v4  }
0xb6: {  	v3 =	vld.idx.msk [tilespmem:v27+s2+$0x0], $0xffff;
	_ =	sdelay $0x2  }
0xb7: {  	v4 =	vld.idx.msk [tilespmem:v27+s10+$0x0], $0xffff;
	_ =	sdelay $0x2  }
0xb8: {  	v28 =	vadd.s32 $0x80, v25;
	_ =	sdelay $0x1  }
0xb9: {  	v29 =	vadd.s32 $0x100, v25;
	[tilespmem:v3+s11+$0x0] =	vst.idx.add.f32.msk $0xffff, v4  }
0xba: {  	v30 =	vadd.s32 $0x180, v25;
	v4 =	vld.idx.msk [tilespmem:v3+s11+$0x0], $0xffff;
	[tilespmem:v3+s11+$0x0] =	vst.idx.msk $0xffff, v0  }
0xbb: {  	v7 =	vld.idx.msk [tilespmem:v24+s2+$0x0], $0xffff  }
0xbc: {  	v31 =	vadd.s32 $0x200, v25;
	v5 =	vld.idx.msk [tilespmem:v28+s2+$0x0], $0xffff  }
0xbd: {  	v32 =	vadd.s32 $0x280, v25  }
0xbe: {  	v33 =	vadd.s32 $0x300, v25;
	v34 =	vadd.s32 $0x380, v25;
	v38 =	vadd.s32 $0x400, v25;
	v6 =	vld.idx.msk [tilespmem:v29+s2+$0x0], $0xffff  }
0xbf: {  	v39 =	vadd.s32 $0x480, v25;
	v50 =	vadd.s32 $0x700, v25;
	v43 =	vadd.s32 $0x580, v25;
	v9 =	vld.idx.msk [tilespmem:v30+s2+$0x0], $0xffff  }
0xc0: {  	v47 =	vadd.s32 $0x680, v25;
	v41 =	vadd.s32 $0x500, v25;
	v45 =	vadd.s32 $0x600, v25  }
0xc1: {  	vm6 =	vcmask $0x3F04;
	v10 =	vld.idx.msk [tilespmem:v31+s2+$0x0], $0xffff;
	vm0 =	veq.s32 v3, v7;
	vm15 =	veq.s32 v3, v5  }
0xc2: {  	v37 =	vld.idx.msk [tilespmem:v32+s2+$0x0], $0xffff;
	v61 =	vshrl.u32 v4, $0x10;
	vm0 =	vmand vm0, vm6;
	vm15 =	vmand vm15, vm1  }
0xc3: {  	v5 =	vld.idx.msk [tilespmem:v33+s2+$0x0], $0xffff;
	vm1 =	vcmask $0x3F3C;
	v35 =	vsel vm0, $0x1, v1;
	vm0 =	veq.s32 v3, v6  }
0xc4: {  	v36 =	vsel vm15, $0x1, v1;
	vm15 =	veq.s32 v3, v9;
	vm0 =	vmand vm0, vm3  }
0xc5: {  	v7 =	vld.idx.msk [tilespmem:v34+s2+$0x0], $0xffff;
	v12 =	vadd.s32 v35, v36;
	v40 =	vsel vm0, $0x1, v1;
	vm0 =	vmand vm15, vm5  }
0xc6: {  	v44 =	vld.idx.msk [tilespmem:v38+s2+$0x0], $0xffff;
	v12 =	vadd.s32 v40, v12;
	v42 =	vsel vm0, $0x1, v1;
	vm0 =	veq.s32 v3, v10  }
0xc7: {  	v9 =	vld.idx.msk [tilespmem:v39+s2+$0x0], $0xffff;
	vm15 =	veq.s32 v3, v37;
	v12 =	vadd.s32 v42, v12;
	vm0 =	vmand vm0, vm7  }
0xc8: {  	v46 =	vsel vm0, $0x1, v1;
	vm0 =	vmand vm15, vm2;
	vm15 =	veq.s32 v3, v5  }
0xc9: {  	v49 =	vld.idx.msk [tilespmem:v41+s2+$0x0], $0xffff;
	v12 =	vadd.s32 v46, v12;
	v48 =	vsel vm0, $0x1, v1;
	vm15 =	vmand vm15, vm8  }
0xca: {  	v10 =	vld.idx.msk [tilespmem:v43+s2+$0x0], $0xffff;
	vm0 =	veq.s32 v3, v7;
	v5 =	vadd.s32 v48, v12;
	v51 =	vsel vm15, $0x1, v1  }
0xcb: {  	v53 =	vld.idx.msk [tilespmem:v45+s2+$0x0], $0xffff;
	vm0 =	vmand vm0, vm9;
	vm15 =	veq.s32 v3, v44;
	v5 =	vadd.s32 v51, v5  }
0xcc: {  	v54 =	vld.idx.msk [tilespmem:v47+s2+$0x0], $0xffff;
	v52 =	vsel vm0, $0x1, v1;
	vm0 =	vmand vm15, vm10;
	vm15 =	veq.s32 v3, v9  }
0xcd: {  	v5 =	vadd.s32 v52, v5;
	v55 =	vsel vm0, $0x1, v1;
	vm15 =	vmand vm15, vm11  }
0xce: {  	v7 =	vld.idx.msk [tilespmem:v50+s2+$0x0], $0xffff;
	vm0 =	veq.s32 v3, v49;
	v5 =	vadd.s32 v55, v5;
	v56 =	vsel vm15, $0x1, v1  }
0xcf: {  	vm0 =	vmand vm0, vm12;
	vm15 =	veq.s32 v3, v10;
	v5 =	vadd.s32 v56, v5  }
0xd0: {  	v57 =	vsel vm0, $0x1, v1;
	vm0 =	vmand vm15, vm13;
	vm15 =	veq.s32 v3, v53  }
0xd1: {  	v58 =	vsel vm0, $0x1, v1;
	vm0 =	vmand vm15, vm4;
	vm15 =	veq.s32 v3, v54  }
0xd2: {  	v5 =	vadd.s32 v57, v5;
	v59 =	vsel vm0, $0x1, v1;
	vm0 =	vmand vm15, vm14  }
0xd3: {  	v5 =	vadd.s32 v58, v5;
	v60 =	vsel vm0, $0x1, v1;
	vm0 =	veq.s32 v3, v7  }
0xd4: {  	s18 =	sadd.s32 $0x4, s18;
	v62 =	vand.u32 $0x1, v61;
	v5 =	vadd.s32 v59, v5;
	vm0 =	vmand vm0, vm1  }
0xd5: {  	p0 =	sne.s32 s18, $0x80;
	v4 =	vadd.s32 v62, v4;
	v5 =	vadd.s32 v60, v5;
	v63 =	vsel vm0, $0x1, v1  }
.Ltmp1:
0xd6: {  	v4 =	vadd.s32 $0x7FFF, v4;
	v5 =	vor.u32 v63, v5;
	(pc) =	sbr.rel @p0 .LBB2_4-.Ltmp1, $4  }
0xd7: {  	s31 =	sadd.s32 $0x10, s20;
	v4 =	vand.u32 $0xFFFF0000, v4;
	vm0 =	veq.s32 v5, $0x0  }
0xd8: {  	s22 =	sadd.s32 s3, s22;
	s21 =	sand.u32 $0x70, s31;
	v4 =	vnsel vm0, $0x0, v4  }
0xd9: {  	s19 =	sadd.s32 $0x400, s19;
	s20 =	sadd.s32 $0x20, s20;
	s21 =	sadd.s32 s21, s22;
	[tilespmem:v3+s14+$0x0] =	vst.idx.add.s32.msk $0xffff, v4  }
0xda: {  	vm0 =	vcmask $0x3F04;
	[hbm4b:s21+s13] =	stream.strided.scatter [tilespmem:s14], [sflag:$0x2], $0x1000, s7, s13, $0x38;
	[tilespmem:$0x4000] =	vst v63  }
0xdb: {  	s17 =	sadd.s32 $0x1, s17  }
0xdc: {  	_ =	swait.ge [sflag:s15], $0x1000;
	p0 =	sne.s32 s17, s6  }
.Ltmp2:
0xdd: {  	[sflag:s15] =	ssyncset.done $0x0;
	(pc) =	sbr.rel @p0 .LBB2_1-.Ltmp2, $4  }
0xde: {  	[sflag:s15] =	ssyncadd.s32 $0xFFFFF000  }
0xdf: {  	_ =	swait.ge [sflag:s16], $0x1000  }
0xe0: {  	[sflag:s16] =	ssyncset.done $0x0  }
0xe1: {  	[sflag:s16] =	ssyncadd.s32 $0xFFFFF000  }
0xe2: {  	_ =	sfence.sel $0x180000  }
0xe3: {  	[bflag:$0x0] =	sbarrier.arrive $0xFFFF  }
0xe4: {  	p0 =	sne.s32 s1, $0x0;
	_ =	strace $0x90000047  }
0xe5: {  	s0 =	sadd.s32 @!p0 $0x100000, s0;
	[bflag:$0x2] =	sbarrier.arrive $0xFFFF  }
0xe6: {  	[sflag:s0] =	ssyncadd.tile.s32 @!p0 $0x1;
	_ =	shalt  }
.Lfunc_end2:
_tile_overlayer_lowered:
.L_overlay_start_2:
0xe7: {  	(tag) =	ssettag $0x2  }
0xe8: {  	s0 =	rddreg [dreg:$0x0];
	s2 =	stileid.u32  }
0xe9: {  	s1 =	rddreg [dreg:$0x1];
	p0 =	sne.s32 s2, $0x0  }
0xea: {  	s3 =	rddreg [dreg:$0x2];
	[bflag:$0x3] =	sbarrier.arrive $0xFFFF;
	s2 =	simm.s32 @!p0 $0x1C03  }
0xeb: {  	[timem:s3], [sflag:s2] =	dma.local @!p0 [hbm:s0], s1  }
0xec: {  	s0 =	simm.s32 @!p0 $0x3  }
0xed: {  	_ =	swait.ge @!p0 [sflag:s0], s1  }
0xee: {  	s1 =	ssub.s32 @!p0 $0x0, s1;
	[sflag:s0] =	ssyncset.done @!p0 $0x0  }
0xef: {  	[sflag:s0] =	ssyncadd.s32 @!p0 s1  }
0xf0: {  	[bflag:$0x3] =	sbarrier.arrive $0xFFFF  }
0xf1: {  	_ =	shalt  }

</sc_bundles>
